<compile_context>
chip_gen: v7x
topology: tpu7x:2x2x1
jax: 0.10.2.dev20260603
libtpu: 0.0.44.dev20260713+nightly
codegen_flags: <defaults>
</compile_context>

<pallas_src>
import functools

import jax
import jax.numpy as jnp
from jax import lax
from jax.experimental import pallas as pl
from jax.experimental.pallas import tpu as pltpu
from jax.experimental.pallas import tpu_sc as plsc

_N = 10000
_E = 160000
_NIN = 128
_CB = 32
_K = 27

_NC = 2
_NS = 16
_NW = _NC * _NS
_GB = 128
_EPT_G = -(-_E // (_NW * _GB))
_NG = _EPT_G
_EPAD = _NW * _NG * _GB
_RPT = 632
_NACC = _RPT * _NS
_NBUF = 6
_SLAG = 2

_BM = 1000


def _expand_body(x_ref, w1_ref, b1_ref, w2c_ref, g_ref):
    h = jnp.dot(x_ref[...], w1_ref[...], preferred_element_type=jnp.float32)
    h = jnp.maximum(h + b1_ref[...], 0.0)
    g = jnp.dot(h, w2c_ref[...], preferred_element_type=jnp.float32)
    g_ref[...] = g.astype(jnp.bfloat16)


_expand = pl.pallas_call(
    _expand_body,
    grid=(_N // _BM,),
    in_specs=[
        pl.BlockSpec((_BM, _NIN), lambda i: (i, 0)),
        pl.BlockSpec((_NIN, _CB), lambda i: (0, 0)),
        pl.BlockSpec((1, _CB), lambda i: (0, 0)),
        pl.BlockSpec((_CB, _K * _CB), lambda i: (0, 0)),
    ],
    out_specs=pl.BlockSpec((_BM, _K * _CB), lambda i: (i, 0)),
    out_shape=jax.ShapeDtypeStruct((_N, _K * _CB), jnp.bfloat16),
)


def _combine_body(p_ref, b2_ref, x_ref, w3_ref, b3_ref, o_ref):
    s = (p_ref[0].astype(jnp.float32) + p_ref[1].astype(jnp.float32)
         + b2_ref[...])
    h2 = jnp.maximum(s, 0.0)
    h3 = jnp.dot(h2, w3_ref[...], preferred_element_type=jnp.float32)
    h3 = h3 + b3_ref[...]
    o_ref[...] = jnp.maximum((h3 + x_ref[...]) * 0.5, 0.0)


_combine = pl.pallas_call(
    _combine_body,
    grid=(_N // _BM,),
    in_specs=[
        pl.BlockSpec((_NC, _BM, _CB), lambda i: (0, i, 0)),
        pl.BlockSpec((1, _CB), lambda i: (0, 0)),
        pl.BlockSpec((_BM, _NIN), lambda i: (i, 0)),
        pl.BlockSpec((_CB, _NIN), lambda i: (0, 0)),
        pl.BlockSpec((1, _NIN), lambda i: (0, 0)),
    ],
    out_specs=pl.BlockSpec((_BM, _NIN), lambda i: (i, 0)),
    out_shape=jax.ShapeDtypeStruct((_N, _NIN), jnp.float32),
)


_mesh = plsc.VectorSubcoreMesh(core_axis_name="c", subcore_axis_name="s")


@functools.partial(
    pl.kernel,
    out_type=jax.ShapeDtypeStruct((_NC, _NACC, _CB), jnp.bfloat16),
    mesh=_mesh,
    scratch_types=[
        pltpu.VMEM((_NG, _GB), jnp.int32),
        pltpu.VMEM((_NG, _GB), jnp.int32),
        pltpu.VMEM((_NBUF, _GB, _CB), jnp.bfloat16),
        pltpu.VMEM((_RPT, _CB), jnp.bfloat16),
        pltpu.VMEM_SHARED((_NACC, _CB), jnp.bfloat16),
        pltpu.SemaphoreType.DMA,
        pltpu.SemaphoreType.DMA,
        pltpu.SemaphoreType.DMA,
    ],
    compiler_params=pltpu.CompilerParams(use_tc_tiling_on_sc=False),
)
def _sc_scatter(table, gidx, dst, out, gidx_v, dst_v, rows_v, stage_v,
                acc_sh, lsem, gsem, ssem):
    c = lax.axis_index("c")
    s = lax.axis_index("s")
    w = c * _NS + s

    def _z(i, carry):
        stage_v[i, :] = jnp.zeros((_CB,), jnp.bfloat16)
        return carry
    lax.fori_loop(0, _RPT, _z, 0)
    pltpu.sync_copy(stage_v, acc_sh.at[pl.ds(s * _RPT, _RPT)])

    pltpu.async_copy(gidx.at[w], gidx_v, lsem)
    pltpu.async_copy(dst.at[w], dst_v, lsem).wait()
    pltpu.make_async_copy(gidx.at[w], gidx_v, lsem).wait()
    plsc.subcore_barrier()

    gds = [None] * _NG
    sds = [None] * _NG
    for b in range(min(_NBUF - _SLAG, _NG)):
        gds[b] = pltpu.async_copy(
            table.at[gidx_v.at[b]], rows_v.at[b % _NBUF], gsem)
    for g in range(_NG):
        buf = g % _NBUF
        gds[g].wait()
        sds[g] = pltpu.async_copy(
            rows_v.at[buf], acc_sh.at[dst_v.at[g]], ssem, add=True)
        nx = g + _NBUF - _SLAG
        if nx < _NG:
            prev = nx - _NBUF
            if prev >= 0:
                sds[prev].wait()
            gds[nx] = pltpu.async_copy(
                table.at[gidx_v.at[nx]], rows_v.at[nx % _NBUF], gsem)
    for g in range(max(0, _NG - _NBUF), _NG):
        sds[g].wait()

    plsc.subcore_barrier()

    pltpu.sync_copy(acc_sh.at[pl.ds(s * _RPT, _RPT)], stage_v)
    pltpu.sync_copy(stage_v, out.at[c, pl.ds(s * _RPT, _RPT)])


def kernel(x, W1, b1, W2, b2, W3, b3, edge_src, edge_dst, edge_kidx):
    w2cat = jnp.transpose(W2, (1, 0, 2)).reshape(_CB, _K * _CB)
    table = _expand(x, W1, b1.reshape(1, _CB), w2cat)

    pad = _EPAD - _E
    gidx = edge_src * _K + edge_kidx
    gidx = jnp.concatenate([gidx, jnp.zeros((pad,), jnp.int32)])
    pad_dst = _N + (jnp.arange(pad, dtype=jnp.int32) % (_NACC - _N))
    dstp = jnp.concatenate([edge_dst, pad_dst])
    gidx = gidx.reshape(_NW, _NG, _GB)
    dstp = dstp.reshape(_NW, _NG, _GB)

    parts = _sc_scatter(table.reshape(_N * _K, _CB), gidx, dstp)

    return _combine(parts[:, :_N, :], b2.reshape(1, _CB), x, W3,
                    b3.reshape(1, _NIN))

# --- scband reference (transcript-rebuilt; emitter-appended) ---
"""Pipeline reference for scband-minkowski-resblock-15479062134889 (READ-ONLY COPY).

The authoritative reference and input builder live on the scoring server;
editing this copy changes nothing except your own understanding.
"""

import jax, jax.numpy as jnp
import numpy as np

N = 10000      # active sparse voxels (coordinates)
E = 160000     # kernel-map pairs (in_idx, out_idx, kernel_offset)
NIN = 128
NOUT = 128
CB = 32        # bottleneck channels = nout // 4
K = 27         # 3x3x3 kernel offsets (is_3d=True)


def setup_inputs(seed: int = 0) -> dict:
    key = jax.random.key(seed)
    ks = jax.random.split(key, 8)
    x = jax.random.normal(ks[0], (N, NIN), dtype=jnp.float32)
    edge_src = jax.random.randint(ks[1], (E,), 0, N, dtype=jnp.int32)
    edge_dst = jax.random.randint(ks[2], (E,), 0, N, dtype=jnp.int32)
    edge_kidx = jax.random.randint(ks[3], (E,), 0, K, dtype=jnp.int32)
    # block1: 1x1 conv nin->cb (dense matmul on sparse features)
    W1 = jax.random.normal(ks[4], (NIN, CB), dtype=jnp.float32) / np.sqrt(NIN)
    b1 = jnp.zeros((CB,), dtype=jnp.float32)
    # block2: 3x3x3 sparse conv cb->cb, one weight matrix per kernel offset
    W2 = jax.random.normal(ks[5], (K, CB, CB), dtype=jnp.float32) / np.sqrt(CB * K)
    b2 = jnp.zeros((CB,), dtype=jnp.float32)
    # block3: 1x1 conv cb->nout
    W3 = jax.random.normal(ks[6], (CB, NOUT), dtype=jnp.float32) / np.sqrt(CB)
    b3 = jnp.zeros((NOUT,), dtype=jnp.float32)
    return {"x": x, "W1": W1, "b1": b1, "W2": W2, "b2": b2,
            "W3": W3, "b3": b3, "edge_src": edge_src,
            "edge_dst": edge_dst, "edge_kidx": edge_kidx}


def reference(x, W1, b1, W2, b2, W3, b3, edge_src, edge_dst, edge_kidx):
    # block1: MinkowskiConvolution kernel_size=1 (+bias) + ReLU == per-point matmul
    h = jax.nn.relu(x @ W1 + b1)
    # block2: MinkowskiConvolution kernel_size=3 (+bias) + ReLU.
    # Sparse conv via precomputed kernel map: out[n] = sum_k W2[k]^T * sum_{(s,n) in map_k} h[s]
    # Gather source features, scatter-add into per-kernel-offset accumulators, then batched matmul.
    gathered = jnp.take(h, edge_src, axis=0)                       # [E, CB] gather
    agg = jnp.zeros((K, N, CB), dtype=h.dtype).at[edge_kidx, edge_dst].add(gathered)  # scatter-add
    h2 = jax.nn.relu(jnp.einsum('knc,kco->no', agg, W2) + b2)
    # block3: 1x1 conv, no activation
    h3 = h2 @ W3 + b3
    # nin == nout -> block4 is None; skip connection is identity (same coords, stride=1)
    out = jax.nn.relu((h3 + x) / 2.0)
    return out

if __name__ == "__main__":
    import jax
    _d = setup_inputs()
    print(jax.jit(kernel)(*tuple(_d.values())))

</pallas_src>

<mosaic_0001>
#map = affine_map<(d0, d1) -> (0, 0)>
#map1 = affine_map<(d0, d1) -> (0, 0, 0)>
module attributes {stable_mosaic.version = 14 : i64} {
  func.func @_sc_scatter(%arg0: i32, %arg1: i32, %arg2: memref<270000x32xbf16, #tpu.memory_space<hbm>>, %arg3: memref<32x40x128xi32, #tpu.memory_space<hbm>>, %arg4: memref<32x40x128xi32, #tpu.memory_space<hbm>>, %arg5: memref<2x10112x32xbf16, #tpu.memory_space<hbm>>, %arg6: memref<40x128xi32, #tpu.memory_space<vmem>>, %arg7: memref<40x128xi32, #tpu.memory_space<vmem>>, %arg8: memref<6x128x32xbf16, #tpu.memory_space<vmem>>, %arg9: memref<632x32xbf16, #tpu.memory_space<vmem>>, %arg10: memref<10112x32xbf16, #tpu.memory_space<vmem_shared>>, %arg11: memref<!tpu.dma_semaphore, #tpu.memory_space<semaphore_mem>>, %arg12: memref<!tpu.dma_semaphore, #tpu.memory_space<semaphore_mem>>, %arg13: memref<!tpu.dma_semaphore, #tpu.memory_space<semaphore_mem>>) attributes {dimension_semantics = [#tpu.dimension_semantics<core_parallel>, #tpu.dimension_semantics<subcore_parallel>], iteration_bounds = array<i64: 2, 16>, scalar_prefetch = 0 : i64, scratch_operands = 8 : i64, tpu.core_type = #tpu.core_type<sc_vector_subcore>, window_params = [{transform_indices = #map}, {transform_indices = #map1}, {transform_indices = #map1}, {transform_indices = #map1}]} {
    %mul3A = arith.constant 16 : i32
    %mul3A_0 = arith.muli %arg0, %mul3A : i32
    %add3A = arith.addi %mul3A_0, %arg1 : i32
    %scan3A = arith.constant 0 : i32
    %scan3A_1 = arith.constant 0 : i32
    %scan3A_2 = arith.constant 632 : i32
    %scan3A_3 = arith.addi %scan3A_1, %scan3A_2 : i32
    %scan3A_4 = arith.constant 1 : i32
    scf.for %scan3A_1963 = %scan3A_1 to %scan3A_3 step %scan3A_4  : i32 {
      %broadcast_in_dim3A = arith.constant 0.000000e+00 : bf16
      %broadcast_in_dim3A_1964 = vector.broadcast %broadcast_in_dim3A : bf16 to vector<32xbf16>
      %swap3A = arith.index_cast %scan3A_1963 : i32 to index
      %swap3A_1965 = arith.constant 0 : index
      %swap3A_1966 = tpu.vector_load %arg9[%swap3A, %swap3A_1965] {strides = array<i32>} : memref<632x32xbf16, #tpu.memory_space<vmem>>, vector<1x32xbf16>,
      %swap3A_1967 = vector.shape_cast %swap3A_1966 : vector<1x32xbf16> to vector<32xbf16>
      %swap3A_1968 = vector.shape_cast %broadcast_in_dim3A_1964 : vector<32xbf16> to vector<1x32xbf16>
      tpu.vector_store %arg9[%swap3A, %swap3A_1965], %swap3A_1968 {strides = array<i32>} : memref<632x32xbf16, #tpu.memory_space<vmem>>, vector<1x32xbf16>,
    }
    %scan3A_5 = arith.constant 632 : i32
    %mul3A_6 = arith.constant 632 : i32
    %mul3A_7 = arith.muli %arg1, %mul3A_6 : i32
    "tpu.region"() ({
      %run_scoped3A = tpu.sem_alloc : memref<!tpu.dma_semaphore, #tpu.memory_space<semaphore_mem>>
      %dma_start3A_1963 = arith.constant 0 : i32
      %dma_start3A_1964 = tpu.memref_slice %arg10[%mul3A_7, %dma_start3A_1963] : memref<10112x32xbf16, #tpu.memory_space<vmem_shared>> -> memref<632x32xbf16, #tpu.memory_space<vmem_shared>>
      %dma_start3A_1965 = arith.constant 0 : i32
      %dma_start3A_1966 = tpu.memref_slice %arg10[%mul3A_7, %dma_start3A_1965] : memref<10112x32xbf16, #tpu.memory_space<vmem_shared>> -> memref<632x32xbf16, #tpu.memory_space<vmem_shared>>
      tpu.enqueue_dma source(%arg9 : memref<632x32xbf16, #tpu.memory_space<vmem>>) target(%dma_start3A_1966 : memref<632x32xbf16, #tpu.memory_space<vmem_shared>>) target_semaphore(%run_scoped3A : memref<!tpu.dma_semaphore, #tpu.memory_space<semaphore_mem>>)
      %dma_wait3A_1967 = arith.constant 0 : i32
      %dma_wait3A_1968 = tpu.memref_slice %arg10[%mul3A_7, %dma_wait3A_1967] : memref<10112x32xbf16, #tpu.memory_space<vmem_shared>> -> memref<632x32xbf16, #tpu.memory_space<vmem_shared>>
      %dma_wait3A_1969 = arith.constant 0 : i32
      %dma_wait3A_1970 = tpu.memref_slice %arg10[%mul3A_7, %dma_wait3A_1969] : memref<10112x32xbf16, #tpu.memory_space<vmem_shared>> -> memref<632x32xbf16, #tpu.memory_space<vmem_shared>>
      tpu.wait_dma2 semaphore(%run_scoped3A : memref<!tpu.dma_semaphore, #tpu.memory_space<semaphore_mem>>) src(%arg9 : memref<632x32xbf16, #tpu.memory_space<vmem>>) dst(%dma_wait3A_1970 : memref<632x32xbf16, #tpu.memory_space<vmem_shared>>)
      tpu.yield
    }) : () -> ()
    %dma_start3A = arith.constant 0 : i32
    %dma_start3A_8 = arith.constant 0 : i32
    %dma_start3A_9 = tpu.memref_slice %arg3[%add3A, %dma_start3A, %dma_start3A_8] : memref<32x40x128xi32, #tpu.memory_space<hbm>> -> memref<1x40x128xi32, #tpu.memory_space<hbm>>
    %dma_start3A_10 = tpu.memref_squeeze %dma_start3A_9 : memref<1x40x128xi32, #tpu.memory_space<hbm>> -> memref<40x128xi32, #tpu.memory_space<hbm>>
    %dma_start3A_11 = arith.constant 0 : i32
    %dma_start3A_12 = arith.constant 0 : i32
    %dma_start3A_13 = tpu.memref_slice %arg3[%add3A, %dma_start3A_11, %dma_start3A_12] : memref<32x40x128xi32, #tpu.memory_space<hbm>> -> memref<1x40x128xi32, #tpu.memory_space<hbm>>
    %dma_start3A_14 = tpu.memref_squeeze %dma_start3A_13 : memref<1x40x128xi32, #tpu.memory_space<hbm>> -> memref<40x128xi32, #tpu.memory_space<hbm>>
    tpu.enqueue_dma source(%dma_start3A_14 : memref<40x128xi32, #tpu.memory_space<hbm>>) target(%arg6 : memref<40x128xi32, #tpu.memory_space<vmem>>) target_semaphore(%arg11 : memref<!tpu.dma_semaphore, #tpu.memory_space<semaphore_mem>>)
    %dma_start3A_15 = arith.constant 0 : i32
    %dma_start3A_16 = arith.constant 0 : i32
    %dma_start3A_17 = tpu.memref_slice %arg4[%add3A, %dma_start3A_15, %dma_start3A_16] : memref<32x40x128xi32, #tpu.memory_space<hbm>> -> memref<1x40x128xi32, #tpu.memory_space<hbm>>
    %dma_start3A_18 = tpu.memref_squeeze %dma_start3A_17 : memref<1x40x128xi32, #tpu.memory_space<hbm>> -> memref<40x128xi32, #tpu.memory_space<hbm>>
    %dma_start3A_19 = arith.constant 0 : i32
    %dma_start3A_20 = arith.constant 0 : i32
    %dma_start3A_21 = tpu.memref_slice %arg4[%add3A, %dma_start3A_19, %dma_start3A_20] : memref<32x40x128xi32, #tpu.memory_space<hbm>> -> memref<1x40x128xi32, #tpu.memory_space<hbm>>
    %dma_start3A_22 = tpu.memref_squeeze %dma_start3A_21 : memref<1x40x128xi32, #tpu.memory_space<hbm>> -> memref<40x128xi32, #tpu.memory_space<hbm>>
    tpu.enqueue_dma source(%dma_start3A_22 : memref<40x128xi32, #tpu.memory_space<hbm>>) target(%arg7 : memref<40x128xi32, #tpu.memory_space<vmem>>) target_semaphore(%arg11 : memref<!tpu.dma_semaphore, #tpu.memory_space<semaphore_mem>>)
    %dma_wait3A = arith.constant 0 : i32
    %dma_wait3A_23 = arith.constant 0 : i32
    %dma_wait3A_24 = tpu.memref_slice %arg4[%add3A, %dma_wait3A, %dma_wait3A_23] : memref<32x40x128xi32, #tpu.memory_space<hbm>> -> memref<1x40x128xi32, #tpu.memory_space<hbm>>
    %dma_wait3A_25 = tpu.memref_squeeze %dma_wait3A_24 : memref<1x40x128xi32, #tpu.memory_space<hbm>> -> memref<40x128xi32, #tpu.memory_space<hbm>>
    %dma_wait3A_26 = arith.constant 0 : i32
    %dma_wait3A_27 = arith.constant 0 : i32
    %dma_wait3A_28 = tpu.memref_slice %arg4[%add3A, %dma_wait3A_26, %dma_wait3A_27] : memref<32x40x128xi32, #tpu.memory_space<hbm>> -> memref<1x40x128xi32, #tpu.memory_space<hbm>>
    %dma_wait3A_29 = tpu.memref_squeeze %dma_wait3A_28 : memref<1x40x128xi32, #tpu.memory_space<hbm>> -> memref<40x128xi32, #tpu.memory_space<hbm>>
    tpu.wait_dma2 semaphore(%arg11 : memref<!tpu.dma_semaphore, #tpu.memory_space<semaphore_mem>>) src(%dma_wait3A_29 : memref<40x128xi32, #tpu.memory_space<hbm>>) dst(%arg7 : memref<40x128xi32, #tpu.memory_space<vmem>>)
    %dma_wait3A_30 = arith.constant 0 : i32
    %dma_wait3A_31 = arith.constant 0 : i32
    %dma_wait3A_32 = tpu.memref_slice %arg3[%add3A, %dma_wait3A_30, %dma_wait3A_31] : memref<32x40x128xi32, #tpu.memory_space<hbm>> -> memref<1x40x128xi32, #tpu.memory_space<hbm>>
    %dma_wait3A_33 = tpu.memref_squeeze %dma_wait3A_32 : memref<1x40x128xi32, #tpu.memory_space<hbm>> -> memref<40x128xi32, #tpu.memory_space<hbm>>
    %dma_wait3A_34 = arith.constant 0 : i32
    %dma_wait3A_35 = arith.constant 0 : i32
    %dma_wait3A_36 = tpu.memref_slice %arg3[%add3A, %dma_wait3A_34, %dma_wait3A_35] : memref<32x40x128xi32, #tpu.memory_space<hbm>> -> memref<1x40x128xi32, #tpu.memory_space<hbm>>
    %dma_wait3A_37 = tpu.memref_squeeze %dma_wait3A_36 : memref<1x40x128xi32, #tpu.memory_space<hbm>> -> memref<40x128xi32, #tpu.memory_space<hbm>>
    tpu.wait_dma2 semaphore(%arg11 : memref<!tpu.dma_semaphore, #tpu.memory_space<semaphore_mem>>) src(%dma_wait3A_37 : memref<40x128xi32, #tpu.memory_space<hbm>>) dst(%arg6 : memref<40x128xi32, #tpu.memory_space<vmem>>)
    %barrier3A = arith.constant 0 : index
    tpu.barrier barrier_id(%barrier3A)
    %dma_start3A_38 = arith.constant 0 : i32
    %dma_start3A_39 = arith.constant 0 : i32
    %dma_start3A_40 = arith.constant 0 : i32
    %dma_start3A_41 = arith.constant 0 : i32
    %dma_start3A_42 = tpu.memref_slice %arg8[%dma_start3A_39, %dma_start3A_40, %dma_start3A_41] : memref<6x128x32xbf16, #tpu.memory_space<vmem>> -> memref<1x128x32xbf16, #tpu.memory_space<vmem>>
    %dma_start3A_43 = tpu.memref_squeeze %dma_start3A_42 : memref<1x128x32xbf16, #tpu.memory_space<vmem>> -> memref<128x32xbf16, #tpu.memory_space<vmem>>
    %dma_start3A_44 = arith.constant 0 : i32
    %dma_start3A_45 = tpu.memref_slice %arg6[%dma_start3A_38, %dma_start3A_44] : memref<40x128xi32, #tpu.memory_space<vmem>> -> memref<1x128xi32, #tpu.memory_space<vmem>>
    %dma_start3A_46 = tpu.memref_squeeze %dma_start3A_45 : memref<1x128xi32, #tpu.memory_space<vmem>> -> memref<128xi32, #tpu.memory_space<vmem>>
    %dma_start3A_47 = arith.constant 0 : i32
    %dma_start3A_48 = arith.constant 0 : i32
    %dma_start3A_49 = tpu.memref_slice %arg2[%dma_start3A_47, %dma_start3A_48] : memref<270000x32xbf16, #tpu.memory_space<hbm>> -> memref<270000x32xbf16, #tpu.memory_space<hbm>>
    tpu.enqueue_indirect_dma source(%dma_start3A_49 : memref<270000x32xbf16, #tpu.memory_space<hbm>>) target(%dma_start3A_43 : memref<128x32xbf16, #tpu.memory_space<vmem>>) offsets(%dma_start3A_46 : memref<128xi32, #tpu.memory_space<vmem>>) semaphore(%arg12 : memref<!tpu.dma_semaphore, #tpu.memory_space<semaphore_mem>>)
    %dma_start3A_50 = arith.constant 1 : i32
    %dma_start3A_51 = arith.constant 1 : i32
    %dma_start3A_52 = arith.constant 0 : i32
    %dma_start3A_53 = arith.constant 0 : i32
    %dma_start3A_54 = tpu.memref_slice %arg8[%dma_start3A_51, %dma_start3A_52, %dma_start3A_53] : memref<6x128x32xbf16, #tpu.memory_space<vmem>> -> memref<1x128x32xbf16, #tpu.memory_space<vmem>>
    %dma_start3A_55 = tpu.memref_squeeze %dma_start3A_54 : memref<1x128x32xbf16, #tpu.memory_space<vmem>> -> memref<128x32xbf16, #tpu.memory_space<vmem>>
    %dma_start3A_56 = arith.constant 0 : i32
    %dma_start3A_57 = tpu.memref_slice %arg6[%dma_start3A_50, %dma_start3A_56] : memref<40x128xi32, #tpu.memory_space<vmem>> -> memref<1x128xi32, #tpu.memory_space<vmem>>
    %dma_start3A_58 = tpu.memref_squeeze %dma_start3A_57 : memref<1x128xi32, #tpu.memory_space<vmem>> -> memref<128xi32, #tpu.memory_space<vmem>>
    %dma_start3A_59 = arith.constant 0 : i32
    %dma_start3A_60 = arith.constant 0 : i32
    %dma_start3A_61 = tpu.memref_slice %arg2[%dma_start3A_59, %dma_start3A_60] : memref<270000x32xbf16, #tpu.memory_space<hbm>> -> memref<270000x32xbf16, #tpu.memory_space<hbm>>
    tpu.enqueue_indirect_dma source(%dma_start3A_61 : memref<270000x32xbf16, #tpu.memory_space<hbm>>) target(%dma_start3A_55 : memref<128x32xbf16, #tpu.memory_space<vmem>>) offsets(%dma_start3A_58 : memref<128xi32, #tpu.memory_space<vmem>>) semaphore(%arg12 : memref<!tpu.dma_semaphore, #tpu.memory_space<semaphore_mem>>)
    %dma_start3A_62 = arith.constant 2 : i32
    %dma_start3A_63 = arith.constant 2 : i32
    %dma_start3A_64 = arith.constant 0 : i32
    %dma_start3A_65 = arith.constant 0 : i32
    %dma_start3A_66 = tpu.memref_slice %arg8[%dma_start3A_63, %dma_start3A_64, %dma_start3A_65] : memref<6x128x32xbf16, #tpu.memory_space<vmem>> -> memref<1x128x32xbf16, #tpu.memory_space<vmem>>
    %dma_start3A_67 = tpu.memref_squeeze %dma_start3A_66 : memref<1x128x32xbf16, #tpu.memory_space<vmem>> -> memref<128x32xbf16, #tpu.memory_space<vmem>>
    %dma_start3A_68 = arith.constant 0 : i32
    %dma_start3A_69 = tpu.memref_slice %arg6[%dma_start3A_62, %dma_start3A_68] : memref<40x128xi32, #tpu.memory_space<vmem>> -> memref<1x128xi32, #tpu.memory_space<vmem>>
    %dma_start3A_70 = tpu.memref_squeeze %dma_start3A_69 : memref<1x128xi32, #tpu.memory_space<vmem>> -> memref<128xi32, #tpu.memory_space<vmem>>
    %dma_start3A_71 = arith.constant 0 : i32
    %dma_start3A_72 = arith.constant 0 : i32
    %dma_start3A_73 = tpu.memref_slice %arg2[%dma_start3A_71, %dma_start3A_72] : memref<270000x32xbf16, #tpu.memory_space<hbm>> -> memref<270000x32xbf16, #tpu.memory_space<hbm>>
    tpu.enqueue_indirect_dma source(%dma_start3A_73 : memref<270000x32xbf16, #tpu.memory_space<hbm>>) target(%dma_start3A_67 : memref<128x32xbf16, #tpu.memory_space<vmem>>) offsets(%dma_start3A_70 : memref<128xi32, #tpu.memory_space<vmem>>) semaphore(%arg12 : memref<!tpu.dma_semaphore, #tpu.memory_space<semaphore_mem>>)
    %dma_start3A_74 = arith.constant 3 : i32
    %dma_start3A_75 = arith.constant 3 : i32
    %dma_start3A_76 = arith.constant 0 : i32
    %dma_start3A_77 = arith.constant 0 : i32
    %dma_start3A_78 = tpu.memref_slice %arg8[%dma_start3A_75, %dma_start3A_76, %dma_start3A_77] : memref<6x128x32xbf16, #tpu.memory_space<vmem>> -> memref<1x128x32xbf16, #tpu.memory_space<vmem>>
    %dma_start3A_79 = tpu.memref_squeeze %dma_start3A_78 : memref<1x128x32xbf16, #tpu.memory_space<vmem>> -> memref<128x32xbf16, #tpu.memory_space<vmem>>
    %dma_start3A_80 = arith.constant 0 : i32
    %dma_start3A_81 = tpu.memref_slice %arg6[%dma_start3A_74, %dma_start3A_80] : memref<40x128xi32, #tpu.memory_space<vmem>> -> memref<1x128xi32, #tpu.memory_space<vmem>>
    %dma_start3A_82 = tpu.memref_squeeze %dma_start3A_81 : memref<1x128xi32, #tpu.memory_space<vmem>> -> memref<128xi32, #tpu.memory_space<vmem>>
    %dma_start3A_83 = arith.constant 0 : i32
    %dma_start3A_84 = arith.constant 0 : i32
    %dma_start3A_85 = tpu.memref_slice %arg2[%dma_start3A_83, %dma_start3A_84] : memref<270000x32xbf16, #tpu.memory_space<hbm>> -> memref<270000x32xbf16, #tpu.memory_space<hbm>>
    tpu.enqueue_indirect_dma source(%dma_start3A_85 : memref<270000x32xbf16, #tpu.memory_space<hbm>>) target(%dma_start3A_79 : memref<128x32xbf16, #tpu.memory_space<vmem>>) offsets(%dma_start3A_82 : memref<128xi32, #tpu.memory_space<vmem>>) semaphore(%arg12 : memref<!tpu.dma_semaphore, #tpu.memory_space<semaphore_mem>>)
    %dma_wait3A_86 = arith.constant 0 : i32
    %dma_wait3A_87 = arith.constant 0 : i32
    %dma_wait3A_88 = arith.constant 0 : i32
    %dma_wait3A_89 = arith.constant 0 : i32
    %dma_wait3A_90 = tpu.memref_slice %arg8[%dma_wait3A_87, %dma_wait3A_88, %dma_wait3A_89] : memref<6x128x32xbf16, #tpu.memory_space<vmem>> -> memref<1x128x32xbf16, #tpu.memory_space<vmem>>
    %dma_wait3A_91 = tpu.memref_squeeze %dma_wait3A_90 : memref<1x128x32xbf16, #tpu.memory_space<vmem>> -> memref<128x32xbf16, #tpu.memory_space<vmem>>
    %dma_wait3A_92 = arith.constant 0 : i32
    %dma_wait3A_93 = tpu.memref_slice %arg6[%dma_wait3A_86, %dma_wait3A_92] : memref<40x128xi32, #tpu.memory_space<vmem>> -> memref<1x128xi32, #tpu.memory_space<vmem>>
    %dma_wait3A_94 = tpu.memref_squeeze %dma_wait3A_93 : memref<1x128xi32, #tpu.memory_space<vmem>> -> memref<128xi32, #tpu.memory_space<vmem>>
    %dma_wait3A_95 = arith.constant 0 : i32
    %dma_wait3A_96 = arith.constant 0 : i32
    %dma_wait3A_97 = tpu.memref_slice %arg2[%dma_wait3A_95, %dma_wait3A_96] : memref<270000x32xbf16, #tpu.memory_space<hbm>> -> memref<270000x32xbf16, #tpu.memory_space<hbm>>
    tpu.wait_indirect_dma semaphore(%arg12 : memref<!tpu.dma_semaphore, #tpu.memory_space<semaphore_mem>>) src(%dma_wait3A_97 : memref<270000x32xbf16, #tpu.memory_space<hbm>>) dst(%dma_wait3A_91 : memref<128x32xbf16, #tpu.memory_space<vmem>>)
    %dma_start3A_98 = arith.constant 0 : i32
    %dma_start3A_99 = arith.constant 0 : i32
    %dma_start3A_100 = arith.constant 0 : i32
    %dma_start3A_101 = arith.constant 0 : i32
    %dma_start3A_102 = tpu.memref_slice %arg8[%dma_start3A_98, %dma_start3A_100, %dma_start3A_101] : memref<6x128x32xbf16, #tpu.memory_space<vmem>> -> memref<1x128x32xbf16, #tpu.memory_space<vmem>>
    %dma_start3A_103 = tpu.memref_squeeze %dma_start3A_102 : memref<1x128x32xbf16, #tpu.memory_space<vmem>> -> memref<128x32xbf16, #tpu.memory_space<vmem>>
    %dma_start3A_104 = arith.constant 0 : i32
    %dma_start3A_105 = tpu.memref_slice %arg7[%dma_start3A_99, %dma_start3A_104] : memref<40x128xi32, #tpu.memory_space<vmem>> -> memref<1x128xi32, #tpu.memory_space<vmem>>
    %dma_start3A_106 = tpu.memref_squeeze %dma_start3A_105 : memref<1x128xi32, #tpu.memory_space<vmem>> -> memref<128xi32, #tpu.memory_space<vmem>>
    %dma_start3A_107 = arith.constant 0 : i32
    %dma_start3A_108 = arith.constant 0 : i32
    %dma_start3A_109 = tpu.memref_slice %arg10[%dma_start3A_107, %dma_start3A_108] : memref<10112x32xbf16, #tpu.memory_space<vmem_shared>> -> memref<10112x32xbf16, #tpu.memory_space<vmem_shared>>
    tpu.enqueue_indirect_dma source(%dma_start3A_103 : memref<128x32xbf16, #tpu.memory_space<vmem>>) target(%dma_start3A_109 : memref<10112x32xbf16, #tpu.memory_space<vmem_shared>>) offsets(%dma_start3A_106 : memref<128xi32, #tpu.memory_space<vmem>>) semaphore(%arg13 : memref<!tpu.dma_semaphore, #tpu.memory_space<semaphore_mem>>) {add = true}
    %dma_start3A_110 = arith.constant 4 : i32
    %dma_start3A_111 = arith.constant 4 : i32
    %dma_start3A_112 = arith.constant 0 : i32
    %dma_start3A_113 = arith.constant 0 : i32
    %dma_start3A_114 = tpu.memref_slice %arg8[%dma_start3A_111, %dma_start3A_112, %dma_start3A_113] : memref<6x128x32xbf16, #tpu.memory_space<vmem>> -> memref<1x128x32xbf16, #tpu.memory_space<vmem>>
    %dma_start3A_115 = tpu.memref_squeeze %dma_start3A_114 : memref<1x128x32xbf16, #tpu.memory_space<vmem>> -> memref<128x32xbf16, #tpu.memory_space<vmem>>
    %dma_start3A_116 = arith.constant 0 : i32
    %dma_start3A_117 = tpu.memref_slice %arg6[%dma_start3A_110, %dma_start3A_116] : memref<40x128xi32, #tpu.memory_space<vmem>> -> memref<1x128xi32, #tpu.memory_space<vmem>>
    %dma_start3A_118 = tpu.memref_squeeze %dma_start3A_117 : memref<1x128xi32, #tpu.memory_space<vmem>> -> memref<128xi32, #tpu.memory_space<vmem>>
    %dma_start3A_119 = arith.constant 0 : i32
    %dma_start3A_120 = arith.constant 0 : i32
    %dma_start3A_121 = tpu.memref_slice %arg2[%dma_start3A_119, %dma_start3A_120] : memref<270000x32xbf16, #tpu.memory_space<hbm>> -> memref<270000x32xbf16, #tpu.memory_space<hbm>>
    tpu.enqueue_indirect_dma source(%dma_start3A_121 : memref<270000x32xbf16, #tpu.memory_space<hbm>>) target(%dma_start3A_115 : memref<128x32xbf16, #tpu.memory_space<vmem>>) offsets(%dma_start3A_118 : memref<128xi32, #tpu.memory_space<vmem>>) semaphore(%arg12 : memref<!tpu.dma_semaphore, #tpu.memory_space<semaphore_mem>>)
    %dma_wait3A_122 = arith.constant 1 : i32
    %dma_wait3A_123 = arith.constant 1 : i32
    %dma_wait3A_124 = arith.constant 0 : i32
    %dma_wait3A_125 = arith.constant 0 : i32
    %dma_wait3A_126 = tpu.memref_slice %arg8[%dma_wait3A_123, %dma_wait3A_124, %dma_wait3A_125] : memref<6x128x32xbf16, #tpu.memory_space<vmem>> -> memref<1x128x32xbf16, #tpu.memory_space<vmem>>
    %dma_wait3A_127 = tpu.memref_squeeze %dma_wait3A_126 : memref<1x128x32xbf16, #tpu.memory_space<vmem>> -> memref<128x32xbf16, #tpu.memory_space<vmem>>
    %dma_wait3A_128 = arith.constant 0 : i32
    %dma_wait3A_129 = tpu.memref_slice %arg6[%dma_wait3A_122, %dma_wait3A_128] : memref<40x128xi32, #tpu.memory_space<vmem>> -> memref<1x128xi32, #tpu.memory_space<vmem>>
    %dma_wait3A_130 = tpu.memref_squeeze %dma_wait3A_129 : memref<1x128xi32, #tpu.memory_space<vmem>> -> memref<128xi32, #tpu.memory_space<vmem>>
    %dma_wait3A_131 = arith.constant 0 : i32
    %dma_wait3A_132 = arith.constant 0 : i32
    %dma_wait3A_133 = tpu.memref_slice %arg2[%dma_wait3A_131, %dma_wait3A_132] : memref<270000x32xbf16, #tpu.memory_space<hbm>> -> memref<270000x32xbf16, #tpu.memory_space<hbm>>
    tpu.wait_indirect_dma semaphore(%arg12 : memref<!tpu.dma_semaphore, #tpu.memory_space<semaphore_mem>>) src(%dma_wait3A_133 : memref<270000x32xbf16, #tpu.memory_space<hbm>>) dst(%dma_wait3A_127 : memref<128x32xbf16, #tpu.memory_space<vmem>>)
    %dma_start3A_134 = arith.constant 1 : i32
    %dma_start3A_135 = arith.constant 1 : i32
    %dma_start3A_136 = arith.constant 0 : i32
    %dma_start3A_137 = arith.constant 0 : i32
    %dma_start3A_138 = tpu.memref_slice %arg8[%dma_start3A_134, %dma_start3A_136, %dma_start3A_137] : memref<6x128x32xbf16, #tpu.memory_space<vmem>> -> memref<1x128x32xbf16, #tpu.memory_space<vmem>>
    %dma_start3A_139 = tpu.memref_squeeze %dma_start3A_138 : memref<1x128x32xbf16, #tpu.memory_space<vmem>> -> memref<128x32xbf16, #tpu.memory_space<vmem>>
    %dma_start3A_140 = arith.constant 0 : i32
    %dma_start3A_141 = tpu.memref_slice %arg7[%dma_start3A_135, %dma_start3A_140] : memref<40x128xi32, #tpu.memory_space<vmem>> -> memref<1x128xi32, #tpu.memory_space<vmem>>
    %dma_start3A_142 = tpu.memref_squeeze %dma_start3A_141 : memref<1x128xi32, #tpu.memory_space<vmem>> -> memref<128xi32, #tpu.memory_space<vmem>>
    %dma_start3A_143 = arith.constant 0 : i32
    %dma_start3A_144 = arith.constant 0 : i32
    %dma_start3A_145 = tpu.memref_slice %arg10[%dma_start3A_143, %dma_start3A_144] : memref<10112x32xbf16, #tpu.memory_space<vmem_shared>> -> memref<10112x32xbf16, #tpu.memory_space<vmem_shared>>
    tpu.enqueue_indirect_dma source(%dma_start3A_139 : memref<128x32xbf16, #tpu.memory_space<vmem>>) target(%dma_start3A_145 : memref<10112x32xbf16, #tpu.memory_space<vmem_shared>>) offsets(%dma_start3A_142 : memref<128xi32, #tpu.memory_space<vmem>>) semaphore(%arg13 : memref<!tpu.dma_semaphore, #tpu.memory_space<semaphore_mem>>) {add = true}
    %dma_start3A_146 = arith.constant 5 : i32
    %dma_start3A_147 = arith.constant 5 : i32
    %dma_start3A_148 = arith.constant 0 : i32
    %dma_start3A_149 = arith.constant 0 : i32
    %dma_start3A_150 = tpu.memref_slice %arg8[%dma_start3A_147, %dma_start3A_148, %dma_start3A_149] : memref<6x128x32xbf16, #tpu.memory_space<vmem>> -> memref<1x128x32xbf16, #tpu.memory_space<vmem>>
    %dma_start3A_151 = tpu.memref_squeeze %dma_start3A_150 : memref<1x128x32xbf16, #tpu.memory_space<vmem>> -> memref<128x32xbf16, #tpu.memory_space<vmem>>
    %dma_start3A_152 = arith.constant 0 : i32
    %dma_start3A_153 = tpu.memref_slice %arg6[%dma_start3A_146, %dma_start3A_152] : memref<40x128xi32, #tpu.memory_space<vmem>> -> memref<1x128xi32, #tpu.memory_space<vmem>>
    %dma_start3A_154 = tpu.memref_squeeze %dma_start3A_153 : memref<1x128xi32, #tpu.memory_space<vmem>> -> memref<128xi32, #tpu.memory_space<vmem>>
    %dma_start3A_155 = arith.constant 0 : i32
    %dma_start3A_156 = arith.constant 0 : i32
    %dma_start3A_157 = tpu.memref_slice %arg2[%dma_start3A_155, %dma_start3A_156] : memref<270000x32xbf16, #tpu.memory_space<hbm>> -> memref<270000x32xbf16, #tpu.memory_space<hbm>>
    tpu.enqueue_indirect_dma source(%dma_start3A_157 : memref<270000x32xbf16, #tpu.memory_space<hbm>>) target(%dma_start3A_151 : memref<128x32xbf16, #tpu.memory_space<vmem>>) offsets(%dma_start3A_154 : memref<128xi32, #tpu.memory_space<vmem>>) semaphore(%arg12 : memref<!tpu.dma_semaphore, #tpu.memory_space<semaphore_mem>>)
    %dma_wait3A_158 = arith.constant 2 : i32
    %dma_wait3A_159 = arith.constant 2 : i32
    %dma_wait3A_160 = arith.constant 0 : i32
    %dma_wait3A_161 = arith.constant 0 : i32
    %dma_wait3A_162 = tpu.memref_slice %arg8[%dma_wait3A_159, %dma_wait3A_160, %dma_wait3A_161] : memref<6x128x32xbf16, #tpu.memory_space<vmem>> -> memref<1x128x32xbf16, #tpu.memory_space<vmem>>
    %dma_wait3A_163 = tpu.memref_squeeze %dma_wait3A_162 : memref<1x128x32xbf16, #tpu.memory_space<vmem>> -> memref<128x32xbf16, #tpu.memory_space<vmem>>
    %dma_wait3A_164 = arith.constant 0 : i32
    %dma_wait3A_165 = tpu.memref_slice %arg6[%dma_wait3A_158, %dma_wait3A_164] : memref<40x128xi32, #tpu.memory_space<vmem>> -> memref<1x128xi32, #tpu.memory_space<vmem>>
    %dma_wait3A_166 = tpu.memref_squeeze %dma_wait3A_165 : memref<1x128xi32, #tpu.memory_space<vmem>> -> memref<128xi32, #tpu.memory_space<vmem>>
    %dma_wait3A_167 = arith.constant 0 : i32
    %dma_wait3A_168 = arith.constant 0 : i32
    %dma_wait3A_169 = tpu.memref_slice %arg2[%dma_wait3A_167, %dma_wait3A_168] : memref<270000x32xbf16, #tpu.memory_space<hbm>> -> memref<270000x32xbf16, #tpu.memory_space<hbm>>
    tpu.wait_indirect_dma semaphore(%arg12 : memref<!tpu.dma_semaphore, #tpu.memory_space<semaphore_mem>>) src(%dma_wait3A_169 : memref<270000x32xbf16, #tpu.memory_space<hbm>>) dst(%dma_wait3A_163 : memref<128x32xbf16, #tpu.memory_space<vmem>>)
    %dma_start3A_170 = arith.constant 2 : i32
    %dma_start3A_171 = arith.constant 2 : i32
    %dma_start3A_172 = arith.constant 0 : i32
    %dma_start3A_173 = arith.constant 0 : i32
    %dma_start3A_174 = tpu.memref_slice %arg8[%dma_start3A_170, %dma_start3A_172, %dma_start3A_173] : memref<6x128x32xbf16, #tpu.memory_space<vmem>> -> memref<1x128x32xbf16, #tpu.memory_space<vmem>>
    %dma_start3A_175 = tpu.memref_squeeze %dma_start3A_174 : memref<1x128x32xbf16, #tpu.memory_space<vmem>> -> memref<128x32xbf16, #tpu.memory_space<vmem>>
    %dma_start3A_176 = arith.constant 0 : i32
    %dma_start3A_177 = tpu.memref_slice %arg7[%dma_start3A_171, %dma_start3A_176] : memref<40x128xi32, #tpu.memory_space<vmem>> -> memref<1x128xi32, #tpu.memory_space<vmem>>
    %dma_start3A_178 = tpu.memref_squeeze %dma_start3A_177 : memref<1x128xi32, #tpu.memory_space<vmem>> -> memref<128xi32, #tpu.memory_space<vmem>>
    %dma_start3A_179 = arith.constant 0 : i32
    %dma_start3A_180 = arith.constant 0 : i32
    %dma_start3A_181 = tpu.memref_slice %arg10[%dma_start3A_179, %dma_start3A_180] : memref<10112x32xbf16, #tpu.memory_space<vmem_shared>> -> memref<10112x32xbf16, #tpu.memory_space<vmem_shared>>
    tpu.enqueue_indirect_dma source(%dma_start3A_175 : memref<128x32xbf16, #tpu.memory_space<vmem>>) target(%dma_start3A_181 : memref<10112x32xbf16, #tpu.memory_space<vmem_shared>>) offsets(%dma_start3A_178 : memref<128xi32, #tpu.memory_space<vmem>>) semaphore(%arg13 : memref<!tpu.dma_semaphore, #tpu.memory_space<semaphore_mem>>) {add = true}
    %dma_wait3A_182 = arith.constant 0 : i32
    %dma_wait3A_183 = arith.constant 0 : i32
    %dma_wait3A_184 = arith.constant 0 : i32
    %dma_wait3A_185 = arith.constant 0 : i32
    %dma_wait3A_186 = tpu.memref_slice %arg8[%dma_wait3A_182, %dma_wait3A_184, %dma_wait3A_185] : memref<6x128x32xbf16, #tpu.memory_space<vmem>> -> memref<1x128x32xbf16, #tpu.memory_space<vmem>>
    %dma_wait3A_187 = tpu.memref_squeeze %dma_wait3A_186 : memref<1x128x32xbf16, #tpu.memory_space<vmem>> -> memref<128x32xbf16, #tpu.memory_space<vmem>>
    %dma_wait3A_188 = arith.constant 0 : i32
    %dma_wait3A_189 = tpu.memref_slice %arg7[%dma_wait3A_183, %dma_wait3A_188] : memref<40x128xi32, #tpu.memory_space<vmem>> -> memref<1x128xi32, #tpu.memory_space<vmem>>
    %dma_wait3A_190 = tpu.memref_squeeze %dma_wait3A_189 : memref<1x128xi32, #tpu.memory_space<vmem>> -> memref<128xi32, #tpu.memory_space<vmem>>
    %dma_wait3A_191 = arith.constant 0 : i32
    %dma_wait3A_192 = arith.constant 0 : i32
    %dma_wait3A_193 = tpu.memref_slice %arg10[%dma_wait3A_191, %dma_wait3A_192] : memref<10112x32xbf16, #tpu.memory_space<vmem_shared>> -> memref<10112x32xbf16, #tpu.memory_space<vmem_shared>>
    tpu.wait_indirect_dma semaphore(%arg13 : memref<!tpu.dma_semaphore, #tpu.memory_space<semaphore_mem>>) src(%dma_wait3A_187 : memref<128x32xbf16, #tpu.memory_space<vmem>>) dst(%dma_wait3A_193 : memref<10112x32xbf16, #tpu.memory_space<vmem_shared>>)
    %dma_start3A_194 = arith.constant 6 : i32
    %dma_start3A_195 = arith.constant 0 : i32
    %dma_start3A_196 = arith.constant 0 : i32
    %dma_start3A_197 = arith.constant 0 : i32
    %dma_start3A_198 = tpu.memref_slice %arg8[%dma_start3A_195, %dma_start3A_196, %dma_start3A_197] : memref<6x128x32xbf16, #tpu.memory_space<vmem>> -> memref<1x128x32xbf16, #tpu.memory_space<vmem>>
    %dma_start3A_199 = tpu.memref_squeeze %dma_start3A_198 : memref<1x128x32xbf16, #tpu.memory_space<vmem>> -> memref<128x32xbf16, #tpu.memory_space<vmem>>
    %dma_start3A_200 = arith.constant 0 : i32
    %dma_start3A_201 = tpu.memref_slice %arg6[%dma_start3A_194, %dma_start3A_200] : memref<40x128xi32, #tpu.memory_space<vmem>> -> memref<1x128xi32, #tpu.memory_space<vmem>>
    %dma_start3A_202 = tpu.memref_squeeze %dma_start3A_201 : memref<1x128xi32, #tpu.memory_space<vmem>> -> memref<128xi32, #tpu.memory_space<vmem>>
    %dma_start3A_203 = arith.constant 0 : i32
    %dma_start3A_204 = arith.constant 0 : i32
    %dma_start3A_205 = tpu.memref_slice %arg2[%dma_start3A_203, %dma_start3A_204] : memref<270000x32xbf16, #tpu.memory_space<hbm>> -> memref<270000x32xbf16, #tpu.memory_space<hbm>>
    tpu.enqueue_indirect_dma source(%dma_start3A_205 : memref<270000x32xbf16, #tpu.memory_space<hbm>>) target(%dma_start3A_199 : memref<128x32xbf16, #tpu.memory_space<vmem>>) offsets(%dma_start3A_202 : memref<128xi32, #tpu.memory_space<vmem>>) semaphore(%arg12 : memref<!tpu.dma_semaphore, #tpu.memory_space<semaphore_mem>>)
    %dma_wait3A_206 = arith.constant 3 : i32
    %dma_wait3A_207 = arith.constant 3 : i32
    %dma_wait3A_208 = arith.constant 0 : i32
    %dma_wait3A_209 = arith.constant 0 : i32
    %dma_wait3A_210 = tpu.memref_slice %arg8[%dma_wait3A_207, %dma_wait3A_208, %dma_wait3A_209] : memref<6x128x32xbf16, #tpu.memory_space<vmem>> -> memref<1x128x32xbf16, #tpu.memory_space<vmem>>
    %dma_wait3A_211 = tpu.memref_squeeze %dma_wait3A_210 : memref<1x128x32xbf16, #tpu.memory_space<vmem>> -> memref<128x32xbf16, #tpu.memory_space<vmem>>
    %dma_wait3A_212 = arith.constant 0 : i32
    %dma_wait3A_213 = tpu.memref_slice %arg6[%dma_wait3A_206, %dma_wait3A_212] : memref<40x128xi32, #tpu.memory_space<vmem>> -> memref<1x128xi32, #tpu.memory_space<vmem>>
    %dma_wait3A_214 = tpu.memref_squeeze %dma_wait3A_213 : memref<1x128xi32, #tpu.memory_space<vmem>> -> memref<128xi32, #tpu.memory_space<vmem>>
    %dma_wait3A_215 = arith.constant 0 : i32
    %dma_wait3A_216 = arith.constant 0 : i32
    %dma_wait3A_217 = tpu.memref_slice %arg2[%dma_wait3A_215, %dma_wait3A_216] : memref<270000x32xbf16, #tpu.memory_space<hbm>> -> memref<270000x32xbf16, #tpu.memory_space<hbm>>
    tpu.wait_indirect_dma semaphore(%arg12 : memref<!tpu.dma_semaphore, #tpu.memory_space<semaphore_mem>>) src(%dma_wait3A_217 : memref<270000x32xbf16, #tpu.memory_space<hbm>>) dst(%dma_wait3A_211 : memref<128x32xbf16, #tpu.memory_space<vmem>>)
    %dma_start3A_218 = arith.constant 3 : i32
    %dma_start3A_219 = arith.constant 3 : i32
    %dma_start3A_220 = arith.constant 0 : i32
    %dma_start3A_221 = arith.constant 0 : i32
    %dma_start3A_222 = tpu.memref_slice %arg8[%dma_start3A_218, %dma_start3A_220, %dma_start3A_221] : memref<6x128x32xbf16, #tpu.memory_space<vmem>> -> memref<1x128x32xbf16, #tpu.memory_space<vmem>>
    %dma_start3A_223 = tpu.memref_squeeze %dma_start3A_222 : memref<1x128x32xbf16, #tpu.memory_space<vmem>> -> memref<128x32xbf16, #tpu.memory_space<vmem>>
    %dma_start3A_224 = arith.constant 0 : i32
    %dma_start3A_225 = tpu.memref_slice %arg7[%dma_start3A_219, %dma_start3A_224] : memref<40x128xi32, #tpu.memory_space<vmem>> -> memref<1x128xi32, #tpu.memory_space<vmem>>
    %dma_start3A_226 = tpu.memref_squeeze %dma_start3A_225 : memref<1x128xi32, #tpu.memory_space<vmem>> -> memref<128xi32, #tpu.memory_space<vmem>>
    %dma_start3A_227 = arith.constant 0 : i32
    %dma_start3A_228 = arith.constant 0 : i32
    %dma_start3A_229 = tpu.memref_slice %arg10[%dma_start3A_227, %dma_start3A_228] : memref<10112x32xbf16, #tpu.memory_space<vmem_shared>> -> memref<10112x32xbf16, #tpu.memory_space<vmem_shared>>
    tpu.enqueue_indirect_dma source(%dma_start3A_223 : memref<128x32xbf16, #tpu.memory_space<vmem>>) target(%dma_start3A_229 : memref<10112x32xbf16, #tpu.memory_space<vmem_shared>>) offsets(%dma_start3A_226 : memref<128xi32, #tpu.memory_space<vmem>>) semaphore(%arg13 : memref<!tpu.dma_semaphore, #tpu.memory_space<semaphore_mem>>) {add = true}
    %dma_wait3A_230 = arith.constant 1 : i32
    %dma_wait3A_231 = arith.constant 1 : i32
    %dma_wait3A_232 = arith.constant 0 : i32
    %dma_wait3A_233 = arith.constant 0 : i32
    %dma_wait3A_234 = tpu.memref_slice %arg8[%dma_wait3A_230, %dma_wait3A_232, %dma_wait3A_233] : memref<6x128x32xbf16, #tpu.memory_space<vmem>> -> memref<1x128x32xbf16, #tpu.memory_space<vmem>>
    %dma_wait3A_235 = tpu.memref_squeeze %dma_wait3A_234 : memref<1x128x32xbf16, #tpu.memory_space<vmem>> -> memref<128x32xbf16, #tpu.memory_space<vmem>>
    %dma_wait3A_236 = arith.constant 0 : i32
    %dma_wait3A_237 = tpu.memref_slice %arg7[%dma_wait3A_231, %dma_wait3A_236] : memref<40x128xi32, #tpu.memory_space<vmem>> -> memref<1x128xi32, #tpu.memory_space<vmem>>
    %dma_wait3A_238 = tpu.memref_squeeze %dma_wait3A_237 : memref<1x128xi32, #tpu.memory_space<vmem>> -> memref<128xi32, #tpu.memory_space<vmem>>
    %dma_wait3A_239 = arith.constant 0 : i32
    %dma_wait3A_240 = arith.constant 0 : i32
    %dma_wait3A_241 = tpu.memref_slice %arg10[%dma_wait3A_239, %dma_wait3A_240] : memref<10112x32xbf16, #tpu.memory_space<vmem_shared>> -> memref<10112x32xbf16, #tpu.memory_space<vmem_shared>>
    tpu.wait_indirect_dma semaphore(%arg13 : memref<!tpu.dma_semaphore, #tpu.memory_space<semaphore_mem>>) src(%dma_wait3A_235 : memref<128x32xbf16, #tpu.memory_space<vmem>>) dst(%dma_wait3A_241 : memref<10112x32xbf16, #tpu.memory_space<vmem_shared>>)
    %dma_start3A_242 = arith.constant 7 : i32
    %dma_start3A_243 = arith.constant 1 : i32
    %dma_start3A_244 = arith.constant 0 : i32
    %dma_start3A_245 = arith.constant 0 : i32
    %dma_start3A_246 = tpu.memref_slice %arg8[%dma_start3A_243, %dma_start3A_244, %dma_start3A_245] : memref<6x128x32xbf16, #tpu.memory_space<vmem>> -> memref<1x128x32xbf16, #tpu.memory_space<vmem>>
    %dma_start3A_247 = tpu.memref_squeeze %dma_start3A_246 : memref<1x128x32xbf16, #tpu.memory_space<vmem>> -> memref<128x32xbf16, #tpu.memory_space<vmem>>
    %dma_start3A_248 = arith.constant 0 : i32
    %dma_start3A_249 = tpu.memref_slice %arg6[%dma_start3A_242, %dma_start3A_248] : memref<40x128xi32, #tpu.memory_space<vmem>> -> memref<1x128xi32, #tpu.memory_space<vmem>>
    %dma_start3A_250 = tpu.memref_squeeze %dma_start3A_249 : memref<1x128xi32, #tpu.memory_space<vmem>> -> memref<128xi32, #tpu.memory_space<vmem>>
    %dma_start3A_251 = arith.constant 0 : i32
    %dma_start3A_252 = arith.constant 0 : i32
    %dma_start3A_253 = tpu.memref_slice %arg2[%dma_start3A_251, %dma_start3A_252] : memref<270000x32xbf16, #tpu.memory_space<hbm>> -> memref<270000x32xbf16, #tpu.memory_space<hbm>>
    tpu.enqueue_indirect_dma source(%dma_start3A_253 : memref<270000x32xbf16, #tpu.memory_space<hbm>>) target(%dma_start3A_247 : memref<128x32xbf16, #tpu.memory_space<vmem>>) offsets(%dma_start3A_250 : memref<128xi32, #tpu.memory_space<vmem>>) semaphore(%arg12 : memref<!tpu.dma_semaphore, #tpu.memory_space<semaphore_mem>>)
    %dma_wait3A_254 = arith.constant 4 : i32
    %dma_wait3A_255 = arith.constant 4 : i32
    %dma_wait3A_256 = arith.constant 0 : i32
    %dma_wait3A_257 = arith.constant 0 : i32
    %dma_wait3A_258 = tpu.memref_slice %arg8[%dma_wait3A_255, %dma_wait3A_256, %dma_wait3A_257] : memref<6x128x32xbf16, #tpu.memory_space<vmem>> -> memref<1x128x32xbf16, #tpu.memory_space<vmem>>
    %dma_wait3A_259 = tpu.memref_squeeze %dma_wait3A_258 : memref<1x128x32xbf16, #tpu.memory_space<vmem>> -> memref<128x32xbf16, #tpu.memory_space<vmem>>
    %dma_wait3A_260 = arith.constant 0 : i32
    %dma_wait3A_261 = tpu.memref_slice %arg6[%dma_wait3A_254, %dma_wait3A_260] : memref<40x128xi32, #tpu.memory_space<vmem>> -> memref<1x128xi32, #tpu.memory_space<vmem>>
    %dma_wait3A_262 = tpu.memref_squeeze %dma_wait3A_261 : memref<1x128xi32, #tpu.memory_space<vmem>> -> memref<128xi32, #tpu.memory_space<vmem>>
    %dma_wait3A_263 = arith.constant 0 : i32
    %dma_wait3A_264 = arith.constant 0 : i32
    %dma_wait3A_265 = tpu.memref_slice %arg2[%dma_wait3A_263, %dma_wait3A_264] : memref<270000x32xbf16, #tpu.memory_space<hbm>> -> memref<270000x32xbf16, #tpu.memory_space<hbm>>
    tpu.wait_indirect_dma semaphore(%arg12 : memref<!tpu.dma_semaphore, #tpu.memory_space<semaphore_mem>>) src(%dma_wait3A_265 : memref<270000x32xbf16, #tpu.memory_space<hbm>>) dst(%dma_wait3A_259 : memref<128x32xbf16, #tpu.memory_space<vmem>>)
    %dma_start3A_266 = arith.constant 4 : i32
    %dma_start3A_267 = arith.constant 4 : i32
    %dma_start3A_268 = arith.constant 0 : i32
    %dma_start3A_269 = arith.constant 0 : i32
    %dma_start3A_270 = tpu.memref_slice %arg8[%dma_start3A_266, %dma_start3A_268, %dma_start3A_269] : memref<6x128x32xbf16, #tpu.memory_space<vmem>> -> memref<1x128x32xbf16, #tpu.memory_space<vmem>>
    %dma_start3A_271 = tpu.memref_squeeze %dma_start3A_270 : memref<1x128x32xbf16, #tpu.memory_space<vmem>> -> memref<128x32xbf16, #tpu.memory_space<vmem>>
    %dma_start3A_272 = arith.constant 0 : i32
    %dma_start3A_273 = tpu.memref_slice %arg7[%dma_start3A_267, %dma_start3A_272] : memref<40x128xi32, #tpu.memory_space<vmem>> -> memref<1x128xi32, #tpu.memory_space<vmem>>
    %dma_start3A_274 = tpu.memref_squeeze %dma_start3A_273 : memref<1x128xi32, #tpu.memory_space<vmem>> -> memref<128xi32, #tpu.memory_space<vmem>>
    %dma_start3A_275 = arith.constant 0 : i32
    %dma_start3A_276 = arith.constant 0 : i32
    %dma_start3A_277 = tpu.memref_slice %arg10[%dma_start3A_275, %dma_start3A_276] : memref<10112x32xbf16, #tpu.memory_space<vmem_shared>> -> memref<10112x32xbf16, #tpu.memory_space<vmem_shared>>
    tpu.enqueue_indirect_dma source(%dma_start3A_271 : memref<128x32xbf16, #tpu.memory_space<vmem>>) target(%dma_start3A_277 : memref<10112x32xbf16, #tpu.memory_space<vmem_shared>>) offsets(%dma_start3A_274 : memref<128xi32, #tpu.memory_space<vmem>>) semaphore(%arg13 : memref<!tpu.dma_semaphore, #tpu.memory_space<semaphore_mem>>) {add = true}
    %dma_wait3A_278 = arith.constant 2 : i32
    %dma_wait3A_279 = arith.constant 2 : i32
    %dma_wait3A_280 = arith.constant 0 : i32
    %dma_wait3A_281 = arith.constant 0 : i32
    %dma_wait3A_282 = tpu.memref_slice %arg8[%dma_wait3A_278, %dma_wait3A_280, %dma_wait3A_281] : memref<6x128x32xbf16, #tpu.memory_space<vmem>> -> memref<1x128x32xbf16, #tpu.memory_space<vmem>>
    %dma_wait3A_283 = tpu.memref_squeeze %dma_wait3A_282 : memref<1x128x32xbf16, #tpu.memory_space<vmem>> -> memref<128x32xbf16, #tpu.memory_space<vmem>>
    %dma_wait3A_284 = arith.constant 0 : i32
    %dma_wait3A_285 = tpu.memref_slice %arg7[%dma_wait3A_279, %dma_wait3A_284] : memref<40x128xi32, #tpu.memory_space<vmem>> -> memref<1x128xi32, #tpu.memory_space<vmem>>
    %dma_wait3A_286 = tpu.memref_squeeze %dma_wait3A_285 : memref<1x128xi32, #tpu.memory_space<vmem>> -> memref<128xi32, #tpu.memory_space<vmem>>
    %dma_wait3A_287 = arith.constant 0 : i32
    %dma_wait3A_288 = arith.constant 0 : i32
    %dma_wait3A_289 = tpu.memref_slice %arg10[%dma_wait3A_287, %dma_wait3A_288] : memref<10112x32xbf16, #tpu.memory_space<vmem_shared>> -> memref<10112x32xbf16, #tpu.memory_space<vmem_shared>>
    tpu.wait_indirect_dma semaphore(%arg13 : memref<!tpu.dma_semaphore, #tpu.memory_space<semaphore_mem>>) src(%dma_wait3A_283 : memref<128x32xbf16, #tpu.memory_space<vmem>>) dst(%dma_wait3A_289 : memref<10112x32xbf16, #tpu.memory_space<vmem_shared>>)
    %dma_start3A_290 = arith.constant 8 : i32
    %dma_start3A_291 = arith.constant 2 : i32
    %dma_start3A_292 = arith.constant 0 : i32
    %dma_start3A_293 = arith.constant 0 : i32
    %dma_start3A_294 = tpu.memref_slice %arg8[%dma_start3A_291, %dma_start3A_292, %dma_start3A_293] : memref<6x128x32xbf16, #tpu.memory_space<vmem>> -> memref<1x128x32xbf16, #tpu.memory_space<vmem>>
    %dma_start3A_295 = tpu.memref_squeeze %dma_start3A_294 : memref<1x128x32xbf16, #tpu.memory_space<vmem>> -> memref<128x32xbf16, #tpu.memory_space<vmem>>
    %dma_start3A_296 = arith.constant 0 : i32
    %dma_start3A_297 = tpu.memref_slice %arg6[%dma_start3A_290, %dma_start3A_296] : memref<40x128xi32, #tpu.memory_space<vmem>> -> memref<1x128xi32, #tpu.memory_space<vmem>>
    %dma_start3A_298 = tpu.memref_squeeze %dma_start3A_297 : memref<1x128xi32, #tpu.memory_space<vmem>> -> memref<128xi32, #tpu.memory_space<vmem>>
    %dma_start3A_299 = arith.constant 0 : i32
    %dma_start3A_300 = arith.constant 0 : i32
    %dma_start3A_301 = tpu.memref_slice %arg2[%dma_start3A_299, %dma_start3A_300] : memref<270000x32xbf16, #tpu.memory_space<hbm>> -> memref<270000x32xbf16, #tpu.memory_space<hbm>>
    tpu.enqueue_indirect_dma source(%dma_start3A_301 : memref<270000x32xbf16, #tpu.memory_space<hbm>>) target(%dma_start3A_295 : memref<128x32xbf16, #tpu.memory_space<vmem>>) offsets(%dma_start3A_298 : memref<128xi32, #tpu.memory_space<vmem>>) semaphore(%arg12 : memref<!tpu.dma_semaphore, #tpu.memory_space<semaphore_mem>>)
    %dma_wait3A_302 = arith.constant 5 : i32
    %dma_wait3A_303 = arith.constant 5 : i32
    %dma_wait3A_304 = arith.constant 0 : i32
    %dma_wait3A_305 = arith.constant 0 : i32
    %dma_wait3A_306 = tpu.memref_slice %arg8[%dma_wait3A_303, %dma_wait3A_304, %dma_wait3A_305] : memref<6x128x32xbf16, #tpu.memory_space<vmem>> -> memref<1x128x32xbf16, #tpu.memory_space<vmem>>
    %dma_wait3A_307 = tpu.memref_squeeze %dma_wait3A_306 : memref<1x128x32xbf16, #tpu.memory_space<vmem>> -> memref<128x32xbf16, #tpu.memory_space<vmem>>
    %dma_wait3A_308 = arith.constant 0 : i32
    %dma_wait3A_309 = tpu.memref_slice %arg6[%dma_wait3A_302, %dma_wait3A_308] : memref<40x128xi32, #tpu.memory_space<vmem>> -> memref<1x128xi32, #tpu.memory_space<vmem>>
    %dma_wait3A_310 = tpu.memref_squeeze %dma_wait3A_309 : memref<1x128xi32, #tpu.memory_space<vmem>> -> memref<128xi32, #tpu.memory_space<vmem>>
    %dma_wait3A_311 = arith.constant 0 : i32
    %dma_wait3A_312 = arith.constant 0 : i32
    %dma_wait3A_313 = tpu.memref_slice %arg2[%dma_wait3A_311, %dma_wait3A_312] : memref<270000x32xbf16, #tpu.memory_space<hbm>> -> memref<270000x32xbf16, #tpu.memory_space<hbm>>
    tpu.wait_indirect_dma semaphore(%arg12 : memref<!tpu.dma_semaphore, #tpu.memory_space<semaphore_mem>>) src(%dma_wait3A_313 : memref<270000x32xbf16, #tpu.memory_space<hbm>>) dst(%dma_wait3A_307 : memref<128x32xbf16, #tpu.memory_space<vmem>>)
    %dma_start3A_314 = arith.constant 5 : i32
    %dma_start3A_315 = arith.constant 5 : i32
    %dma_start3A_316 = arith.constant 0 : i32
    %dma_start3A_317 = arith.constant 0 : i32
    %dma_start3A_318 = tpu.memref_slice %arg8[%dma_start3A_314, %dma_start3A_316, %dma_start3A_317] : memref<6x128x32xbf16, #tpu.memory_space<vmem>> -> memref<1x128x32xbf16, #tpu.memory_space<vmem>>
    %dma_start3A_319 = tpu.memref_squeeze %dma_start3A_318 : memref<1x128x32xbf16, #tpu.memory_space<vmem>> -> memref<128x32xbf16, #tpu.memory_space<vmem>>
    %dma_start3A_320 = arith.constant 0 : i32
    %dma_start3A_321 = tpu.memref_slice %arg7[%dma_start3A_315, %dma_start3A_320] : memref<40x128xi32, #tpu.memory_space<vmem>> -> memref<1x128xi32, #tpu.memory_space<vmem>>
    %dma_start3A_322 = tpu.memref_squeeze %dma_start3A_321 : memref<1x128xi32, #tpu.memory_space<vmem>> -> memref<128xi32, #tpu.memory_space<vmem>>
    %dma_start3A_323 = arith.constant 0 : i32
    %dma_start3A_324 = arith.constant 0 : i32
    %dma_start3A_325 = tpu.memref_slice %arg10[%dma_start3A_323, %dma_start3A_324] : memref<10112x32xbf16, #tpu.memory_space<vmem_shared>> -> memref<10112x32xbf16, #tpu.memory_space<vmem_shared>>
    tpu.enqueue_indirect_dma source(%dma_start3A_319 : memref<128x32xbf16, #tpu.memory_space<vmem>>) target(%dma_start3A_325 : memref<10112x32xbf16, #tpu.memory_space<vmem_shared>>) offsets(%dma_start3A_322 : memref<128xi32, #tpu.memory_space<vmem>>) semaphore(%arg13 : memref<!tpu.dma_semaphore, #tpu.memory_space<semaphore_mem>>) {add = true}
    %dma_wait3A_326 = arith.constant 3 : i32
    %dma_wait3A_327 = arith.constant 3 : i32
    %dma_wait3A_328 = arith.constant 0 : i32
    %dma_wait3A_329 = arith.constant 0 : i32
    %dma_wait3A_330 = tpu.memref_slice %arg8[%dma_wait3A_326, %dma_wait3A_328, %dma_wait3A_329] : memref<6x128x32xbf16, #tpu.memory_space<vmem>> -> memref<1x128x32xbf16, #tpu.memory_space<vmem>>
    %dma_wait3A_331 = tpu.memref_squeeze %dma_wait3A_330 : memref<1x128x32xbf16, #tpu.memory_space<vmem>> -> memref<128x32xbf16, #tpu.memory_space<vmem>>
    %dma_wait3A_332 = arith.constant 0 : i32
    %dma_wait3A_333 = tpu.memref_slice %arg7[%dma_wait3A_327, %dma_wait3A_332] : memref<40x128xi32, #tpu.memory_space<vmem>> -> memref<1x128xi32, #tpu.memory_space<vmem>>
    %dma_wait3A_334 = tpu.memref_squeeze %dma_wait3A_333 : memref<1x128xi32, #tpu.memory_space<vmem>> -> memref<128xi32, #tpu.memory_space<vmem>>
    %dma_wait3A_335 = arith.constant 0 : i32
    %dma_wait3A_336 = arith.constant 0 : i32
    %dma_wait3A_337 = tpu.memref_slice %arg10[%dma_wait3A_335, %dma_wait3A_336] : memref<10112x32xbf16, #tpu.memory_space<vmem_shared>> -> memref<10112x32xbf16, #tpu.memory_space<vmem_shared>>
    tpu.wait_indirect_dma semaphore(%arg13 : memref<!tpu.dma_semaphore, #tpu.memory_space<semaphore_mem>>) src(%dma_wait3A_331 : memref<128x32xbf16, #tpu.memory_space<vmem>>) dst(%dma_wait3A_337 : memref<10112x32xbf16, #tpu.memory_space<vmem_shared>>)
    %dma_start3A_338 = arith.constant 9 : i32
    %dma_start3A_339 = arith.constant 3 : i32
    %dma_start3A_340 = arith.constant 0 : i32
    %dma_start3A_341 = arith.constant 0 : i32
    %dma_start3A_342 = tpu.memref_slice %arg8[%dma_start3A_339, %dma_start3A_340, %dma_start3A_341] : memref<6x128x32xbf16, #tpu.memory_space<vmem>> -> memref<1x128x32xbf16, #tpu.memory_space<vmem>>
    %dma_start3A_343 = tpu.memref_squeeze %dma_start3A_342 : memref<1x128x32xbf16, #tpu.memory_space<vmem>> -> memref<128x32xbf16, #tpu.memory_space<vmem>>
    %dma_start3A_344 = arith.constant 0 : i32
    %dma_start3A_345 = tpu.memref_slice %arg6[%dma_start3A_338, %dma_start3A_344] : memref<40x128xi32, #tpu.memory_space<vmem>> -> memref<1x128xi32, #tpu.memory_space<vmem>>
    %dma_start3A_346 = tpu.memref_squeeze %dma_start3A_345 : memref<1x128xi32, #tpu.memory_space<vmem>> -> memref<128xi32, #tpu.memory_space<vmem>>
    %dma_start3A_347 = arith.constant 0 : i32
    %dma_start3A_348 = arith.constant 0 : i32
    %dma_start3A_349 = tpu.memref_slice %arg2[%dma_start3A_347, %dma_start3A_348] : memref<270000x32xbf16, #tpu.memory_space<hbm>> -> memref<270000x32xbf16, #tpu.memory_space<hbm>>
    tpu.enqueue_indirect_dma source(%dma_start3A_349 : memref<270000x32xbf16, #tpu.memory_space<hbm>>) target(%dma_start3A_343 : memref<128x32xbf16, #tpu.memory_space<vmem>>) offsets(%dma_start3A_346 : memref<128xi32, #tpu.memory_space<vmem>>) semaphore(%arg12 : memref<!tpu.dma_semaphore, #tpu.memory_space<semaphore_mem>>)
    %dma_wait3A_350 = arith.constant 6 : i32
    %dma_wait3A_351 = arith.constant 0 : i32
    %dma_wait3A_352 = arith.constant 0 : i32
    %dma_wait3A_353 = arith.constant 0 : i32
    %dma_wait3A_354 = tpu.memref_slice %arg8[%dma_wait3A_351, %dma_wait3A_352, %dma_wait3A_353] : memref<6x128x32xbf16, #tpu.memory_space<vmem>> -> memref<1x128x32xbf16, #tpu.memory_space<vmem>>
    %dma_wait3A_355 = tpu.memref_squeeze %dma_wait3A_354 : memref<1x128x32xbf16, #tpu.memory_space<vmem>> -> memref<128x32xbf16, #tpu.memory_space<vmem>>
    %dma_wait3A_356 = arith.constant 0 : i32
    %dma_wait3A_357 = tpu.memref_slice %arg6[%dma_wait3A_350, %dma_wait3A_356] : memref<40x128xi32, #tpu.memory_space<vmem>> -> memref<1x128xi32, #tpu.memory_space<vmem>>
    %dma_wait3A_358 = tpu.memref_squeeze %dma_wait3A_357 : memref<1x128xi32, #tpu.memory_space<vmem>> -> memref<128xi32, #tpu.memory_space<vmem>>
    %dma_wait3A_359 = arith.constant 0 : i32
    %dma_wait3A_360 = arith.constant 0 : i32
    %dma_wait3A_361 = tpu.memref_slice %arg2[%dma_wait3A_359, %dma_wait3A_360] : memref<270000x32xbf16, #tpu.memory_space<hbm>> -> memref<270000x32xbf16, #tpu.memory_space<hbm>>
    tpu.wait_indirect_dma semaphore(%arg12 : memref<!tpu.dma_semaphore, #tpu.memory_space<semaphore_mem>>) src(%dma_wait3A_361 : memref<270000x32xbf16, #tpu.memory_space<hbm>>) dst(%dma_wait3A_355 : memref<128x32xbf16, #tpu.memory_space<vmem>>)
    %dma_start3A_362 = arith.constant 0 : i32
    %dma_start3A_363 = arith.constant 6 : i32
    %dma_start3A_364 = arith.constant 0 : i32
    %dma_start3A_365 = arith.constant 0 : i32
    %dma_start3A_366 = tpu.memref_slice %arg8[%dma_start3A_362, %dma_start3A_364, %dma_start3A_365] : memref<6x128x32xbf16, #tpu.memory_space<vmem>> -> memref<1x128x32xbf16, #tpu.memory_space<vmem>>
    %dma_start3A_367 = tpu.memref_squeeze %dma_start3A_366 : memref<1x128x32xbf16, #tpu.memory_space<vmem>> -> memref<128x32xbf16, #tpu.memory_space<vmem>>
    %dma_start3A_368 = arith.constant 0 : i32
    %dma_start3A_369 = tpu.memref_slice %arg7[%dma_start3A_363, %dma_start3A_368] : memref<40x128xi32, #tpu.memory_space<vmem>> -> memref<1x128xi32, #tpu.memory_space<vmem>>
    %dma_start3A_370 = tpu.memref_squeeze %dma_start3A_369 : memref<1x128xi32, #tpu.memory_space<vmem>> -> memref<128xi32, #tpu.memory_space<vmem>>
    %dma_start3A_371 = arith.constant 0 : i32
    %dma_start3A_372 = arith.constant 0 : i32
    %dma_start3A_373 = tpu.memref_slice %arg10[%dma_start3A_371, %dma_start3A_372] : memref<10112x32xbf16, #tpu.memory_space<vmem_shared>> -> memref<10112x32xbf16, #tpu.memory_space<vmem_shared>>
    tpu.enqueue_indirect_dma source(%dma_start3A_367 : memref<128x32xbf16, #tpu.memory_space<vmem>>) target(%dma_start3A_373 : memref<10112x32xbf16, #tpu.memory_space<vmem_shared>>) offsets(%dma_start3A_370 : memref<128xi32, #tpu.memory_space<vmem>>) semaphore(%arg13 : memref<!tpu.dma_semaphore, #tpu.memory_space<semaphore_mem>>) {add = true}
    %dma_wait3A_374 = arith.constant 4 : i32
    %dma_wait3A_375 = arith.constant 4 : i32
    %dma_wait3A_376 = arith.constant 0 : i32
    %dma_wait3A_377 = arith.constant 0 : i32
    %dma_wait3A_378 = tpu.memref_slice %arg8[%dma_wait3A_374, %dma_wait3A_376, %dma_wait3A_377] : memref<6x128x32xbf16, #tpu.memory_space<vmem>> -> memref<1x128x32xbf16, #tpu.memory_space<vmem>>
    %dma_wait3A_379 = tpu.memref_squeeze %dma_wait3A_378 : memref<1x128x32xbf16, #tpu.memory_space<vmem>> -> memref<128x32xbf16, #tpu.memory_space<vmem>>
    %dma_wait3A_380 = arith.constant 0 : i32
    %dma_wait3A_381 = tpu.memref_slice %arg7[%dma_wait3A_375, %dma_wait3A_380] : memref<40x128xi32, #tpu.memory_space<vmem>> -> memref<1x128xi32, #tpu.memory_space<vmem>>
    %dma_wait3A_382 = tpu.memref_squeeze %dma_wait3A_381 : memref<1x128xi32, #tpu.memory_space<vmem>> -> memref<128xi32, #tpu.memory_space<vmem>>
    %dma_wait3A_383 = arith.constant 0 : i32
    %dma_wait3A_384 = arith.constant 0 : i32
    %dma_wait3A_385 = tpu.memref_slice %arg10[%dma_wait3A_383, %dma_wait3A_384] : memref<10112x32xbf16, #tpu.memory_space<vmem_shared>> -> memref<10112x32xbf16, #tpu.memory_space<vmem_shared>>
    tpu.wait_indirect_dma semaphore(%arg13 : memref<!tpu.dma_semaphore, #tpu.memory_space<semaphore_mem>>) src(%dma_wait3A_379 : memref<128x32xbf16, #tpu.memory_space<vmem>>) dst(%dma_wait3A_385 : memref<10112x32xbf16, #tpu.memory_space<vmem_shared>>)
    %dma_start3A_386 = arith.constant 10 : i32
    %dma_start3A_387 = arith.constant 4 : i32
    %dma_start3A_388 = arith.constant 0 : i32
    %dma_start3A_389 = arith.constant 0 : i32
    %dma_start3A_390 = tpu.memref_slice %arg8[%dma_start3A_387, %dma_start3A_388, %dma_start3A_389] : memref<6x128x32xbf16, #tpu.memory_space<vmem>> -> memref<1x128x32xbf16, #tpu.memory_space<vmem>>
    %dma_start3A_391 = tpu.memref_squeeze %dma_start3A_390 : memref<1x128x32xbf16, #tpu.memory_space<vmem>> -> memref<128x32xbf16, #tpu.memory_space<vmem>>
    %dma_start3A_392 = arith.constant 0 : i32
    %dma_start3A_393 = tpu.memref_slice %arg6[%dma_start3A_386, %dma_start3A_392] : memref<40x128xi32, #tpu.memory_space<vmem>> -> memref<1x128xi32, #tpu.memory_space<vmem>>
    %dma_start3A_394 = tpu.memref_squeeze %dma_start3A_393 : memref<1x128xi32, #tpu.memory_space<vmem>> -> memref<128xi32, #tpu.memory_space<vmem>>
    %dma_start3A_395 = arith.constant 0 : i32
    %dma_start3A_396 = arith.constant 0 : i32
    %dma_start3A_397 = tpu.memref_slice %arg2[%dma_start3A_395, %dma_start3A_396] : memref<270000x32xbf16, #tpu.memory_space<hbm>> -> memref<270000x32xbf16, #tpu.memory_space<hbm>>
    tpu.enqueue_indirect_dma source(%dma_start3A_397 : memref<270000x32xbf16, #tpu.memory_space<hbm>>) target(%dma_start3A_391 : memref<128x32xbf16, #tpu.memory_space<vmem>>) offsets(%dma_start3A_394 : memref<128xi32, #tpu.memory_space<vmem>>) semaphore(%arg12 : memref<!tpu.dma_semaphore, #tpu.memory_space<semaphore_mem>>)
    %dma_wait3A_398 = arith.constant 7 : i32
    %dma_wait3A_399 = arith.constant 1 : i32
    %dma_wait3A_400 = arith.constant 0 : i32
    %dma_wait3A_401 = arith.constant 0 : i32
    %dma_wait3A_402 = tpu.memref_slice %arg8[%dma_wait3A_399, %dma_wait3A_400, %dma_wait3A_401] : memref<6x128x32xbf16, #tpu.memory_space<vmem>> -> memref<1x128x32xbf16, #tpu.memory_space<vmem>>
    %dma_wait3A_403 = tpu.memref_squeeze %dma_wait3A_402 : memref<1x128x32xbf16, #tpu.memory_space<vmem>> -> memref<128x32xbf16, #tpu.memory_space<vmem>>
    %dma_wait3A_404 = arith.constant 0 : i32
    %dma_wait3A_405 = tpu.memref_slice %arg6[%dma_wait3A_398, %dma_wait3A_404] : memref<40x128xi32, #tpu.memory_space<vmem>> -> memref<1x128xi32, #tpu.memory_space<vmem>>
    %dma_wait3A_406 = tpu.memref_squeeze %dma_wait3A_405 : memref<1x128xi32, #tpu.memory_space<vmem>> -> memref<128xi32, #tpu.memory_space<vmem>>
    %dma_wait3A_407 = arith.constant 0 : i32
    %dma_wait3A_408 = arith.constant 0 : i32
    %dma_wait3A_409 = tpu.memref_slice %arg2[%dma_wait3A_407, %dma_wait3A_408] : memref<270000x32xbf16, #tpu.memory_space<hbm>> -> memref<270000x32xbf16, #tpu.memory_space<hbm>>
    tpu.wait_indirect_dma semaphore(%arg12 : memref<!tpu.dma_semaphore, #tpu.memory_space<semaphore_mem>>) src(%dma_wait3A_409 : memref<270000x32xbf16, #tpu.memory_space<hbm>>) dst(%dma_wait3A_403 : memref<128x32xbf16, #tpu.memory_space<vmem>>)
    %dma_start3A_410 = arith.constant 1 : i32
    %dma_start3A_411 = arith.constant 7 : i32
    %dma_start3A_412 = arith.constant 0 : i32
    %dma_start3A_413 = arith.constant 0 : i32
    %dma_start3A_414 = tpu.memref_slice %arg8[%dma_start3A_410, %dma_start3A_412, %dma_start3A_413] : memref<6x128x32xbf16, #tpu.memory_space<vmem>> -> memref<1x128x32xbf16, #tpu.memory_space<vmem>>
    %dma_start3A_415 = tpu.memref_squeeze %dma_start3A_414 : memref<1x128x32xbf16, #tpu.memory_space<vmem>> -> memref<128x32xbf16, #tpu.memory_space<vmem>>
    %dma_start3A_416 = arith.constant 0 : i32
    %dma_start3A_417 = tpu.memref_slice %arg7[%dma_start3A_411, %dma_start3A_416] : memref<40x128xi32, #tpu.memory_space<vmem>> -> memref<1x128xi32, #tpu.memory_space<vmem>>
    %dma_start3A_418 = tpu.memref_squeeze %dma_start3A_417 : memref<1x128xi32, #tpu.memory_space<vmem>> -> memref<128xi32, #tpu.memory_space<vmem>>
    %dma_start3A_419 = arith.constant 0 : i32
    %dma_start3A_420 = arith.constant 0 : i32
    %dma_start3A_421 = tpu.memref_slice %arg10[%dma_start3A_419, %dma_start3A_420] : memref<10112x32xbf16, #tpu.memory_space<vmem_shared>> -> memref<10112x32xbf16, #tpu.memory_space<vmem_shared>>
    tpu.enqueue_indirect_dma source(%dma_start3A_415 : memref<128x32xbf16, #tpu.memory_space<vmem>>) target(%dma_start3A_421 : memref<10112x32xbf16, #tpu.memory_space<vmem_shared>>) offsets(%dma_start3A_418 : memref<128xi32, #tpu.memory_space<vmem>>) semaphore(%arg13 : memref<!tpu.dma_semaphore, #tpu.memory_space<semaphore_mem>>) {add = true}
    %dma_wait3A_422 = arith.constant 5 : i32
    %dma_wait3A_423 = arith.constant 5 : i32
    %dma_wait3A_424 = arith.constant 0 : i32
    %dma_wait3A_425 = arith.constant 0 : i32
    %dma_wait3A_426 = tpu.memref_slice %arg8[%dma_wait3A_422, %dma_wait3A_424, %dma_wait3A_425] : memref<6x128x32xbf16, #tpu.memory_space<vmem>> -> memref<1x128x32xbf16, #tpu.memory_space<vmem>>
    %dma_wait3A_427 = tpu.memref_squeeze %dma_wait3A_426 : memref<1x128x32xbf16, #tpu.memory_space<vmem>> -> memref<128x32xbf16, #tpu.memory_space<vmem>>
    %dma_wait3A_428 = arith.constant 0 : i32
    %dma_wait3A_429 = tpu.memref_slice %arg7[%dma_wait3A_423, %dma_wait3A_428] : memref<40x128xi32, #tpu.memory_space<vmem>> -> memref<1x128xi32, #tpu.memory_space<vmem>>
    %dma_wait3A_430 = tpu.memref_squeeze %dma_wait3A_429 : memref<1x128xi32, #tpu.memory_space<vmem>> -> memref<128xi32, #tpu.memory_space<vmem>>
    %dma_wait3A_431 = arith.constant 0 : i32
    %dma_wait3A_432 = arith.constant 0 : i32
    %dma_wait3A_433 = tpu.memref_slice %arg10[%dma_wait3A_431, %dma_wait3A_432] : memref<10112x32xbf16, #tpu.memory_space<vmem_shared>> -> memref<10112x32xbf16, #tpu.memory_space<vmem_shared>>
    tpu.wait_indirect_dma semaphore(%arg13 : memref<!tpu.dma_semaphore, #tpu.memory_space<semaphore_mem>>) src(%dma_wait3A_427 : memref<128x32xbf16, #tpu.memory_space<vmem>>) dst(%dma_wait3A_433 : memref<10112x32xbf16, #tpu.memory_space<vmem_shared>>)
    %dma_start3A_434 = arith.constant 11 : i32
    %dma_start3A_435 = arith.constant 5 : i32
    %dma_start3A_436 = arith.constant 0 : i32
    %dma_start3A_437 = arith.constant 0 : i32
    %dma_start3A_438 = tpu.memref_slice %arg8[%dma_start3A_435, %dma_start3A_436, %dma_start3A_437] : memref<6x128x32xbf16, #tpu.memory_space<vmem>> -> memref<1x128x32xbf16, #tpu.memory_space<vmem>>
    %dma_start3A_439 = tpu.memref_squeeze %dma_start3A_438 : memref<1x128x32xbf16, #tpu.memory_space<vmem>> -> memref<128x32xbf16, #tpu.memory_space<vmem>>
    %dma_start3A_440 = arith.constant 0 : i32
    %dma_start3A_441 = tpu.memref_slice %arg6[%dma_start3A_434, %dma_start3A_440] : memref<40x128xi32, #tpu.memory_space<vmem>> -> memref<1x128xi32, #tpu.memory_space<vmem>>
    %dma_start3A_442 = tpu.memref_squeeze %dma_start3A_441 : memref<1x128xi32, #tpu.memory_space<vmem>> -> memref<128xi32, #tpu.memory_space<vmem>>
    %dma_start3A_443 = arith.constant 0 : i32
    %dma_start3A_444 = arith.constant 0 : i32
    %dma_start3A_445 = tpu.memref_slice %arg2[%dma_start3A_443, %dma_start3A_444] : memref<270000x32xbf16, #tpu.memory_space<hbm>> -> memref<270000x32xbf16, #tpu.memory_space<hbm>>
    tpu.enqueue_indirect_dma source(%dma_start3A_445 : memref<270000x32xbf16, #tpu.memory_space<hbm>>) target(%dma_start3A_439 : memref<128x32xbf16, #tpu.memory_space<vmem>>) offsets(%dma_start3A_442 : memref<128xi32, #tpu.memory_space<vmem>>) semaphore(%arg12 : memref<!tpu.dma_semaphore, #tpu.memory_space<semaphore_mem>>)
    %dma_wait3A_446 = arith.constant 8 : i32
    %dma_wait3A_447 = arith.constant 2 : i32
    %dma_wait3A_448 = arith.constant 0 : i32
    %dma_wait3A_449 = arith.constant 0 : i32
    %dma_wait3A_450 = tpu.memref_slice %arg8[%dma_wait3A_447, %dma_wait3A_448, %dma_wait3A_449] : memref<6x128x32xbf16, #tpu.memory_space<vmem>> -> memref<1x128x32xbf16, #tpu.memory_space<vmem>>
    %dma_wait3A_451 = tpu.memref_squeeze %dma_wait3A_450 : memref<1x128x32xbf16, #tpu.memory_space<vmem>> -> memref<128x32xbf16, #tpu.memory_space<vmem>>
    %dma_wait3A_452 = arith.constant 0 : i32
    %dma_wait3A_453 = tpu.memref_slice %arg6[%dma_wait3A_446, %dma_wait3A_452] : memref<40x128xi32, #tpu.memory_space<vmem>> -> memref<1x128xi32, #tpu.memory_space<vmem>>
    %dma_wait3A_454 = tpu.memref_squeeze %dma_wait3A_453 : memref<1x128xi32, #tpu.memory_space<vmem>> -> memref<128xi32, #tpu.memory_space<vmem>>
    %dma_wait3A_455 = arith.constant 0 : i32
    %dma_wait3A_456 = arith.constant 0 : i32
    %dma_wait3A_457 = tpu.memref_slice %arg2[%dma_wait3A_455, %dma_wait3A_456] : memref<270000x32xbf16, #tpu.memory_space<hbm>> -> memref<270000x32xbf16, #tpu.memory_space<hbm>>
    tpu.wait_indirect_dma semaphore(%arg12 : memref<!tpu.dma_semaphore, #tpu.memory_space<semaphore_mem>>) src(%dma_wait3A_457 : memref<270000x32xbf16, #tpu.memory_space<hbm>>) dst(%dma_wait3A_451 : memref<128x32xbf16, #tpu.memory_space<vmem>>)
    %dma_start3A_458 = arith.constant 2 : i32
    %dma_start3A_459 = arith.constant 8 : i32
    %dma_start3A_460 = arith.constant 0 : i32
    %dma_start3A_461 = arith.constant 0 : i32
    %dma_start3A_462 = tpu.memref_slice %arg8[%dma_start3A_458, %dma_start3A_460, %dma_start3A_461] : memref<6x128x32xbf16, #tpu.memory_space<vmem>> -> memref<1x128x32xbf16, #tpu.memory_space<vmem>>
    %dma_start3A_463 = tpu.memref_squeeze %dma_start3A_462 : memref<1x128x32xbf16, #tpu.memory_space<vmem>> -> memref<128x32xbf16, #tpu.memory_space<vmem>>
    %dma_start3A_464 = arith.constant 0 : i32
    %dma_start3A_465 = tpu.memref_slice %arg7[%dma_start3A_459, %dma_start3A_464] : memref<40x128xi32, #tpu.memory_space<vmem>> -> memref<1x128xi32, #tpu.memory_space<vmem>>
    %dma_start3A_466 = tpu.memref_squeeze %dma_start3A_465 : memref<1x128xi32, #tpu.memory_space<vmem>> -> memref<128xi32, #tpu.memory_space<vmem>>
    %dma_start3A_467 = arith.constant 0 : i32
    %dma_start3A_468 = arith.constant 0 : i32
    %dma_start3A_469 = tpu.memref_slice %arg10[%dma_start3A_467, %dma_start3A_468] : memref<10112x32xbf16, #tpu.memory_space<vmem_shared>> -> memref<10112x32xbf16, #tpu.memory_space<vmem_shared>>
    tpu.enqueue_indirect_dma source(%dma_start3A_463 : memref<128x32xbf16, #tpu.memory_space<vmem>>) target(%dma_start3A_469 : memref<10112x32xbf16, #tpu.memory_space<vmem_shared>>) offsets(%dma_start3A_466 : memref<128xi32, #tpu.memory_space<vmem>>) semaphore(%arg13 : memref<!tpu.dma_semaphore, #tpu.memory_space<semaphore_mem>>) {add = true}
    %dma_wait3A_470 = arith.constant 0 : i32
    %dma_wait3A_471 = arith.constant 6 : i32
    %dma_wait3A_472 = arith.constant 0 : i32
    %dma_wait3A_473 = arith.constant 0 : i32
    %dma_wait3A_474 = tpu.memref_slice %arg8[%dma_wait3A_470, %dma_wait3A_472, %dma_wait3A_473] : memref<6x128x32xbf16, #tpu.memory_space<vmem>> -> memref<1x128x32xbf16, #tpu.memory_space<vmem>>
    %dma_wait3A_475 = tpu.memref_squeeze %dma_wait3A_474 : memref<1x128x32xbf16, #tpu.memory_space<vmem>> -> memref<128x32xbf16, #tpu.memory_space<vmem>>
    %dma_wait3A_476 = arith.constant 0 : i32
    %dma_wait3A_477 = tpu.memref_slice %arg7[%dma_wait3A_471, %dma_wait3A_476] : memref<40x128xi32, #tpu.memory_space<vmem>> -> memref<1x128xi32, #tpu.memory_space<vmem>>
    %dma_wait3A_478 = tpu.memref_squeeze %dma_wait3A_477 : memref<1x128xi32, #tpu.memory_space<vmem>> -> memref<128xi32, #tpu.memory_space<vmem>>
    %dma_wait3A_479 = arith.constant 0 : i32
    %dma_wait3A_480 = arith.constant 0 : i32
    %dma_wait3A_481 = tpu.memref_slice %arg10[%dma_wait3A_479, %dma_wait3A_480] : memref<10112x32xbf16, #tpu.memory_space<vmem_shared>> -> memref<10112x32xbf16, #tpu.memory_space<vmem_shared>>
    tpu.wait_indirect_dma semaphore(%arg13 : memref<!tpu.dma_semaphore, #tpu.memory_space<semaphore_mem>>) src(%dma_wait3A_475 : memref<128x32xbf16, #tpu.memory_space<vmem>>) dst(%dma_wait3A_481 : memref<10112x32xbf16, #tpu.memory_space<vmem_shared>>)
    %dma_start3A_482 = arith.constant 12 : i32
    %dma_start3A_483 = arith.constant 0 : i32
    %dma_start3A_484 = arith.constant 0 : i32
    %dma_start3A_485 = arith.constant 0 : i32
    %dma_start3A_486 = tpu.memref_slice %arg8[%dma_start3A_483, %dma_start3A_484, %dma_start3A_485] : memref<6x128x32xbf16, #tpu.memory_space<vmem>> -> memref<1x128x32xbf16, #tpu.memory_space<vmem>>
    %dma_start3A_487 = tpu.memref_squeeze %dma_start3A_486 : memref<1x128x32xbf16, #tpu.memory_space<vmem>> -> memref<128x32xbf16, #tpu.memory_space<vmem>>
    %dma_start3A_488 = arith.constant 0 : i32
    %dma_start3A_489 = tpu.memref_slice %arg6[%dma_start3A_482, %dma_start3A_488] : memref<40x128xi32, #tpu.memory_space<vmem>> -> memref<1x128xi32, #tpu.memory_space<vmem>>
    %dma_start3A_490 = tpu.memref_squeeze %dma_start3A_489 : memref<1x128xi32, #tpu.memory_space<vmem>> -> memref<128xi32, #tpu.memory_space<vmem>>
    %dma_start3A_491 = arith.constant 0 : i32
    %dma_start3A_492 = arith.constant 0 : i32
    %dma_start3A_493 = tpu.memref_slice %arg2[%dma_start3A_491, %dma_start3A_492] : memref<270000x32xbf16, #tpu.memory_space<hbm>> -> memref<270000x32xbf16, #tpu.memory_space<hbm>>
    tpu.enqueue_indirect_dma source(%dma_start3A_493 : memref<270000x32xbf16, #tpu.memory_space<hbm>>) target(%dma_start3A_487 : memref<128x32xbf16, #tpu.memory_space<vmem>>) offsets(%dma_start3A_490 : memref<128xi32, #tpu.memory_space<vmem>>) semaphore(%arg12 : memref<!tpu.dma_semaphore, #tpu.memory_space<semaphore_mem>>)
    %dma_wait3A_494 = arith.constant 9 : i32
    %dma_wait3A_495 = arith.constant 3 : i32
    %dma_wait3A_496 = arith.constant 0 : i32
    %dma_wait3A_497 = arith.constant 0 : i32
    %dma_wait3A_498 = tpu.memref_slice %arg8[%dma_wait3A_495, %dma_wait3A_496, %dma_wait3A_497] : memref<6x128x32xbf16, #tpu.memory_space<vmem>> -> memref<1x128x32xbf16, #tpu.memory_space<vmem>>
    %dma_wait3A_499 = tpu.memref_squeeze %dma_wait3A_498 : memref<1x128x32xbf16, #tpu.memory_space<vmem>> -> memref<128x32xbf16, #tpu.memory_space<vmem>>
    %dma_wait3A_500 = arith.constant 0 : i32
    %dma_wait3A_501 = tpu.memref_slice %arg6[%dma_wait3A_494, %dma_wait3A_500] : memref<40x128xi32, #tpu.memory_space<vmem>> -> memref<1x128xi32, #tpu.memory_space<vmem>>
    %dma_wait3A_502 = tpu.memref_squeeze %dma_wait3A_501 : memref<1x128xi32, #tpu.memory_space<vmem>> -> memref<128xi32, #tpu.memory_space<vmem>>
    %dma_wait3A_503 = arith.constant 0 : i32
    %dma_wait3A_504 = arith.constant 0 : i32
    %dma_wait3A_505 = tpu.memref_slice %arg2[%dma_wait3A_503, %dma_wait3A_504] : memref<270000x32xbf16, #tpu.memory_space<hbm>> -> memref<270000x32xbf16, #tpu.memory_space<hbm>>
    tpu.wait_indirect_dma semaphore(%arg12 : memref<!tpu.dma_semaphore, #tpu.memory_space<semaphore_mem>>) src(%dma_wait3A_505 : memref<270000x32xbf16, #tpu.memory_space<hbm>>) dst(%dma_wait3A_499 : memref<128x32xbf16, #tpu.memory_space<vmem>>)
    %dma_start3A_506 = arith.constant 3 : i32
    %dma_start3A_507 = arith.constant 9 : i32
    %dma_start3A_508 = arith.constant 0 : i32
    %dma_start3A_509 = arith.constant 0 : i32
    %dma_start3A_510 = tpu.memref_slice %arg8[%dma_start3A_506, %dma_start3A_508, %dma_start3A_509] : memref<6x128x32xbf16, #tpu.memory_space<vmem>> -> memref<1x128x32xbf16, #tpu.memory_space<vmem>>
    %dma_start3A_511 = tpu.memref_squeeze %dma_start3A_510 : memref<1x128x32xbf16, #tpu.memory_space<vmem>> -> memref<128x32xbf16, #tpu.memory_space<vmem>>
    %dma_start3A_512 = arith.constant 0 : i32
    %dma_start3A_513 = tpu.memref_slice %arg7[%dma_start3A_507, %dma_start3A_512] : memref<40x128xi32, #tpu.memory_space<vmem>> -> memref<1x128xi32, #tpu.memory_space<vmem>>
    %dma_start3A_514 = tpu.memref_squeeze %dma_start3A_513 : memref<1x128xi32, #tpu.memory_space<vmem>> -> memref<128xi32, #tpu.memory_space<vmem>>
    %dma_start3A_515 = arith.constant 0 : i32
    %dma_start3A_516 = arith.constant 0 : i32
    %dma_start3A_517 = tpu.memref_slice %arg10[%dma_start3A_515, %dma_start3A_516] : memref<10112x32xbf16, #tpu.memory_space<vmem_shared>> -> memref<10112x32xbf16, #tpu.memory_space<vmem_shared>>
    tpu.enqueue_indirect_dma source(%dma_start3A_511 : memref<128x32xbf16, #tpu.memory_space<vmem>>) target(%dma_start3A_517 : memref<10112x32xbf16, #tpu.memory_space<vmem_shared>>) offsets(%dma_start3A_514 : memref<128xi32, #tpu.memory_space<vmem>>) semaphore(%arg13 : memref<!tpu.dma_semaphore, #tpu.memory_space<semaphore_mem>>) {add = true}
    %dma_wait3A_518 = arith.constant 1 : i32
    %dma_wait3A_519 = arith.constant 7 : i32
    %dma_wait3A_520 = arith.constant 0 : i32
    %dma_wait3A_521 = arith.constant 0 : i32
    %dma_wait3A_522 = tpu.memref_slice %arg8[%dma_wait3A_518, %dma_wait3A_520, %dma_wait3A_521] : memref<6x128x32xbf16, #tpu.memory_space<vmem>> -> memref<1x128x32xbf16, #tpu.memory_space<vmem>>
    %dma_wait3A_523 = tpu.memref_squeeze %dma_wait3A_522 : memref<1x128x32xbf16, #tpu.memory_space<vmem>> -> memref<128x32xbf16, #tpu.memory_space<vmem>>
    %dma_wait3A_524 = arith.constant 0 : i32
    %dma_wait3A_525 = tpu.memref_slice %arg7[%dma_wait3A_519, %dma_wait3A_524] : memref<40x128xi32, #tpu.memory_space<vmem>> -> memref<1x128xi32, #tpu.memory_space<vmem>>
    %dma_wait3A_526 = tpu.memref_squeeze %dma_wait3A_525 : memref<1x128xi32, #tpu.memory_space<vmem>> -> memref<128xi32, #tpu.memory_space<vmem>>
    %dma_wait3A_527 = arith.constant 0 : i32
    %dma_wait3A_528 = arith.constant 0 : i32
    %dma_wait3A_529 = tpu.memref_slice %arg10[%dma_wait3A_527, %dma_wait3A_528] : memref<10112x32xbf16, #tpu.memory_space<vmem_shared>> -> memref<10112x32xbf16, #tpu.memory_space<vmem_shared>>
    tpu.wait_indirect_dma semaphore(%arg13 : memref<!tpu.dma_semaphore, #tpu.memory_space<semaphore_mem>>) src(%dma_wait3A_523 : memref<128x32xbf16, #tpu.memory_space<vmem>>) dst(%dma_wait3A_529 : memref<10112x32xbf16, #tpu.memory_space<vmem_shared>>)
    %dma_start3A_530 = arith.constant 13 : i32
    %dma_start3A_531 = arith.constant 1 : i32
    %dma_start3A_532 = arith.constant 0 : i32
    %dma_start3A_533 = arith.constant 0 : i32
    %dma_start3A_534 = tpu.memref_slice %arg8[%dma_start3A_531, %dma_start3A_532, %dma_start3A_533] : memref<6x128x32xbf16, #tpu.memory_space<vmem>> -> memref<1x128x32xbf16, #tpu.memory_space<vmem>>
    %dma_start3A_535 = tpu.memref_squeeze %dma_start3A_534 : memref<1x128x32xbf16, #tpu.memory_space<vmem>> -> memref<128x32xbf16, #tpu.memory_space<vmem>>
    %dma_start3A_536 = arith.constant 0 : i32
    %dma_start3A_537 = tpu.memref_slice %arg6[%dma_start3A_530, %dma_start3A_536] : memref<40x128xi32, #tpu.memory_space<vmem>> -> memref<1x128xi32, #tpu.memory_space<vmem>>
    %dma_start3A_538 = tpu.memref_squeeze %dma_start3A_537 : memref<1x128xi32, #tpu.memory_space<vmem>> -> memref<128xi32, #tpu.memory_space<vmem>>
    %dma_start3A_539 = arith.constant 0 : i32
    %dma_start3A_540 = arith.constant 0 : i32
    %dma_start3A_541 = tpu.memref_slice %arg2[%dma_start3A_539, %dma_start3A_540] : memref<270000x32xbf16, #tpu.memory_space<hbm>> -> memref<270000x32xbf16, #tpu.memory_space<hbm>>
    tpu.enqueue_indirect_dma source(%dma_start3A_541 : memref<270000x32xbf16, #tpu.memory_space<hbm>>) target(%dma_start3A_535 : memref<128x32xbf16, #tpu.memory_space<vmem>>) offsets(%dma_start3A_538 : memref<128xi32, #tpu.memory_space<vmem>>) semaphore(%arg12 : memref<!tpu.dma_semaphore, #tpu.memory_space<semaphore_mem>>)
    %dma_wait3A_542 = arith.constant 10 : i32
    %dma_wait3A_543 = arith.constant 4 : i32
    %dma_wait3A_544 = arith.constant 0 : i32
    %dma_wait3A_545 = arith.constant 0 : i32
    %dma_wait3A_546 = tpu.memref_slice %arg8[%dma_wait3A_543, %dma_wait3A_544, %dma_wait3A_545] : memref<6x128x32xbf16, #tpu.memory_space<vmem>> -> memref<1x128x32xbf16, #tpu.memory_space<vmem>>
    %dma_wait3A_547 = tpu.memref_squeeze %dma_wait3A_546 : memref<1x128x32xbf16, #tpu.memory_space<vmem>> -> memref<128x32xbf16, #tpu.memory_space<vmem>>
    %dma_wait3A_548 = arith.constant 0 : i32
    %dma_wait3A_549 = tpu.memref_slice %arg6[%dma_wait3A_542, %dma_wait3A_548] : memref<40x128xi32, #tpu.memory_space<vmem>> -> memref<1x128xi32, #tpu.memory_space<vmem>>
    %dma_wait3A_550 = tpu.memref_squeeze %dma_wait3A_549 : memref<1x128xi32, #tpu.memory_space<vmem>> -> memref<128xi32, #tpu.memory_space<vmem>>
    %dma_wait3A_551 = arith.constant 0 : i32
    %dma_wait3A_552 = arith.constant 0 : i32
    %dma_wait3A_553 = tpu.memref_slice %arg2[%dma_wait3A_551, %dma_wait3A_552] : memref<270000x32xbf16, #tpu.memory_space<hbm>> -> memref<270000x32xbf16, #tpu.memory_space<hbm>>
    tpu.wait_indirect_dma semaphore(%arg12 : memref<!tpu.dma_semaphore, #tpu.memory_space<semaphore_mem>>) src(%dma_wait3A_553 : memref<270000x32xbf16, #tpu.memory_space<hbm>>) dst(%dma_wait3A_547 : memref<128x32xbf16, #tpu.memory_space<vmem>>)
    %dma_start3A_554 = arith.constant 4 : i32
    %dma_start3A_555 = arith.constant 10 : i32
    %dma_start3A_556 = arith.constant 0 : i32
    %dma_start3A_557 = arith.constant 0 : i32
    %dma_start3A_558 = tpu.memref_slice %arg8[%dma_start3A_554, %dma_start3A_556, %dma_start3A_557] : memref<6x128x32xbf16, #tpu.memory_space<vmem>> -> memref<1x128x32xbf16, #tpu.memory_space<vmem>>
    %dma_start3A_559 = tpu.memref_squeeze %dma_start3A_558 : memref<1x128x32xbf16, #tpu.memory_space<vmem>> -> memref<128x32xbf16, #tpu.memory_space<vmem>>
    %dma_start3A_560 = arith.constant 0 : i32
    %dma_start3A_561 = tpu.memref_slice %arg7[%dma_start3A_555, %dma_start3A_560] : memref<40x128xi32, #tpu.memory_space<vmem>> -> memref<1x128xi32, #tpu.memory_space<vmem>>
    %dma_start3A_562 = tpu.memref_squeeze %dma_start3A_561 : memref<1x128xi32, #tpu.memory_space<vmem>> -> memref<128xi32, #tpu.memory_space<vmem>>
    %dma_start3A_563 = arith.constant 0 : i32
    %dma_start3A_564 = arith.constant 0 : i32
    %dma_start3A_565 = tpu.memref_slice %arg10[%dma_start3A_563, %dma_start3A_564] : memref<10112x32xbf16, #tpu.memory_space<vmem_shared>> -> memref<10112x32xbf16, #tpu.memory_space<vmem_shared>>
    tpu.enqueue_indirect_dma source(%dma_start3A_559 : memref<128x32xbf16, #tpu.memory_space<vmem>>) target(%dma_start3A_565 : memref<10112x32xbf16, #tpu.memory_space<vmem_shared>>) offsets(%dma_start3A_562 : memref<128xi32, #tpu.memory_space<vmem>>) semaphore(%arg13 : memref<!tpu.dma_semaphore, #tpu.memory_space<semaphore_mem>>) {add = true}
    %dma_wait3A_566 = arith.constant 2 : i32
    %dma_wait3A_567 = arith.constant 8 : i32
    %dma_wait3A_568 = arith.constant 0 : i32
    %dma_wait3A_569 = arith.constant 0 : i32
    %dma_wait3A_570 = tpu.memref_slice %arg8[%dma_wait3A_566, %dma_wait3A_568, %dma_wait3A_569] : memref<6x128x32xbf16, #tpu.memory_space<vmem>> -> memref<1x128x32xbf16, #tpu.memory_space<vmem>>
    %dma_wait3A_571 = tpu.memref_squeeze %dma_wait3A_570 : memref<1x128x32xbf16, #tpu.memory_space<vmem>> -> memref<128x32xbf16, #tpu.memory_space<vmem>>
    %dma_wait3A_572 = arith.constant 0 : i32
    %dma_wait3A_573 = tpu.memref_slice %arg7[%dma_wait3A_567, %dma_wait3A_572] : memref<40x128xi32, #tpu.memory_space<vmem>> -> memref<1x128xi32, #tpu.memory_space<vmem>>
    %dma_wait3A_574 = tpu.memref_squeeze %dma_wait3A_573 : memref<1x128xi32, #tpu.memory_space<vmem>> -> memref<128xi32, #tpu.memory_space<vmem>>
    %dma_wait3A_575 = arith.constant 0 : i32
    %dma_wait3A_576 = arith.constant 0 : i32
    %dma_wait3A_577 = tpu.memref_slice %arg10[%dma_wait3A_575, %dma_wait3A_576] : memref<10112x32xbf16, #tpu.memory_space<vmem_shared>> -> memref<10112x32xbf16, #tpu.memory_space<vmem_shared>>
    tpu.wait_indirect_dma semaphore(%arg13 : memref<!tpu.dma_semaphore, #tpu.memory_space<semaphore_mem>>) src(%dma_wait3A_571 : memref<128x32xbf16, #tpu.memory_space<vmem>>) dst(%dma_wait3A_577 : memref<10112x32xbf16, #tpu.memory_space<vmem_shared>>)
    %dma_start3A_578 = arith.constant 14 : i32
    %dma_start3A_579 = arith.constant 2 : i32
    %dma_start3A_580 = arith.constant 0 : i32
    %dma_start3A_581 = arith.constant 0 : i32
    %dma_start3A_582 = tpu.memref_slice %arg8[%dma_start3A_579, %dma_start3A_580, %dma_start3A_581] : memref<6x128x32xbf16, #tpu.memory_space<vmem>> -> memref<1x128x32xbf16, #tpu.memory_space<vmem>>
    %dma_start3A_583 = tpu.memref_squeeze %dma_start3A_582 : memref<1x128x32xbf16, #tpu.memory_space<vmem>> -> memref<128x32xbf16, #tpu.memory_space<vmem>>
    %dma_start3A_584 = arith.constant 0 : i32
    %dma_start3A_585 = tpu.memref_slice %arg6[%dma_start3A_578, %dma_start3A_584] : memref<40x128xi32, #tpu.memory_space<vmem>> -> memref<1x128xi32, #tpu.memory_space<vmem>>
    %dma_start3A_586 = tpu.memref_squeeze %dma_start3A_585 : memref<1x128xi32, #tpu.memory_space<vmem>> -> memref<128xi32, #tpu.memory_space<vmem>>
    %dma_start3A_587 = arith.constant 0 : i32
    %dma_start3A_588 = arith.constant 0 : i32
    %dma_start3A_589 = tpu.memref_slice %arg2[%dma_start3A_587, %dma_start3A_588] : memref<270000x32xbf16, #tpu.memory_space<hbm>> -> memref<270000x32xbf16, #tpu.memory_space<hbm>>
    tpu.enqueue_indirect_dma source(%dma_start3A_589 : memref<270000x32xbf16, #tpu.memory_space<hbm>>) target(%dma_start3A_583 : memref<128x32xbf16, #tpu.memory_space<vmem>>) offsets(%dma_start3A_586 : memref<128xi32, #tpu.memory_space<vmem>>) semaphore(%arg12 : memref<!tpu.dma_semaphore, #tpu.memory_space<semaphore_mem>>)
    %dma_wait3A_590 = arith.constant 11 : i32
    %dma_wait3A_591 = arith.constant 5 : i32
    %dma_wait3A_592 = arith.constant 0 : i32
    %dma_wait3A_593 = arith.constant 0 : i32
    %dma_wait3A_594 = tpu.memref_slice %arg8[%dma_wait3A_591, %dma_wait3A_592, %dma_wait3A_593] : memref<6x128x32xbf16, #tpu.memory_space<vmem>> -> memref<1x128x32xbf16, #tpu.memory_space<vmem>>
    %dma_wait3A_595 = tpu.memref_squeeze %dma_wait3A_594 : memref<1x128x32xbf16, #tpu.memory_space<vmem>> -> memref<128x32xbf16, #tpu.memory_space<vmem>>
    %dma_wait3A_596 = arith.constant 0 : i32
    %dma_wait3A_597 = tpu.memref_slice %arg6[%dma_wait3A_590, %dma_wait3A_596] : memref<40x128xi32, #tpu.memory_space<vmem>> -> memref<1x128xi32, #tpu.memory_space<vmem>>
    %dma_wait3A_598 = tpu.memref_squeeze %dma_wait3A_597 : memref<1x128xi32, #tpu.memory_space<vmem>> -> memref<128xi32, #tpu.memory_space<vmem>>
    %dma_wait3A_599 = arith.constant 0 : i32
    %dma_wait3A_600 = arith.constant 0 : i32
    %dma_wait3A_601 = tpu.memref_slice %arg2[%dma_wait3A_599, %dma_wait3A_600] : memref<270000x32xbf16, #tpu.memory_space<hbm>> -> memref<270000x32xbf16, #tpu.memory_space<hbm>>
    tpu.wait_indirect_dma semaphore(%arg12 : memref<!tpu.dma_semaphore, #tpu.memory_space<semaphore_mem>>) src(%dma_wait3A_601 : memref<270000x32xbf16, #tpu.memory_space<hbm>>) dst(%dma_wait3A_595 : memref<128x32xbf16, #tpu.memory_space<vmem>>)
    %dma_start3A_602 = arith.constant 5 : i32
    %dma_start3A_603 = arith.constant 11 : i32
    %dma_start3A_604 = arith.constant 0 : i32
    %dma_start3A_605 = arith.constant 0 : i32
    %dma_start3A_606 = tpu.memref_slice %arg8[%dma_start3A_602, %dma_start3A_604, %dma_start3A_605] : memref<6x128x32xbf16, #tpu.memory_space<vmem>> -> memref<1x128x32xbf16, #tpu.memory_space<vmem>>
    %dma_start3A_607 = tpu.memref_squeeze %dma_start3A_606 : memref<1x128x32xbf16, #tpu.memory_space<vmem>> -> memref<128x32xbf16, #tpu.memory_space<vmem>>
    %dma_start3A_608 = arith.constant 0 : i32
    %dma_start3A_609 = tpu.memref_slice %arg7[%dma_start3A_603, %dma_start3A_608] : memref<40x128xi32, #tpu.memory_space<vmem>> -> memref<1x128xi32, #tpu.memory_space<vmem>>
    %dma_start3A_610 = tpu.memref_squeeze %dma_start3A_609 : memref<1x128xi32, #tpu.memory_space<vmem>> -> memref<128xi32, #tpu.memory_space<vmem>>
    %dma_start3A_611 = arith.constant 0 : i32
    %dma_start3A_612 = arith.constant 0 : i32
    %dma_start3A_613 = tpu.memref_slice %arg10[%dma_start3A_611, %dma_start3A_612] : memref<10112x32xbf16, #tpu.memory_space<vmem_shared>> -> memref<10112x32xbf16, #tpu.memory_space<vmem_shared>>
    tpu.enqueue_indirect_dma source(%dma_start3A_607 : memref<128x32xbf16, #tpu.memory_space<vmem>>) target(%dma_start3A_613 : memref<10112x32xbf16, #tpu.memory_space<vmem_shared>>) offsets(%dma_start3A_610 : memref<128xi32, #tpu.memory_space<vmem>>) semaphore(%arg13 : memref<!tpu.dma_semaphore, #tpu.memory_space<semaphore_mem>>) {add = true}
    %dma_wait3A_614 = arith.constant 3 : i32
    %dma_wait3A_615 = arith.constant 9 : i32
    %dma_wait3A_616 = arith.constant 0 : i32
    %dma_wait3A_617 = arith.constant 0 : i32
    %dma_wait3A_618 = tpu.memref_slice %arg8[%dma_wait3A_614, %dma_wait3A_616, %dma_wait3A_617] : memref<6x128x32xbf16, #tpu.memory_space<vmem>> -> memref<1x128x32xbf16, #tpu.memory_space<vmem>>
    %dma_wait3A_619 = tpu.memref_squeeze %dma_wait3A_618 : memref<1x128x32xbf16, #tpu.memory_space<vmem>> -> memref<128x32xbf16, #tpu.memory_space<vmem>>
    %dma_wait3A_620 = arith.constant 0 : i32
    %dma_wait3A_621 = tpu.memref_slice %arg7[%dma_wait3A_615, %dma_wait3A_620] : memref<40x128xi32, #tpu.memory_space<vmem>> -> memref<1x128xi32, #tpu.memory_space<vmem>>
    %dma_wait3A_622 = tpu.memref_squeeze %dma_wait3A_621 : memref<1x128xi32, #tpu.memory_space<vmem>> -> memref<128xi32, #tpu.memory_space<vmem>>
    %dma_wait3A_623 = arith.constant 0 : i32
    %dma_wait3A_624 = arith.constant 0 : i32
    %dma_wait3A_625 = tpu.memref_slice %arg10[%dma_wait3A_623, %dma_wait3A_624] : memref<10112x32xbf16, #tpu.memory_space<vmem_shared>> -> memref<10112x32xbf16, #tpu.memory_space<vmem_shared>>
    tpu.wait_indirect_dma semaphore(%arg13 : memref<!tpu.dma_semaphore, #tpu.memory_space<semaphore_mem>>) src(%dma_wait3A_619 : memref<128x32xbf16, #tpu.memory_space<vmem>>) dst(%dma_wait3A_625 : memref<10112x32xbf16, #tpu.memory_space<vmem_shared>>)
    %dma_start3A_626 = arith.constant 15 : i32
    %dma_start3A_627 = arith.constant 3 : i32
    %dma_start3A_628 = arith.constant 0 : i32
    %dma_start3A_629 = arith.constant 0 : i32
    %dma_start3A_630 = tpu.memref_slice %arg8[%dma_start3A_627, %dma_start3A_628, %dma_start3A_629] : memref<6x128x32xbf16, #tpu.memory_space<vmem>> -> memref<1x128x32xbf16, #tpu.memory_space<vmem>>
    %dma_start3A_631 = tpu.memref_squeeze %dma_start3A_630 : memref<1x128x32xbf16, #tpu.memory_space<vmem>> -> memref<128x32xbf16, #tpu.memory_space<vmem>>
    %dma_start3A_632 = arith.constant 0 : i32
    %dma_start3A_633 = tpu.memref_slice %arg6[%dma_start3A_626, %dma_start3A_632] : memref<40x128xi32, #tpu.memory_space<vmem>> -> memref<1x128xi32, #tpu.memory_space<vmem>>
    %dma_start3A_634 = tpu.memref_squeeze %dma_start3A_633 : memref<1x128xi32, #tpu.memory_space<vmem>> -> memref<128xi32, #tpu.memory_space<vmem>>
    %dma_start3A_635 = arith.constant 0 : i32
    %dma_start3A_636 = arith.constant 0 : i32
    %dma_start3A_637 = tpu.memref_slice %arg2[%dma_start3A_635, %dma_start3A_636] : memref<270000x32xbf16, #tpu.memory_space<hbm>> -> memref<270000x32xbf16, #tpu.memory_space<hbm>>
    tpu.enqueue_indirect_dma source(%dma_start3A_637 : memref<270000x32xbf16, #tpu.memory_space<hbm>>) target(%dma_start3A_631 : memref<128x32xbf16, #tpu.memory_space<vmem>>) offsets(%dma_start3A_634 : memref<128xi32, #tpu.memory_space<vmem>>) semaphore(%arg12 : memref<!tpu.dma_semaphore, #tpu.memory_space<semaphore_mem>>)
    %dma_wait3A_638 = arith.constant 12 : i32
    %dma_wait3A_639 = arith.constant 0 : i32
    %dma_wait3A_640 = arith.constant 0 : i32
    %dma_wait3A_641 = arith.constant 0 : i32
    %dma_wait3A_642 = tpu.memref_slice %arg8[%dma_wait3A_639, %dma_wait3A_640, %dma_wait3A_641] : memref<6x128x32xbf16, #tpu.memory_space<vmem>> -> memref<1x128x32xbf16, #tpu.memory_space<vmem>>
    %dma_wait3A_643 = tpu.memref_squeeze %dma_wait3A_642 : memref<1x128x32xbf16, #tpu.memory_space<vmem>> -> memref<128x32xbf16, #tpu.memory_space<vmem>>
    %dma_wait3A_644 = arith.constant 0 : i32
    %dma_wait3A_645 = tpu.memref_slice %arg6[%dma_wait3A_638, %dma_wait3A_644] : memref<40x128xi32, #tpu.memory_space<vmem>> -> memref<1x128xi32, #tpu.memory_space<vmem>>
    %dma_wait3A_646 = tpu.memref_squeeze %dma_wait3A_645 : memref<1x128xi32, #tpu.memory_space<vmem>> -> memref<128xi32, #tpu.memory_space<vmem>>
    %dma_wait3A_647 = arith.constant 0 : i32
    %dma_wait3A_648 = arith.constant 0 : i32
    %dma_wait3A_649 = tpu.memref_slice %arg2[%dma_wait3A_647, %dma_wait3A_648] : memref<270000x32xbf16, #tpu.memory_space<hbm>> -> memref<270000x32xbf16, #tpu.memory_space<hbm>>
    tpu.wait_indirect_dma semaphore(%arg12 : memref<!tpu.dma_semaphore, #tpu.memory_space<semaphore_mem>>) src(%dma_wait3A_649 : memref<270000x32xbf16, #tpu.memory_space<hbm>>) dst(%dma_wait3A_643 : memref<128x32xbf16, #tpu.memory_space<vmem>>)
    %dma_start3A_650 = arith.constant 0 : i32
    %dma_start3A_651 = arith.constant 12 : i32
    %dma_start3A_652 = arith.constant 0 : i32
    %dma_start3A_653 = arith.constant 0 : i32
    %dma_start3A_654 = tpu.memref_slice %arg8[%dma_start3A_650, %dma_start3A_652, %dma_start3A_653] : memref<6x128x32xbf16, #tpu.memory_space<vmem>> -> memref<1x128x32xbf16, #tpu.memory_space<vmem>>
    %dma_start3A_655 = tpu.memref_squeeze %dma_start3A_654 : memref<1x128x32xbf16, #tpu.memory_space<vmem>> -> memref<128x32xbf16, #tpu.memory_space<vmem>>
    %dma_start3A_656 = arith.constant 0 : i32
    %dma_start3A_657 = tpu.memref_slice %arg7[%dma_start3A_651, %dma_start3A_656] : memref<40x128xi32, #tpu.memory_space<vmem>> -> memref<1x128xi32, #tpu.memory_space<vmem>>
    %dma_start3A_658 = tpu.memref_squeeze %dma_start3A_657 : memref<1x128xi32, #tpu.memory_space<vmem>> -> memref<128xi32, #tpu.memory_space<vmem>>
    %dma_start3A_659 = arith.constant 0 : i32
    %dma_start3A_660 = arith.constant 0 : i32
    %dma_start3A_661 = tpu.memref_slice %arg10[%dma_start3A_659, %dma_start3A_660] : memref<10112x32xbf16, #tpu.memory_space<vmem_shared>> -> memref<10112x32xbf16, #tpu.memory_space<vmem_shared>>
    tpu.enqueue_indirect_dma source(%dma_start3A_655 : memref<128x32xbf16, #tpu.memory_space<vmem>>) target(%dma_start3A_661 : memref<10112x32xbf16, #tpu.memory_space<vmem_shared>>) offsets(%dma_start3A_658 : memref<128xi32, #tpu.memory_space<vmem>>) semaphore(%arg13 : memref<!tpu.dma_semaphore, #tpu.memory_space<semaphore_mem>>) {add = true}
    %dma_wait3A_662 = arith.constant 4 : i32
    %dma_wait3A_663 = arith.constant 10 : i32
    %dma_wait3A_664 = arith.constant 0 : i32
    %dma_wait3A_665 = arith.constant 0 : i32
    %dma_wait3A_666 = tpu.memref_slice %arg8[%dma_wait3A_662, %dma_wait3A_664, %dma_wait3A_665] : memref<6x128x32xbf16, #tpu.memory_space<vmem>> -> memref<1x128x32xbf16, #tpu.memory_space<vmem>>
    %dma_wait3A_667 = tpu.memref_squeeze %dma_wait3A_666 : memref<1x128x32xbf16, #tpu.memory_space<vmem>> -> memref<128x32xbf16, #tpu.memory_space<vmem>>
    %dma_wait3A_668 = arith.constant 0 : i32
    %dma_wait3A_669 = tpu.memref_slice %arg7[%dma_wait3A_663, %dma_wait3A_668] : memref<40x128xi32, #tpu.memory_space<vmem>> -> memref<1x128xi32, #tpu.memory_space<vmem>>
    %dma_wait3A_670 = tpu.memref_squeeze %dma_wait3A_669 : memref<1x128xi32, #tpu.memory_space<vmem>> -> memref<128xi32, #tpu.memory_space<vmem>>
    %dma_wait3A_671 = arith.constant 0 : i32
    %dma_wait3A_672 = arith.constant 0 : i32
    %dma_wait3A_673 = tpu.memref_slice %arg10[%dma_wait3A_671, %dma_wait3A_672] : memref<10112x32xbf16, #tpu.memory_space<vmem_shared>> -> memref<10112x32xbf16, #tpu.memory_space<vmem_shared>>
    tpu.wait_indirect_dma semaphore(%arg13 : memref<!tpu.dma_semaphore, #tpu.memory_space<semaphore_mem>>) src(%dma_wait3A_667 : memref<128x32xbf16, #tpu.memory_space<vmem>>) dst(%dma_wait3A_673 : memref<10112x32xbf16, #tpu.memory_space<vmem_shared>>)
    %dma_start3A_674 = arith.constant 16 : i32
    %dma_start3A_675 = arith.constant 4 : i32
    %dma_start3A_676 = arith.constant 0 : i32
    %dma_start3A_677 = arith.constant 0 : i32
    %dma_start3A_678 = tpu.memref_slice %arg8[%dma_start3A_675, %dma_start3A_676, %dma_start3A_677] : memref<6x128x32xbf16, #tpu.memory_space<vmem>> -> memref<1x128x32xbf16, #tpu.memory_space<vmem>>
    %dma_start3A_679 = tpu.memref_squeeze %dma_start3A_678 : memref<1x128x32xbf16, #tpu.memory_space<vmem>> -> memref<128x32xbf16, #tpu.memory_space<vmem>>
    %dma_start3A_680 = arith.constant 0 : i32
    %dma_start3A_681 = tpu.memref_slice %arg6[%dma_start3A_674, %dma_start3A_680] : memref<40x128xi32, #tpu.memory_space<vmem>> -> memref<1x128xi32, #tpu.memory_space<vmem>>
    %dma_start3A_682 = tpu.memref_squeeze %dma_start3A_681 : memref<1x128xi32, #tpu.memory_space<vmem>> -> memref<128xi32, #tpu.memory_space<vmem>>
    %dma_start3A_683 = arith.constant 0 : i32
    %dma_start3A_684 = arith.constant 0 : i32
    %dma_start3A_685 = tpu.memref_slice %arg2[%dma_start3A_683, %dma_start3A_684] : memref<270000x32xbf16, #tpu.memory_space<hbm>> -> memref<270000x32xbf16, #tpu.memory_space<hbm>>
    tpu.enqueue_indirect_dma source(%dma_start3A_685 : memref<270000x32xbf16, #tpu.memory_space<hbm>>) target(%dma_start3A_679 : memref<128x32xbf16, #tpu.memory_space<vmem>>) offsets(%dma_start3A_682 : memref<128xi32, #tpu.memory_space<vmem>>) semaphore(%arg12 : memref<!tpu.dma_semaphore, #tpu.memory_space<semaphore_mem>>)
    %dma_wait3A_686 = arith.constant 13 : i32
    %dma_wait3A_687 = arith.constant 1 : i32
    %dma_wait3A_688 = arith.constant 0 : i32
    %dma_wait3A_689 = arith.constant 0 : i32
    %dma_wait3A_690 = tpu.memref_slice %arg8[%dma_wait3A_687, %dma_wait3A_688, %dma_wait3A_689] : memref<6x128x32xbf16, #tpu.memory_space<vmem>> -> memref<1x128x32xbf16, #tpu.memory_space<vmem>>
    %dma_wait3A_691 = tpu.memref_squeeze %dma_wait3A_690 : memref<1x128x32xbf16, #tpu.memory_space<vmem>> -> memref<128x32xbf16, #tpu.memory_space<vmem>>
    %dma_wait3A_692 = arith.constant 0 : i32
    %dma_wait3A_693 = tpu.memref_slice %arg6[%dma_wait3A_686, %dma_wait3A_692] : memref<40x128xi32, #tpu.memory_space<vmem>> -> memref<1x128xi32, #tpu.memory_space<vmem>>
    %dma_wait3A_694 = tpu.memref_squeeze %dma_wait3A_693 : memref<1x128xi32, #tpu.memory_space<vmem>> -> memref<128xi32, #tpu.memory_space<vmem>>
    %dma_wait3A_695 = arith.constant 0 : i32
    %dma_wait3A_696 = arith.constant 0 : i32
    %dma_wait3A_697 = tpu.memref_slice %arg2[%dma_wait3A_695, %dma_wait3A_696] : memref<270000x32xbf16, #tpu.memory_space<hbm>> -> memref<270000x32xbf16, #tpu.memory_space<hbm>>
    tpu.wait_indirect_dma semaphore(%arg12 : memref<!tpu.dma_semaphore, #tpu.memory_space<semaphore_mem>>) src(%dma_wait3A_697 : memref<270000x32xbf16, #tpu.memory_space<hbm>>) dst(%dma_wait3A_691 : memref<128x32xbf16, #tpu.memory_space<vmem>>)
    %dma_start3A_698 = arith.constant 1 : i32
    %dma_start3A_699 = arith.constant 13 : i32
    %dma_start3A_700 = arith.constant 0 : i32
    %dma_start3A_701 = arith.constant 0 : i32
    %dma_start3A_702 = tpu.memref_slice %arg8[%dma_start3A_698, %dma_start3A_700, %dma_start3A_701] : memref<6x128x32xbf16, #tpu.memory_space<vmem>> -> memref<1x128x32xbf16, #tpu.memory_space<vmem>>
    %dma_start3A_703 = tpu.memref_squeeze %dma_start3A_702 : memref<1x128x32xbf16, #tpu.memory_space<vmem>> -> memref<128x32xbf16, #tpu.memory_space<vmem>>
    %dma_start3A_704 = arith.constant 0 : i32
    %dma_start3A_705 = tpu.memref_slice %arg7[%dma_start3A_699, %dma_start3A_704] : memref<40x128xi32, #tpu.memory_space<vmem>> -> memref<1x128xi32, #tpu.memory_space<vmem>>
    %dma_start3A_706 = tpu.memref_squeeze %dma_start3A_705 : memref<1x128xi32, #tpu.memory_space<vmem>> -> memref<128xi32, #tpu.memory_space<vmem>>
    %dma_start3A_707 = arith.constant 0 : i32
    %dma_start3A_708 = arith.constant 0 : i32
    %dma_start3A_709 = tpu.memref_slice %arg10[%dma_start3A_707, %dma_start3A_708] : memref<10112x32xbf16, #tpu.memory_space<vmem_shared>> -> memref<10112x32xbf16, #tpu.memory_space<vmem_shared>>
    tpu.enqueue_indirect_dma source(%dma_start3A_703 : memref<128x32xbf16, #tpu.memory_space<vmem>>) target(%dma_start3A_709 : memref<10112x32xbf16, #tpu.memory_space<vmem_shared>>) offsets(%dma_start3A_706 : memref<128xi32, #tpu.memory_space<vmem>>) semaphore(%arg13 : memref<!tpu.dma_semaphore, #tpu.memory_space<semaphore_mem>>) {add = true}
    %dma_wait3A_710 = arith.constant 5 : i32
    %dma_wait3A_711 = arith.constant 11 : i32
    %dma_wait3A_712 = arith.constant 0 : i32
    %dma_wait3A_713 = arith.constant 0 : i32
    %dma_wait3A_714 = tpu.memref_slice %arg8[%dma_wait3A_710, %dma_wait3A_712, %dma_wait3A_713] : memref<6x128x32xbf16, #tpu.memory_space<vmem>> -> memref<1x128x32xbf16, #tpu.memory_space<vmem>>
    %dma_wait3A_715 = tpu.memref_squeeze %dma_wait3A_714 : memref<1x128x32xbf16, #tpu.memory_space<vmem>> -> memref<128x32xbf16, #tpu.memory_space<vmem>>
    %dma_wait3A_716 = arith.constant 0 : i32
    %dma_wait3A_717 = tpu.memref_slice %arg7[%dma_wait3A_711, %dma_wait3A_716] : memref<40x128xi32, #tpu.memory_space<vmem>> -> memref<1x128xi32, #tpu.memory_space<vmem>>
    %dma_wait3A_718 = tpu.memref_squeeze %dma_wait3A_717 : memref<1x128xi32, #tpu.memory_space<vmem>> -> memref<128xi32, #tpu.memory_space<vmem>>
    %dma_wait3A_719 = arith.constant 0 : i32
    %dma_wait3A_720 = arith.constant 0 : i32
    %dma_wait3A_721 = tpu.memref_slice %arg10[%dma_wait3A_719, %dma_wait3A_720] : memref<10112x32xbf16, #tpu.memory_space<vmem_shared>> -> memref<10112x32xbf16, #tpu.memory_space<vmem_shared>>
    tpu.wait_indirect_dma semaphore(%arg13 : memref<!tpu.dma_semaphore, #tpu.memory_space<semaphore_mem>>) src(%dma_wait3A_715 : memref<128x32xbf16, #tpu.memory_space<vmem>>) dst(%dma_wait3A_721 : memref<10112x32xbf16, #tpu.memory_space<vmem_shared>>)
    %dma_start3A_722 = arith.constant 17 : i32
    %dma_start3A_723 = arith.constant 5 : i32
    %dma_start3A_724 = arith.constant 0 : i32
    %dma_start3A_725 = arith.constant 0 : i32
    %dma_start3A_726 = tpu.memref_slice %arg8[%dma_start3A_723, %dma_start3A_724, %dma_start3A_725] : memref<6x128x32xbf16, #tpu.memory_space<vmem>> -> memref<1x128x32xbf16, #tpu.memory_space<vmem>>
    %dma_start3A_727 = tpu.memref_squeeze %dma_start3A_726 : memref<1x128x32xbf16, #tpu.memory_space<vmem>> -> memref<128x32xbf16, #tpu.memory_space<vmem>>
    %dma_start3A_728 = arith.constant 0 : i32
    %dma_start3A_729 = tpu.memref_slice %arg6[%dma_start3A_722, %dma_start3A_728] : memref<40x128xi32, #tpu.memory_space<vmem>> -> memref<1x128xi32, #tpu.memory_space<vmem>>
    %dma_start3A_730 = tpu.memref_squeeze %dma_start3A_729 : memref<1x128xi32, #tpu.memory_space<vmem>> -> memref<128xi32, #tpu.memory_space<vmem>>
    %dma_start3A_731 = arith.constant 0 : i32
    %dma_start3A_732 = arith.constant 0 : i32
    %dma_start3A_733 = tpu.memref_slice %arg2[%dma_start3A_731, %dma_start3A_732] : memref<270000x32xbf16, #tpu.memory_space<hbm>> -> memref<270000x32xbf16, #tpu.memory_space<hbm>>
    tpu.enqueue_indirect_dma source(%dma_start3A_733 : memref<270000x32xbf16, #tpu.memory_space<hbm>>) target(%dma_start3A_727 : memref<128x32xbf16, #tpu.memory_space<vmem>>) offsets(%dma_start3A_730 : memref<128xi32, #tpu.memory_space<vmem>>) semaphore(%arg12 : memref<!tpu.dma_semaphore, #tpu.memory_space<semaphore_mem>>)
    %dma_wait3A_734 = arith.constant 14 : i32
    %dma_wait3A_735 = arith.constant 2 : i32
    %dma_wait3A_736 = arith.constant 0 : i32
    %dma_wait3A_737 = arith.constant 0 : i32
    %dma_wait3A_738 = tpu.memref_slice %arg8[%dma_wait3A_735, %dma_wait3A_736, %dma_wait3A_737] : memref<6x128x32xbf16, #tpu.memory_space<vmem>> -> memref<1x128x32xbf16, #tpu.memory_space<vmem>>
    %dma_wait3A_739 = tpu.memref_squeeze %dma_wait3A_738 : memref<1x128x32xbf16, #tpu.memory_space<vmem>> -> memref<128x32xbf16, #tpu.memory_space<vmem>>
    %dma_wait3A_740 = arith.constant 0 : i32
    %dma_wait3A_741 = tpu.memref_slice %arg6[%dma_wait3A_734, %dma_wait3A_740] : memref<40x128xi32, #tpu.memory_space<vmem>> -> memref<1x128xi32, #tpu.memory_space<vmem>>
    %dma_wait3A_742 = tpu.memref_squeeze %dma_wait3A_741 : memref<1x128xi32, #tpu.memory_space<vmem>> -> memref<128xi32, #tpu.memory_space<vmem>>
    %dma_wait3A_743 = arith.constant 0 : i32
    %dma_wait3A_744 = arith.constant 0 : i32
    %dma_wait3A_745 = tpu.memref_slice %arg2[%dma_wait3A_743, %dma_wait3A_744] : memref<270000x32xbf16, #tpu.memory_space<hbm>> -> memref<270000x32xbf16, #tpu.memory_space<hbm>>
    tpu.wait_indirect_dma semaphore(%arg12 : memref<!tpu.dma_semaphore, #tpu.memory_space<semaphore_mem>>) src(%dma_wait3A_745 : memref<270000x32xbf16, #tpu.memory_space<hbm>>) dst(%dma_wait3A_739 : memref<128x32xbf16, #tpu.memory_space<vmem>>)
    %dma_start3A_746 = arith.constant 2 : i32
    %dma_start3A_747 = arith.constant 14 : i32
    %dma_start3A_748 = arith.constant 0 : i32
    %dma_start3A_749 = arith.constant 0 : i32
    %dma_start3A_750 = tpu.memref_slice %arg8[%dma_start3A_746, %dma_start3A_748, %dma_start3A_749] : memref<6x128x32xbf16, #tpu.memory_space<vmem>> -> memref<1x128x32xbf16, #tpu.memory_space<vmem>>
    %dma_start3A_751 = tpu.memref_squeeze %dma_start3A_750 : memref<1x128x32xbf16, #tpu.memory_space<vmem>> -> memref<128x32xbf16, #tpu.memory_space<vmem>>
    %dma_start3A_752 = arith.constant 0 : i32
    %dma_start3A_753 = tpu.memref_slice %arg7[%dma_start3A_747, %dma_start3A_752] : memref<40x128xi32, #tpu.memory_space<vmem>> -> memref<1x128xi32, #tpu.memory_space<vmem>>
    %dma_start3A_754 = tpu.memref_squeeze %dma_start3A_753 : memref<1x128xi32, #tpu.memory_space<vmem>> -> memref<128xi32, #tpu.memory_space<vmem>>
    %dma_start3A_755 = arith.constant 0 : i32
    %dma_start3A_756 = arith.constant 0 : i32
    %dma_start3A_757 = tpu.memref_slice %arg10[%dma_start3A_755, %dma_start3A_756] : memref<10112x32xbf16, #tpu.memory_space<vmem_shared>> -> memref<10112x32xbf16, #tpu.memory_space<vmem_shared>>
    tpu.enqueue_indirect_dma source(%dma_start3A_751 : memref<128x32xbf16, #tpu.memory_space<vmem>>) target(%dma_start3A_757 : memref<10112x32xbf16, #tpu.memory_space<vmem_shared>>) offsets(%dma_start3A_754 : memref<128xi32, #tpu.memory_space<vmem>>) semaphore(%arg13 : memref<!tpu.dma_semaphore, #tpu.memory_space<semaphore_mem>>) {add = true}
    %dma_wait3A_758 = arith.constant 0 : i32
    %dma_wait3A_759 = arith.constant 12 : i32
    %dma_wait3A_760 = arith.constant 0 : i32
    %dma_wait3A_761 = arith.constant 0 : i32
    %dma_wait3A_762 = tpu.memref_slice %arg8[%dma_wait3A_758, %dma_wait3A_760, %dma_wait3A_761] : memref<6x128x32xbf16, #tpu.memory_space<vmem>> -> memref<1x128x32xbf16, #tpu.memory_space<vmem>>
    %dma_wait3A_763 = tpu.memref_squeeze %dma_wait3A_762 : memref<1x128x32xbf16, #tpu.memory_space<vmem>> -> memref<128x32xbf16, #tpu.memory_space<vmem>>
    %dma_wait3A_764 = arith.constant 0 : i32
    %dma_wait3A_765 = tpu.memref_slice %arg7[%dma_wait3A_759, %dma_wait3A_764] : memref<40x128xi32, #tpu.memory_space<vmem>> -> memref<1x128xi32, #tpu.memory_space<vmem>>
    %dma_wait3A_766 = tpu.memref_squeeze %dma_wait3A_765 : memref<1x128xi32, #tpu.memory_space<vmem>> -> memref<128xi32, #tpu.memory_space<vmem>>
    %dma_wait3A_767 = arith.constant 0 : i32
    %dma_wait3A_768 = arith.constant 0 : i32
    %dma_wait3A_769 = tpu.memref_slice %arg10[%dma_wait3A_767, %dma_wait3A_768] : memref<10112x32xbf16, #tpu.memory_space<vmem_shared>> -> memref<10112x32xbf16, #tpu.memory_space<vmem_shared>>
    tpu.wait_indirect_dma semaphore(%arg13 : memref<!tpu.dma_semaphore, #tpu.memory_space<semaphore_mem>>) src(%dma_wait3A_763 : memref<128x32xbf16, #tpu.memory_space<vmem>>) dst(%dma_wait3A_769 : memref<10112x32xbf16, #tpu.memory_space<vmem_shared>>)
    %dma_start3A_770 = arith.constant 18 : i32
    %dma_start3A_771 = arith.constant 0 : i32
    %dma_start3A_772 = arith.constant 0 : i32
    %dma_start3A_773 = arith.constant 0 : i32
    %dma_start3A_774 = tpu.memref_slice %arg8[%dma_start3A_771, %dma_start3A_772, %dma_start3A_773] : memref<6x128x32xbf16, #tpu.memory_space<vmem>> -> memref<1x128x32xbf16, #tpu.memory_space<vmem>>
    %dma_start3A_775 = tpu.memref_squeeze %dma_start3A_774 : memref<1x128x32xbf16, #tpu.memory_space<vmem>> -> memref<128x32xbf16, #tpu.memory_space<vmem>>
    %dma_start3A_776 = arith.constant 0 : i32
    %dma_start3A_777 = tpu.memref_slice %arg6[%dma_start3A_770, %dma_start3A_776] : memref<40x128xi32, #tpu.memory_space<vmem>> -> memref<1x128xi32, #tpu.memory_space<vmem>>
    %dma_start3A_778 = tpu.memref_squeeze %dma_start3A_777 : memref<1x128xi32, #tpu.memory_space<vmem>> -> memref<128xi32, #tpu.memory_space<vmem>>
    %dma_start3A_779 = arith.constant 0 : i32
    %dma_start3A_780 = arith.constant 0 : i32
    %dma_start3A_781 = tpu.memref_slice %arg2[%dma_start3A_779, %dma_start3A_780] : memref<270000x32xbf16, #tpu.memory_space<hbm>> -> memref<270000x32xbf16, #tpu.memory_space<hbm>>
    tpu.enqueue_indirect_dma source(%dma_start3A_781 : memref<270000x32xbf16, #tpu.memory_space<hbm>>) target(%dma_start3A_775 : memref<128x32xbf16, #tpu.memory_space<vmem>>) offsets(%dma_start3A_778 : memref<128xi32, #tpu.memory_space<vmem>>) semaphore(%arg12 : memref<!tpu.dma_semaphore, #tpu.memory_space<semaphore_mem>>)
    %dma_wait3A_782 = arith.constant 15 : i32
    %dma_wait3A_783 = arith.constant 3 : i32
    %dma_wait3A_784 = arith.constant 0 : i32
    %dma_wait3A_785 = arith.constant 0 : i32
    %dma_wait3A_786 = tpu.memref_slice %arg8[%dma_wait3A_783, %dma_wait3A_784, %dma_wait3A_785] : memref<6x128x32xbf16, #tpu.memory_space<vmem>> -> memref<1x128x32xbf16, #tpu.memory_space<vmem>>
    %dma_wait3A_787 = tpu.memref_squeeze %dma_wait3A_786 : memref<1x128x32xbf16, #tpu.memory_space<vmem>> -> memref<128x32xbf16, #tpu.memory_space<vmem>>
    %dma_wait3A_788 = arith.constant 0 : i32
    %dma_wait3A_789 = tpu.memref_slice %arg6[%dma_wait3A_782, %dma_wait3A_788] : memref<40x128xi32, #tpu.memory_space<vmem>> -> memref<1x128xi32, #tpu.memory_space<vmem>>
    %dma_wait3A_790 = tpu.memref_squeeze %dma_wait3A_789 : memref<1x128xi32, #tpu.memory_space<vmem>> -> memref<128xi32, #tpu.memory_space<vmem>>
    %dma_wait3A_791 = arith.constant 0 : i32
    %dma_wait3A_792 = arith.constant 0 : i32
    %dma_wait3A_793 = tpu.memref_slice %arg2[%dma_wait3A_791, %dma_wait3A_792] : memref<270000x32xbf16, #tpu.memory_space<hbm>> -> memref<270000x32xbf16, #tpu.memory_space<hbm>>
    tpu.wait_indirect_dma semaphore(%arg12 : memref<!tpu.dma_semaphore, #tpu.memory_space<semaphore_mem>>) src(%dma_wait3A_793 : memref<270000x32xbf16, #tpu.memory_space<hbm>>) dst(%dma_wait3A_787 : memref<128x32xbf16, #tpu.memory_space<vmem>>)
    %dma_start3A_794 = arith.constant 3 : i32
    %dma_start3A_795 = arith.constant 15 : i32
    %dma_start3A_796 = arith.constant 0 : i32
    %dma_start3A_797 = arith.constant 0 : i32
    %dma_start3A_798 = tpu.memref_slice %arg8[%dma_start3A_794, %dma_start3A_796, %dma_start3A_797] : memref<6x128x32xbf16, #tpu.memory_space<vmem>> -> memref<1x128x32xbf16, #tpu.memory_space<vmem>>
    %dma_start3A_799 = tpu.memref_squeeze %dma_start3A_798 : memref<1x128x32xbf16, #tpu.memory_space<vmem>> -> memref<128x32xbf16, #tpu.memory_space<vmem>>
    %dma_start3A_800 = arith.constant 0 : i32
    %dma_start3A_801 = tpu.memref_slice %arg7[%dma_start3A_795, %dma_start3A_800] : memref<40x128xi32, #tpu.memory_space<vmem>> -> memref<1x128xi32, #tpu.memory_space<vmem>>
    %dma_start3A_802 = tpu.memref_squeeze %dma_start3A_801 : memref<1x128xi32, #tpu.memory_space<vmem>> -> memref<128xi32, #tpu.memory_space<vmem>>
    %dma_start3A_803 = arith.constant 0 : i32
    %dma_start3A_804 = arith.constant 0 : i32
    %dma_start3A_805 = tpu.memref_slice %arg10[%dma_start3A_803, %dma_start3A_804] : memref<10112x32xbf16, #tpu.memory_space<vmem_shared>> -> memref<10112x32xbf16, #tpu.memory_space<vmem_shared>>
    tpu.enqueue_indirect_dma source(%dma_start3A_799 : memref<128x32xbf16, #tpu.memory_space<vmem>>) target(%dma_start3A_805 : memref<10112x32xbf16, #tpu.memory_space<vmem_shared>>) offsets(%dma_start3A_802 : memref<128xi32, #tpu.memory_space<vmem>>) semaphore(%arg13 : memref<!tpu.dma_semaphore, #tpu.memory_space<semaphore_mem>>) {add = true}
    %dma_wait3A_806 = arith.constant 1 : i32
    %dma_wait3A_807 = arith.constant 13 : i32
    %dma_wait3A_808 = arith.constant 0 : i32
    %dma_wait3A_809 = arith.constant 0 : i32
    %dma_wait3A_810 = tpu.memref_slice %arg8[%dma_wait3A_806, %dma_wait3A_808, %dma_wait3A_809] : memref<6x128x32xbf16, #tpu.memory_space<vmem>> -> memref<1x128x32xbf16, #tpu.memory_space<vmem>>
    %dma_wait3A_811 = tpu.memref_squeeze %dma_wait3A_810 : memref<1x128x32xbf16, #tpu.memory_space<vmem>> -> memref<128x32xbf16, #tpu.memory_space<vmem>>
    %dma_wait3A_812 = arith.constant 0 : i32
    %dma_wait3A_813 = tpu.memref_slice %arg7[%dma_wait3A_807, %dma_wait3A_812] : memref<40x128xi32, #tpu.memory_space<vmem>> -> memref<1x128xi32, #tpu.memory_space<vmem>>
    %dma_wait3A_814 = tpu.memref_squeeze %dma_wait3A_813 : memref<1x128xi32, #tpu.memory_space<vmem>> -> memref<128xi32, #tpu.memory_space<vmem>>
    %dma_wait3A_815 = arith.constant 0 : i32
    %dma_wait3A_816 = arith.constant 0 : i32
    %dma_wait3A_817 = tpu.memref_slice %arg10[%dma_wait3A_815, %dma_wait3A_816] : memref<10112x32xbf16, #tpu.memory_space<vmem_shared>> -> memref<10112x32xbf16, #tpu.memory_space<vmem_shared>>
    tpu.wait_indirect_dma semaphore(%arg13 : memref<!tpu.dma_semaphore, #tpu.memory_space<semaphore_mem>>) src(%dma_wait3A_811 : memref<128x32xbf16, #tpu.memory_space<vmem>>) dst(%dma_wait3A_817 : memref<10112x32xbf16, #tpu.memory_space<vmem_shared>>)
    %dma_start3A_818 = arith.constant 19 : i32
    %dma_start3A_819 = arith.constant 1 : i32
    %dma_start3A_820 = arith.constant 0 : i32
    %dma_start3A_821 = arith.constant 0 : i32
    %dma_start3A_822 = tpu.memref_slice %arg8[%dma_start3A_819, %dma_start3A_820, %dma_start3A_821] : memref<6x128x32xbf16, #tpu.memory_space<vmem>> -> memref<1x128x32xbf16, #tpu.memory_space<vmem>>
    %dma_start3A_823 = tpu.memref_squeeze %dma_start3A_822 : memref<1x128x32xbf16, #tpu.memory_space<vmem>> -> memref<128x32xbf16, #tpu.memory_space<vmem>>
    %dma_start3A_824 = arith.constant 0 : i32
    %dma_start3A_825 = tpu.memref_slice %arg6[%dma_start3A_818, %dma_start3A_824] : memref<40x128xi32, #tpu.memory_space<vmem>> -> memref<1x128xi32, #tpu.memory_space<vmem>>
    %dma_start3A_826 = tpu.memref_squeeze %dma_start3A_825 : memref<1x128xi32, #tpu.memory_space<vmem>> -> memref<128xi32, #tpu.memory_space<vmem>>
    %dma_start3A_827 = arith.constant 0 : i32
    %dma_start3A_828 = arith.constant 0 : i32
    %dma_start3A_829 = tpu.memref_slice %arg2[%dma_start3A_827, %dma_start3A_828] : memref<270000x32xbf16, #tpu.memory_space<hbm>> -> memref<270000x32xbf16, #tpu.memory_space<hbm>>
    tpu.enqueue_indirect_dma source(%dma_start3A_829 : memref<270000x32xbf16, #tpu.memory_space<hbm>>) target(%dma_start3A_823 : memref<128x32xbf16, #tpu.memory_space<vmem>>) offsets(%dma_start3A_826 : memref<128xi32, #tpu.memory_space<vmem>>) semaphore(%arg12 : memref<!tpu.dma_semaphore, #tpu.memory_space<semaphore_mem>>)
    %dma_wait3A_830 = arith.constant 16 : i32
    %dma_wait3A_831 = arith.constant 4 : i32
    %dma_wait3A_832 = arith.constant 0 : i32
    %dma_wait3A_833 = arith.constant 0 : i32
    %dma_wait3A_834 = tpu.memref_slice %arg8[%dma_wait3A_831, %dma_wait3A_832, %dma_wait3A_833] : memref<6x128x32xbf16, #tpu.memory_space<vmem>> -> memref<1x128x32xbf16, #tpu.memory_space<vmem>>
    %dma_wait3A_835 = tpu.memref_squeeze %dma_wait3A_834 : memref<1x128x32xbf16, #tpu.memory_space<vmem>> -> memref<128x32xbf16, #tpu.memory_space<vmem>>
    %dma_wait3A_836 = arith.constant 0 : i32
    %dma_wait3A_837 = tpu.memref_slice %arg6[%dma_wait3A_830, %dma_wait3A_836] : memref<40x128xi32, #tpu.memory_space<vmem>> -> memref<1x128xi32, #tpu.memory_space<vmem>>
    %dma_wait3A_838 = tpu.memref_squeeze %dma_wait3A_837 : memref<1x128xi32, #tpu.memory_space<vmem>> -> memref<128xi32, #tpu.memory_space<vmem>>
    %dma_wait3A_839 = arith.constant 0 : i32
    %dma_wait3A_840 = arith.constant 0 : i32
    %dma_wait3A_841 = tpu.memref_slice %arg2[%dma_wait3A_839, %dma_wait3A_840] : memref<270000x32xbf16, #tpu.memory_space<hbm>> -> memref<270000x32xbf16, #tpu.memory_space<hbm>>
    tpu.wait_indirect_dma semaphore(%arg12 : memref<!tpu.dma_semaphore, #tpu.memory_space<semaphore_mem>>) src(%dma_wait3A_841 : memref<270000x32xbf16, #tpu.memory_space<hbm>>) dst(%dma_wait3A_835 : memref<128x32xbf16, #tpu.memory_space<vmem>>)
    %dma_start3A_842 = arith.constant 4 : i32
    %dma_start3A_843 = arith.constant 16 : i32
    %dma_start3A_844 = arith.constant 0 : i32
    %dma_start3A_845 = arith.constant 0 : i32
    %dma_start3A_846 = tpu.memref_slice %arg8[%dma_start3A_842, %dma_start3A_844, %dma_start3A_845] : memref<6x128x32xbf16, #tpu.memory_space<vmem>> -> memref<1x128x32xbf16, #tpu.memory_space<vmem>>
    %dma_start3A_847 = tpu.memref_squeeze %dma_start3A_846 : memref<1x128x32xbf16, #tpu.memory_space<vmem>> -> memref<128x32xbf16, #tpu.memory_space<vmem>>
    %dma_start3A_848 = arith.constant 0 : i32
    %dma_start3A_849 = tpu.memref_slice %arg7[%dma_start3A_843, %dma_start3A_848] : memref<40x128xi32, #tpu.memory_space<vmem>> -> memref<1x128xi32, #tpu.memory_space<vmem>>
    %dma_start3A_850 = tpu.memref_squeeze %dma_start3A_849 : memref<1x128xi32, #tpu.memory_space<vmem>> -> memref<128xi32, #tpu.memory_space<vmem>>
    %dma_start3A_851 = arith.constant 0 : i32
    %dma_start3A_852 = arith.constant 0 : i32
    %dma_start3A_853 = tpu.memref_slice %arg10[%dma_start3A_851, %dma_start3A_852] : memref<10112x32xbf16, #tpu.memory_space<vmem_shared>> -> memref<10112x32xbf16, #tpu.memory_space<vmem_shared>>
    tpu.enqueue_indirect_dma source(%dma_start3A_847 : memref<128x32xbf16, #tpu.memory_space<vmem>>) target(%dma_start3A_853 : memref<10112x32xbf16, #tpu.memory_space<vmem_shared>>) offsets(%dma_start3A_850 : memref<128xi32, #tpu.memory_space<vmem>>) semaphore(%arg13 : memref<!tpu.dma_semaphore, #tpu.memory_space<semaphore_mem>>) {add = true}
    %dma_wait3A_854 = arith.constant 2 : i32
    %dma_wait3A_855 = arith.constant 14 : i32
    %dma_wait3A_856 = arith.constant 0 : i32
    %dma_wait3A_857 = arith.constant 0 : i32
    %dma_wait3A_858 = tpu.memref_slice %arg8[%dma_wait3A_854, %dma_wait3A_856, %dma_wait3A_857] : memref<6x128x32xbf16, #tpu.memory_space<vmem>> -> memref<1x128x32xbf16, #tpu.memory_space<vmem>>
    %dma_wait3A_859 = tpu.memref_squeeze %dma_wait3A_858 : memref<1x128x32xbf16, #tpu.memory_space<vmem>> -> memref<128x32xbf16, #tpu.memory_space<vmem>>
    %dma_wait3A_860 = arith.constant 0 : i32
    %dma_wait3A_861 = tpu.memref_slice %arg7[%dma_wait3A_855, %dma_wait3A_860] : memref<40x128xi32, #tpu.memory_space<vmem>> -> memref<1x128xi32, #tpu.memory_space<vmem>>
    %dma_wait3A_862 = tpu.memref_squeeze %dma_wait3A_861 : memref<1x128xi32, #tpu.memory_space<vmem>> -> memref<128xi32, #tpu.memory_space<vmem>>
    %dma_wait3A_863 = arith.constant 0 : i32
    %dma_wait3A_864 = arith.constant 0 : i32
    %dma_wait3A_865 = tpu.memref_slice %arg10[%dma_wait3A_863, %dma_wait3A_864] : memref<10112x32xbf16, #tpu.memory_space<vmem_shared>> -> memref<10112x32xbf16, #tpu.memory_space<vmem_shared>>
    tpu.wait_indirect_dma semaphore(%arg13 : memref<!tpu.dma_semaphore, #tpu.memory_space<semaphore_mem>>) src(%dma_wait3A_859 : memref<128x32xbf16, #tpu.memory_space<vmem>>) dst(%dma_wait3A_865 : memref<10112x32xbf16, #tpu.memory_space<vmem_shared>>)
    %dma_start3A_866 = arith.constant 20 : i32
    %dma_start3A_867 = arith.constant 2 : i32
    %dma_start3A_868 = arith.constant 0 : i32
    %dma_start3A_869 = arith.constant 0 : i32
    %dma_start3A_870 = tpu.memref_slice %arg8[%dma_start3A_867, %dma_start3A_868, %dma_start3A_869] : memref<6x128x32xbf16, #tpu.memory_space<vmem>> -> memref<1x128x32xbf16, #tpu.memory_space<vmem>>
    %dma_start3A_871 = tpu.memref_squeeze %dma_start3A_870 : memref<1x128x32xbf16, #tpu.memory_space<vmem>> -> memref<128x32xbf16, #tpu.memory_space<vmem>>
    %dma_start3A_872 = arith.constant 0 : i32
    %dma_start3A_873 = tpu.memref_slice %arg6[%dma_start3A_866, %dma_start3A_872] : memref<40x128xi32, #tpu.memory_space<vmem>> -> memref<1x128xi32, #tpu.memory_space<vmem>>
    %dma_start3A_874 = tpu.memref_squeeze %dma_start3A_873 : memref<1x128xi32, #tpu.memory_space<vmem>> -> memref<128xi32, #tpu.memory_space<vmem>>
    %dma_start3A_875 = arith.constant 0 : i32
    %dma_start3A_876 = arith.constant 0 : i32
    %dma_start3A_877 = tpu.memref_slice %arg2[%dma_start3A_875, %dma_start3A_876] : memref<270000x32xbf16, #tpu.memory_space<hbm>> -> memref<270000x32xbf16, #tpu.memory_space<hbm>>
    tpu.enqueue_indirect_dma source(%dma_start3A_877 : memref<270000x32xbf16, #tpu.memory_space<hbm>>) target(%dma_start3A_871 : memref<128x32xbf16, #tpu.memory_space<vmem>>) offsets(%dma_start3A_874 : memref<128xi32, #tpu.memory_space<vmem>>) semaphore(%arg12 : memref<!tpu.dma_semaphore, #tpu.memory_space<semaphore_mem>>)
    %dma_wait3A_878 = arith.constant 17 : i32
    %dma_wait3A_879 = arith.constant 5 : i32
    %dma_wait3A_880 = arith.constant 0 : i32
    %dma_wait3A_881 = arith.constant 0 : i32
    %dma_wait3A_882 = tpu.memref_slice %arg8[%dma_wait3A_879, %dma_wait3A_880, %dma_wait3A_881] : memref<6x128x32xbf16, #tpu.memory_space<vmem>> -> memref<1x128x32xbf16, #tpu.memory_space<vmem>>
    %dma_wait3A_883 = tpu.memref_squeeze %dma_wait3A_882 : memref<1x128x32xbf16, #tpu.memory_space<vmem>> -> memref<128x32xbf16, #tpu.memory_space<vmem>>
    %dma_wait3A_884 = arith.constant 0 : i32
    %dma_wait3A_885 = tpu.memref_slice %arg6[%dma_wait3A_878, %dma_wait3A_884] : memref<40x128xi32, #tpu.memory_space<vmem>> -> memref<1x128xi32, #tpu.memory_space<vmem>>
    %dma_wait3A_886 = tpu.memref_squeeze %dma_wait3A_885 : memref<1x128xi32, #tpu.memory_space<vmem>> -> memref<128xi32, #tpu.memory_space<vmem>>
    %dma_wait3A_887 = arith.constant 0 : i32
    %dma_wait3A_888 = arith.constant 0 : i32
    %dma_wait3A_889 = tpu.memref_slice %arg2[%dma_wait3A_887, %dma_wait3A_888] : memref<270000x32xbf16, #tpu.memory_space<hbm>> -> memref<270000x32xbf16, #tpu.memory_space<hbm>>
    tpu.wait_indirect_dma semaphore(%arg12 : memref<!tpu.dma_semaphore, #tpu.memory_space<semaphore_mem>>) src(%dma_wait3A_889 : memref<270000x32xbf16, #tpu.memory_space<hbm>>) dst(%dma_wait3A_883 : memref<128x32xbf16, #tpu.memory_space<vmem>>)
    %dma_start3A_890 = arith.constant 5 : i32
    %dma_start3A_891 = arith.constant 17 : i32
    %dma_start3A_892 = arith.constant 0 : i32
    %dma_start3A_893 = arith.constant 0 : i32
    %dma_start3A_894 = tpu.memref_slice %arg8[%dma_start3A_890, %dma_start3A_892, %dma_start3A_893] : memref<6x128x32xbf16, #tpu.memory_space<vmem>> -> memref<1x128x32xbf16, #tpu.memory_space<vmem>>
    %dma_start3A_895 = tpu.memref_squeeze %dma_start3A_894 : memref<1x128x32xbf16, #tpu.memory_space<vmem>> -> memref<128x32xbf16, #tpu.memory_space<vmem>>
    %dma_start3A_896 = arith.constant 0 : i32
    %dma_start3A_897 = tpu.memref_slice %arg7[%dma_start3A_891, %dma_start3A_896] : memref<40x128xi32, #tpu.memory_space<vmem>> -> memref<1x128xi32, #tpu.memory_space<vmem>>
    %dma_start3A_898 = tpu.memref_squeeze %dma_start3A_897 : memref<1x128xi32, #tpu.memory_space<vmem>> -> memref<128xi32, #tpu.memory_space<vmem>>
    %dma_start3A_899 = arith.constant 0 : i32
    %dma_start3A_900 = arith.constant 0 : i32
    %dma_start3A_901 = tpu.memref_slice %arg10[%dma_start3A_899, %dma_start3A_900] : memref<10112x32xbf16, #tpu.memory_space<vmem_shared>> -> memref<10112x32xbf16, #tpu.memory_space<vmem_shared>>
    tpu.enqueue_indirect_dma source(%dma_start3A_895 : memref<128x32xbf16, #tpu.memory_space<vmem>>) target(%dma_start3A_901 : memref<10112x32xbf16, #tpu.memory_space<vmem_shared>>) offsets(%dma_start3A_898 : memref<128xi32, #tpu.memory_space<vmem>>) semaphore(%arg13 : memref<!tpu.dma_semaphore, #tpu.memory_space<semaphore_mem>>) {add = true}
    %dma_wait3A_902 = arith.constant 3 : i32
    %dma_wait3A_903 = arith.constant 15 : i32
    %dma_wait3A_904 = arith.constant 0 : i32
    %dma_wait3A_905 = arith.constant 0 : i32
    %dma_wait3A_906 = tpu.memref_slice %arg8[%dma_wait3A_902, %dma_wait3A_904, %dma_wait3A_905] : memref<6x128x32xbf16, #tpu.memory_space<vmem>> -> memref<1x128x32xbf16, #tpu.memory_space<vmem>>
    %dma_wait3A_907 = tpu.memref_squeeze %dma_wait3A_906 : memref<1x128x32xbf16, #tpu.memory_space<vmem>> -> memref<128x32xbf16, #tpu.memory_space<vmem>>
    %dma_wait3A_908 = arith.constant 0 : i32
    %dma_wait3A_909 = tpu.memref_slice %arg7[%dma_wait3A_903, %dma_wait3A_908] : memref<40x128xi32, #tpu.memory_space<vmem>> -> memref<1x128xi32, #tpu.memory_space<vmem>>
    %dma_wait3A_910 = tpu.memref_squeeze %dma_wait3A_909 : memref<1x128xi32, #tpu.memory_space<vmem>> -> memref<128xi32, #tpu.memory_space<vmem>>
    %dma_wait3A_911 = arith.constant 0 : i32
    %dma_wait3A_912 = arith.constant 0 : i32
    %dma_wait3A_913 = tpu.memref_slice %arg10[%dma_wait3A_911, %dma_wait3A_912] : memref<10112x32xbf16, #tpu.memory_space<vmem_shared>> -> memref<10112x32xbf16, #tpu.memory_space<vmem_shared>>
    tpu.wait_indirect_dma semaphore(%arg13 : memref<!tpu.dma_semaphore, #tpu.memory_space<semaphore_mem>>) src(%dma_wait3A_907 : memref<128x32xbf16, #tpu.memory_space<vmem>>) dst(%dma_wait3A_913 : memref<10112x32xbf16, #tpu.memory_space<vmem_shared>>)
    %dma_start3A_914 = arith.constant 21 : i32
    %dma_start3A_915 = arith.constant 3 : i32
    %dma_start3A_916 = arith.constant 0 : i32
    %dma_start3A_917 = arith.constant 0 : i32
    %dma_start3A_918 = tpu.memref_slice %arg8[%dma_start3A_915, %dma_start3A_916, %dma_start3A_917] : memref<6x128x32xbf16, #tpu.memory_space<vmem>> -> memref<1x128x32xbf16, #tpu.memory_space<vmem>>
    %dma_start3A_919 = tpu.memref_squeeze %dma_start3A_918 : memref<1x128x32xbf16, #tpu.memory_space<vmem>> -> memref<128x32xbf16, #tpu.memory_space<vmem>>
    %dma_start3A_920 = arith.constant 0 : i32
    %dma_start3A_921 = tpu.memref_slice %arg6[%dma_start3A_914, %dma_start3A_920] : memref<40x128xi32, #tpu.memory_space<vmem>> -> memref<1x128xi32, #tpu.memory_space<vmem>>
    %dma_start3A_922 = tpu.memref_squeeze %dma_start3A_921 : memref<1x128xi32, #tpu.memory_space<vmem>> -> memref<128xi32, #tpu.memory_space<vmem>>
    %dma_start3A_923 = arith.constant 0 : i32
    %dma_start3A_924 = arith.constant 0 : i32
    %dma_start3A_925 = tpu.memref_slice %arg2[%dma_start3A_923, %dma_start3A_924] : memref<270000x32xbf16, #tpu.memory_space<hbm>> -> memref<270000x32xbf16, #tpu.memory_space<hbm>>
    tpu.enqueue_indirect_dma source(%dma_start3A_925 : memref<270000x32xbf16, #tpu.memory_space<hbm>>) target(%dma_start3A_919 : memref<128x32xbf16, #tpu.memory_space<vmem>>) offsets(%dma_start3A_922 : memref<128xi32, #tpu.memory_space<vmem>>) semaphore(%arg12 : memref<!tpu.dma_semaphore, #tpu.memory_space<semaphore_mem>>)
    %dma_wait3A_926 = arith.constant 18 : i32
    %dma_wait3A_927 = arith.constant 0 : i32
    %dma_wait3A_928 = arith.constant 0 : i32
    %dma_wait3A_929 = arith.constant 0 : i32
    %dma_wait3A_930 = tpu.memref_slice %arg8[%dma_wait3A_927, %dma_wait3A_928, %dma_wait3A_929] : memref<6x128x32xbf16, #tpu.memory_space<vmem>> -> memref<1x128x32xbf16, #tpu.memory_space<vmem>>
    %dma_wait3A_931 = tpu.memref_squeeze %dma_wait3A_930 : memref<1x128x32xbf16, #tpu.memory_space<vmem>> -> memref<128x32xbf16, #tpu.memory_space<vmem>>
    %dma_wait3A_932 = arith.constant 0 : i32
    %dma_wait3A_933 = tpu.memref_slice %arg6[%dma_wait3A_926, %dma_wait3A_932] : memref<40x128xi32, #tpu.memory_space<vmem>> -> memref<1x128xi32, #tpu.memory_space<vmem>>
    %dma_wait3A_934 = tpu.memref_squeeze %dma_wait3A_933 : memref<1x128xi32, #tpu.memory_space<vmem>> -> memref<128xi32, #tpu.memory_space<vmem>>
    %dma_wait3A_935 = arith.constant 0 : i32
    %dma_wait3A_936 = arith.constant 0 : i32
    %dma_wait3A_937 = tpu.memref_slice %arg2[%dma_wait3A_935, %dma_wait3A_936] : memref<270000x32xbf16, #tpu.memory_space<hbm>> -> memref<270000x32xbf16, #tpu.memory_space<hbm>>
    tpu.wait_indirect_dma semaphore(%arg12 : memref<!tpu.dma_semaphore, #tpu.memory_space<semaphore_mem>>) src(%dma_wait3A_937 : memref<270000x32xbf16, #tpu.memory_space<hbm>>) dst(%dma_wait3A_931 : memref<128x32xbf16, #tpu.memory_space<vmem>>)
    %dma_start3A_938 = arith.constant 0 : i32
    %dma_start3A_939 = arith.constant 18 : i32
    %dma_start3A_940 = arith.constant 0 : i32
    %dma_start3A_941 = arith.constant 0 : i32
    %dma_start3A_942 = tpu.memref_slice %arg8[%dma_start3A_938, %dma_start3A_940, %dma_start3A_941] : memref<6x128x32xbf16, #tpu.memory_space<vmem>> -> memref<1x128x32xbf16, #tpu.memory_space<vmem>>
    %dma_start3A_943 = tpu.memref_squeeze %dma_start3A_942 : memref<1x128x32xbf16, #tpu.memory_space<vmem>> -> memref<128x32xbf16, #tpu.memory_space<vmem>>
    %dma_start3A_944 = arith.constant 0 : i32
    %dma_start3A_945 = tpu.memref_slice %arg7[%dma_start3A_939, %dma_start3A_944] : memref<40x128xi32, #tpu.memory_space<vmem>> -> memref<1x128xi32, #tpu.memory_space<vmem>>
    %dma_start3A_946 = tpu.memref_squeeze %dma_start3A_945 : memref<1x128xi32, #tpu.memory_space<vmem>> -> memref<128xi32, #tpu.memory_space<vmem>>
    %dma_start3A_947 = arith.constant 0 : i32
    %dma_start3A_948 = arith.constant 0 : i32
    %dma_start3A_949 = tpu.memref_slice %arg10[%dma_start3A_947, %dma_start3A_948] : memref<10112x32xbf16, #tpu.memory_space<vmem_shared>> -> memref<10112x32xbf16, #tpu.memory_space<vmem_shared>>
    tpu.enqueue_indirect_dma source(%dma_start3A_943 : memref<128x32xbf16, #tpu.memory_space<vmem>>) target(%dma_start3A_949 : memref<10112x32xbf16, #tpu.memory_space<vmem_shared>>) offsets(%dma_start3A_946 : memref<128xi32, #tpu.memory_space<vmem>>) semaphore(%arg13 : memref<!tpu.dma_semaphore, #tpu.memory_space<semaphore_mem>>) {add = true}
    %dma_wait3A_950 = arith.constant 4 : i32
    %dma_wait3A_951 = arith.constant 16 : i32
    %dma_wait3A_952 = arith.constant 0 : i32
    %dma_wait3A_953 = arith.constant 0 : i32
    %dma_wait3A_954 = tpu.memref_slice %arg8[%dma_wait3A_950, %dma_wait3A_952, %dma_wait3A_953] : memref<6x128x32xbf16, #tpu.memory_space<vmem>> -> memref<1x128x32xbf16, #tpu.memory_space<vmem>>
    %dma_wait3A_955 = tpu.memref_squeeze %dma_wait3A_954 : memref<1x128x32xbf16, #tpu.memory_space<vmem>> -> memref<128x32xbf16, #tpu.memory_space<vmem>>
    %dma_wait3A_956 = arith.constant 0 : i32
    %dma_wait3A_957 = tpu.memref_slice %arg7[%dma_wait3A_951, %dma_wait3A_956] : memref<40x128xi32, #tpu.memory_space<vmem>> -> memref<1x128xi32, #tpu.memory_space<vmem>>
    %dma_wait3A_958 = tpu.memref_squeeze %dma_wait3A_957 : memref<1x128xi32, #tpu.memory_space<vmem>> -> memref<128xi32, #tpu.memory_space<vmem>>
    %dma_wait3A_959 = arith.constant 0 : i32
    %dma_wait3A_960 = arith.constant 0 : i32
    %dma_wait3A_961 = tpu.memref_slice %arg10[%dma_wait3A_959, %dma_wait3A_960] : memref<10112x32xbf16, #tpu.memory_space<vmem_shared>> -> memref<10112x32xbf16, #tpu.memory_space<vmem_shared>>
    tpu.wait_indirect_dma semaphore(%arg13 : memref<!tpu.dma_semaphore, #tpu.memory_space<semaphore_mem>>) src(%dma_wait3A_955 : memref<128x32xbf16, #tpu.memory_space<vmem>>) dst(%dma_wait3A_961 : memref<10112x32xbf16, #tpu.memory_space<vmem_shared>>)
    %dma_start3A_962 = arith.constant 22 : i32
    %dma_start3A_963 = arith.constant 4 : i32
    %dma_start3A_964 = arith.constant 0 : i32
    %dma_start3A_965 = arith.constant 0 : i32
    %dma_start3A_966 = tpu.memref_slice %arg8[%dma_start3A_963, %dma_start3A_964, %dma_start3A_965] : memref<6x128x32xbf16, #tpu.memory_space<vmem>> -> memref<1x128x32xbf16, #tpu.memory_space<vmem>>
    %dma_start3A_967 = tpu.memref_squeeze %dma_start3A_966 : memref<1x128x32xbf16, #tpu.memory_space<vmem>> -> memref<128x32xbf16, #tpu.memory_space<vmem>>
    %dma_start3A_968 = arith.constant 0 : i32
    %dma_start3A_969 = tpu.memref_slice %arg6[%dma_start3A_962, %dma_start3A_968] : memref<40x128xi32, #tpu.memory_space<vmem>> -> memref<1x128xi32, #tpu.memory_space<vmem>>
    %dma_start3A_970 = tpu.memref_squeeze %dma_start3A_969 : memref<1x128xi32, #tpu.memory_space<vmem>> -> memref<128xi32, #tpu.memory_space<vmem>>
    %dma_start3A_971 = arith.constant 0 : i32
    %dma_start3A_972 = arith.constant 0 : i32
    %dma_start3A_973 = tpu.memref_slice %arg2[%dma_start3A_971, %dma_start3A_972] : memref<270000x32xbf16, #tpu.memory_space<hbm>> -> memref<270000x32xbf16, #tpu.memory_space<hbm>>
    tpu.enqueue_indirect_dma source(%dma_start3A_973 : memref<270000x32xbf16, #tpu.memory_space<hbm>>) target(%dma_start3A_967 : memref<128x32xbf16, #tpu.memory_space<vmem>>) offsets(%dma_start3A_970 : memref<128xi32, #tpu.memory_space<vmem>>) semaphore(%arg12 : memref<!tpu.dma_semaphore, #tpu.memory_space<semaphore_mem>>)
    %dma_wait3A_974 = arith.constant 19 : i32
    %dma_wait3A_975 = arith.constant 1 : i32
    %dma_wait3A_976 = arith.constant 0 : i32
    %dma_wait3A_977 = arith.constant 0 : i32
    %dma_wait3A_978 = tpu.memref_slice %arg8[%dma_wait3A_975, %dma_wait3A_976, %dma_wait3A_977] : memref<6x128x32xbf16, #tpu.memory_space<vmem>> -> memref<1x128x32xbf16, #tpu.memory_space<vmem>>
    %dma_wait3A_979 = tpu.memref_squeeze %dma_wait3A_978 : memref<1x128x32xbf16, #tpu.memory_space<vmem>> -> memref<128x32xbf16, #tpu.memory_space<vmem>>
    %dma_wait3A_980 = arith.constant 0 : i32
    %dma_wait3A_981 = tpu.memref_slice %arg6[%dma_wait3A_974, %dma_wait3A_980] : memref<40x128xi32, #tpu.memory_space<vmem>> -> memref<1x128xi32, #tpu.memory_space<vmem>>
    %dma_wait3A_982 = tpu.memref_squeeze %dma_wait3A_981 : memref<1x128xi32, #tpu.memory_space<vmem>> -> memref<128xi32, #tpu.memory_space<vmem>>
    %dma_wait3A_983 = arith.constant 0 : i32
    %dma_wait3A_984 = arith.constant 0 : i32
    %dma_wait3A_985 = tpu.memref_slice %arg2[%dma_wait3A_983, %dma_wait3A_984] : memref<270000x32xbf16, #tpu.memory_space<hbm>> -> memref<270000x32xbf16, #tpu.memory_space<hbm>>
    tpu.wait_indirect_dma semaphore(%arg12 : memref<!tpu.dma_semaphore, #tpu.memory_space<semaphore_mem>>) src(%dma_wait3A_985 : memref<270000x32xbf16, #tpu.memory_space<hbm>>) dst(%dma_wait3A_979 : memref<128x32xbf16, #tpu.memory_space<vmem>>)
    %dma_start3A_986 = arith.constant 1 : i32
    %dma_start3A_987 = arith.constant 19 : i32
    %dma_start3A_988 = arith.constant 0 : i32
    %dma_start3A_989 = arith.constant 0 : i32
    %dma_start3A_990 = tpu.memref_slice %arg8[%dma_start3A_986, %dma_start3A_988, %dma_start3A_989] : memref<6x128x32xbf16, #tpu.memory_space<vmem>> -> memref<1x128x32xbf16, #tpu.memory_space<vmem>>
    %dma_start3A_991 = tpu.memref_squeeze %dma_start3A_990 : memref<1x128x32xbf16, #tpu.memory_space<vmem>> -> memref<128x32xbf16, #tpu.memory_space<vmem>>
    %dma_start3A_992 = arith.constant 0 : i32
    %dma_start3A_993 = tpu.memref_slice %arg7[%dma_start3A_987, %dma_start3A_992] : memref<40x128xi32, #tpu.memory_space<vmem>> -> memref<1x128xi32, #tpu.memory_space<vmem>>
    %dma_start3A_994 = tpu.memref_squeeze %dma_start3A_993 : memref<1x128xi32, #tpu.memory_space<vmem>> -> memref<128xi32, #tpu.memory_space<vmem>>
    %dma_start3A_995 = arith.constant 0 : i32
    %dma_start3A_996 = arith.constant 0 : i32
    %dma_start3A_997 = tpu.memref_slice %arg10[%dma_start3A_995, %dma_start3A_996] : memref<10112x32xbf16, #tpu.memory_space<vmem_shared>> -> memref<10112x32xbf16, #tpu.memory_space<vmem_shared>>
    tpu.enqueue_indirect_dma source(%dma_start3A_991 : memref<128x32xbf16, #tpu.memory_space<vmem>>) target(%dma_start3A_997 : memref<10112x32xbf16, #tpu.memory_space<vmem_shared>>) offsets(%dma_start3A_994 : memref<128xi32, #tpu.memory_space<vmem>>) semaphore(%arg13 : memref<!tpu.dma_semaphore, #tpu.memory_space<semaphore_mem>>) {add = true}
    %dma_wait3A_998 = arith.constant 5 : i32
    %dma_wait3A_999 = arith.constant 17 : i32
    %dma_wait3A_1000 = arith.constant 0 : i32
    %dma_wait3A_1001 = arith.constant 0 : i32
    %dma_wait3A_1002 = tpu.memref_slice %arg8[%dma_wait3A_998, %dma_wait3A_1000, %dma_wait3A_1001] : memref<6x128x32xbf16, #tpu.memory_space<vmem>> -> memref<1x128x32xbf16, #tpu.memory_space<vmem>>
    %dma_wait3A_1003 = tpu.memref_squeeze %dma_wait3A_1002 : memref<1x128x32xbf16, #tpu.memory_space<vmem>> -> memref<128x32xbf16, #tpu.memory_space<vmem>>
    %dma_wait3A_1004 = arith.constant 0 : i32
    %dma_wait3A_1005 = tpu.memref_slice %arg7[%dma_wait3A_999, %dma_wait3A_1004] : memref<40x128xi32, #tpu.memory_space<vmem>> -> memref<1x128xi32, #tpu.memory_space<vmem>>
    %dma_wait3A_1006 = tpu.memref_squeeze %dma_wait3A_1005 : memref<1x128xi32, #tpu.memory_space<vmem>> -> memref<128xi32, #tpu.memory_space<vmem>>
    %dma_wait3A_1007 = arith.constant 0 : i32
    %dma_wait3A_1008 = arith.constant 0 : i32
    %dma_wait3A_1009 = tpu.memref_slice %arg10[%dma_wait3A_1007, %dma_wait3A_1008] : memref<10112x32xbf16, #tpu.memory_space<vmem_shared>> -> memref<10112x32xbf16, #tpu.memory_space<vmem_shared>>
    tpu.wait_indirect_dma semaphore(%arg13 : memref<!tpu.dma_semaphore, #tpu.memory_space<semaphore_mem>>) src(%dma_wait3A_1003 : memref<128x32xbf16, #tpu.memory_space<vmem>>) dst(%dma_wait3A_1009 : memref<10112x32xbf16, #tpu.memory_space<vmem_shared>>)
    %dma_start3A_1010 = arith.constant 23 : i32
    %dma_start3A_1011 = arith.constant 5 : i32
    %dma_start3A_1012 = arith.constant 0 : i32
    %dma_start3A_1013 = arith.constant 0 : i32
    %dma_start3A_1014 = tpu.memref_slice %arg8[%dma_start3A_1011, %dma_start3A_1012, %dma_start3A_1013] : memref<6x128x32xbf16, #tpu.memory_space<vmem>> -> memref<1x128x32xbf16, #tpu.memory_space<vmem>>
    %dma_start3A_1015 = tpu.memref_squeeze %dma_start3A_1014 : memref<1x128x32xbf16, #tpu.memory_space<vmem>> -> memref<128x32xbf16, #tpu.memory_space<vmem>>
    %dma_start3A_1016 = arith.constant 0 : i32
    %dma_start3A_1017 = tpu.memref_slice %arg6[%dma_start3A_1010, %dma_start3A_1016] : memref<40x128xi32, #tpu.memory_space<vmem>> -> memref<1x128xi32, #tpu.memory_space<vmem>>
    %dma_start3A_1018 = tpu.memref_squeeze %dma_start3A_1017 : memref<1x128xi32, #tpu.memory_space<vmem>> -> memref<128xi32, #tpu.memory_space<vmem>>
    %dma_start3A_1019 = arith.constant 0 : i32
    %dma_start3A_1020 = arith.constant 0 : i32
    %dma_start3A_1021 = tpu.memref_slice %arg2[%dma_start3A_1019, %dma_start3A_1020] : memref<270000x32xbf16, #tpu.memory_space<hbm>> -> memref<270000x32xbf16, #tpu.memory_space<hbm>>
    tpu.enqueue_indirect_dma source(%dma_start3A_1021 : memref<270000x32xbf16, #tpu.memory_space<hbm>>) target(%dma_start3A_1015 : memref<128x32xbf16, #tpu.memory_space<vmem>>) offsets(%dma_start3A_1018 : memref<128xi32, #tpu.memory_space<vmem>>) semaphore(%arg12 : memref<!tpu.dma_semaphore, #tpu.memory_space<semaphore_mem>>)
    %dma_wait3A_1022 = arith.constant 20 : i32
    %dma_wait3A_1023 = arith.constant 2 : i32
    %dma_wait3A_1024 = arith.constant 0 : i32
    %dma_wait3A_1025 = arith.constant 0 : i32
    %dma_wait3A_1026 = tpu.memref_slice %arg8[%dma_wait3A_1023, %dma_wait3A_1024, %dma_wait3A_1025] : memref<6x128x32xbf16, #tpu.memory_space<vmem>> -> memref<1x128x32xbf16, #tpu.memory_space<vmem>>
    %dma_wait3A_1027 = tpu.memref_squeeze %dma_wait3A_1026 : memref<1x128x32xbf16, #tpu.memory_space<vmem>> -> memref<128x32xbf16, #tpu.memory_space<vmem>>
    %dma_wait3A_1028 = arith.constant 0 : i32
    %dma_wait3A_1029 = tpu.memref_slice %arg6[%dma_wait3A_1022, %dma_wait3A_1028] : memref<40x128xi32, #tpu.memory_space<vmem>> -> memref<1x128xi32, #tpu.memory_space<vmem>>
    %dma_wait3A_1030 = tpu.memref_squeeze %dma_wait3A_1029 : memref<1x128xi32, #tpu.memory_space<vmem>> -> memref<128xi32, #tpu.memory_space<vmem>>
    %dma_wait3A_1031 = arith.constant 0 : i32
    %dma_wait3A_1032 = arith.constant 0 : i32
    %dma_wait3A_1033 = tpu.memref_slice %arg2[%dma_wait3A_1031, %dma_wait3A_1032] : memref<270000x32xbf16, #tpu.memory_space<hbm>> -> memref<270000x32xbf16, #tpu.memory_space<hbm>>
    tpu.wait_indirect_dma semaphore(%arg12 : memref<!tpu.dma_semaphore, #tpu.memory_space<semaphore_mem>>) src(%dma_wait3A_1033 : memref<270000x32xbf16, #tpu.memory_space<hbm>>) dst(%dma_wait3A_1027 : memref<128x32xbf16, #tpu.memory_space<vmem>>)
    %dma_start3A_1034 = arith.constant 2 : i32
    %dma_start3A_1035 = arith.constant 20 : i32
    %dma_start3A_1036 = arith.constant 0 : i32
    %dma_start3A_1037 = arith.constant 0 : i32
    %dma_start3A_1038 = tpu.memref_slice %arg8[%dma_start3A_1034, %dma_start3A_1036, %dma_start3A_1037] : memref<6x128x32xbf16, #tpu.memory_space<vmem>> -> memref<1x128x32xbf16, #tpu.memory_space<vmem>>
    %dma_start3A_1039 = tpu.memref_squeeze %dma_start3A_1038 : memref<1x128x32xbf16, #tpu.memory_space<vmem>> -> memref<128x32xbf16, #tpu.memory_space<vmem>>
    %dma_start3A_1040 = arith.constant 0 : i32
    %dma_start3A_1041 = tpu.memref_slice %arg7[%dma_start3A_1035, %dma_start3A_1040] : memref<40x128xi32, #tpu.memory_space<vmem>> -> memref<1x128xi32, #tpu.memory_space<vmem>>
    %dma_start3A_1042 = tpu.memref_squeeze %dma_start3A_1041 : memref<1x128xi32, #tpu.memory_space<vmem>> -> memref<128xi32, #tpu.memory_space<vmem>>
    %dma_start3A_1043 = arith.constant 0 : i32
    %dma_start3A_1044 = arith.constant 0 : i32
    %dma_start3A_1045 = tpu.memref_slice %arg10[%dma_start3A_1043, %dma_start3A_1044] : memref<10112x32xbf16, #tpu.memory_space<vmem_shared>> -> memref<10112x32xbf16, #tpu.memory_space<vmem_shared>>
    tpu.enqueue_indirect_dma source(%dma_start3A_1039 : memref<128x32xbf16, #tpu.memory_space<vmem>>) target(%dma_start3A_1045 : memref<10112x32xbf16, #tpu.memory_space<vmem_shared>>) offsets(%dma_start3A_1042 : memref<128xi32, #tpu.memory_space<vmem>>) semaphore(%arg13 : memref<!tpu.dma_semaphore, #tpu.memory_space<semaphore_mem>>) {add = true}
    %dma_wait3A_1046 = arith.constant 0 : i32
    %dma_wait3A_1047 = arith.constant 18 : i32
    %dma_wait3A_1048 = arith.constant 0 : i32
    %dma_wait3A_1049 = arith.constant 0 : i32
    %dma_wait3A_1050 = tpu.memref_slice %arg8[%dma_wait3A_1046, %dma_wait3A_1048, %dma_wait3A_1049] : memref<6x128x32xbf16, #tpu.memory_space<vmem>> -> memref<1x128x32xbf16, #tpu.memory_space<vmem>>
    %dma_wait3A_1051 = tpu.memref_squeeze %dma_wait3A_1050 : memref<1x128x32xbf16, #tpu.memory_space<vmem>> -> memref<128x32xbf16, #tpu.memory_space<vmem>>
    %dma_wait3A_1052 = arith.constant 0 : i32
    %dma_wait3A_1053 = tpu.memref_slice %arg7[%dma_wait3A_1047, %dma_wait3A_1052] : memref<40x128xi32, #tpu.memory_space<vmem>> -> memref<1x128xi32, #tpu.memory_space<vmem>>
    %dma_wait3A_1054 = tpu.memref_squeeze %dma_wait3A_1053 : memref<1x128xi32, #tpu.memory_space<vmem>> -> memref<128xi32, #tpu.memory_space<vmem>>
    %dma_wait3A_1055 = arith.constant 0 : i32
    %dma_wait3A_1056 = arith.constant 0 : i32
    %dma_wait3A_1057 = tpu.memref_slice %arg10[%dma_wait3A_1055, %dma_wait3A_1056] : memref<10112x32xbf16, #tpu.memory_space<vmem_shared>> -> memref<10112x32xbf16, #tpu.memory_space<vmem_shared>>
    tpu.wait_indirect_dma semaphore(%arg13 : memref<!tpu.dma_semaphore, #tpu.memory_space<semaphore_mem>>) src(%dma_wait3A_1051 : memref<128x32xbf16, #tpu.memory_space<vmem>>) dst(%dma_wait3A_1057 : memref<10112x32xbf16, #tpu.memory_space<vmem_shared>>)
    %dma_start3A_1058 = arith.constant 24 : i32
    %dma_start3A_1059 = arith.constant 0 : i32
    %dma_start3A_1060 = arith.constant 0 : i32
    %dma_start3A_1061 = arith.constant 0 : i32
    %dma_start3A_1062 = tpu.memref_slice %arg8[%dma_start3A_1059, %dma_start3A_1060, %dma_start3A_1061] : memref<6x128x32xbf16, #tpu.memory_space<vmem>> -> memref<1x128x32xbf16, #tpu.memory_space<vmem>>
    %dma_start3A_1063 = tpu.memref_squeeze %dma_start3A_1062 : memref<1x128x32xbf16, #tpu.memory_space<vmem>> -> memref<128x32xbf16, #tpu.memory_space<vmem>>
    %dma_start3A_1064 = arith.constant 0 : i32
    %dma_start3A_1065 = tpu.memref_slice %arg6[%dma_start3A_1058, %dma_start3A_1064] : memref<40x128xi32, #tpu.memory_space<vmem>> -> memref<1x128xi32, #tpu.memory_space<vmem>>
    %dma_start3A_1066 = tpu.memref_squeeze %dma_start3A_1065 : memref<1x128xi32, #tpu.memory_space<vmem>> -> memref<128xi32, #tpu.memory_space<vmem>>
    %dma_start3A_1067 = arith.constant 0 : i32
    %dma_start3A_1068 = arith.constant 0 : i32
    %dma_start3A_1069 = tpu.memref_slice %arg2[%dma_start3A_1067, %dma_start3A_1068] : memref<270000x32xbf16, #tpu.memory_space<hbm>> -> memref<270000x32xbf16, #tpu.memory_space<hbm>>
    tpu.enqueue_indirect_dma source(%dma_start3A_1069 : memref<270000x32xbf16, #tpu.memory_space<hbm>>) target(%dma_start3A_1063 : memref<128x32xbf16, #tpu.memory_space<vmem>>) offsets(%dma_start3A_1066 : memref<128xi32, #tpu.memory_space<vmem>>) semaphore(%arg12 : memref<!tpu.dma_semaphore, #tpu.memory_space<semaphore_mem>>)
    %dma_wait3A_1070 = arith.constant 21 : i32
    %dma_wait3A_1071 = arith.constant 3 : i32
    %dma_wait3A_1072 = arith.constant 0 : i32
    %dma_wait3A_1073 = arith.constant 0 : i32
    %dma_wait3A_1074 = tpu.memref_slice %arg8[%dma_wait3A_1071, %dma_wait3A_1072, %dma_wait3A_1073] : memref<6x128x32xbf16, #tpu.memory_space<vmem>> -> memref<1x128x32xbf16, #tpu.memory_space<vmem>>
    %dma_wait3A_1075 = tpu.memref_squeeze %dma_wait3A_1074 : memref<1x128x32xbf16, #tpu.memory_space<vmem>> -> memref<128x32xbf16, #tpu.memory_space<vmem>>
    %dma_wait3A_1076 = arith.constant 0 : i32
    %dma_wait3A_1077 = tpu.memref_slice %arg6[%dma_wait3A_1070, %dma_wait3A_1076] : memref<40x128xi32, #tpu.memory_space<vmem>> -> memref<1x128xi32, #tpu.memory_space<vmem>>
    %dma_wait3A_1078 = tpu.memref_squeeze %dma_wait3A_1077 : memref<1x128xi32, #tpu.memory_space<vmem>> -> memref<128xi32, #tpu.memory_space<vmem>>
    %dma_wait3A_1079 = arith.constant 0 : i32
    %dma_wait3A_1080 = arith.constant 0 : i32
    %dma_wait3A_1081 = tpu.memref_slice %arg2[%dma_wait3A_1079, %dma_wait3A_1080] : memref<270000x32xbf16, #tpu.memory_space<hbm>> -> memref<270000x32xbf16, #tpu.memory_space<hbm>>
    tpu.wait_indirect_dma semaphore(%arg12 : memref<!tpu.dma_semaphore, #tpu.memory_space<semaphore_mem>>) src(%dma_wait3A_1081 : memref<270000x32xbf16, #tpu.memory_space<hbm>>) dst(%dma_wait3A_1075 : memref<128x32xbf16, #tpu.memory_space<vmem>>)
    %dma_start3A_1082 = arith.constant 3 : i32
    %dma_start3A_1083 = arith.constant 21 : i32
    %dma_start3A_1084 = arith.constant 0 : i32
    %dma_start3A_1085 = arith.constant 0 : i32
    %dma_start3A_1086 = tpu.memref_slice %arg8[%dma_start3A_1082, %dma_start3A_1084, %dma_start3A_1085] : memref<6x128x32xbf16, #tpu.memory_space<vmem>> -> memref<1x128x32xbf16, #tpu.memory_space<vmem>>
    %dma_start3A_1087 = tpu.memref_squeeze %dma_start3A_1086 : memref<1x128x32xbf16, #tpu.memory_space<vmem>> -> memref<128x32xbf16, #tpu.memory_space<vmem>>
    %dma_start3A_1088 = arith.constant 0 : i32
    %dma_start3A_1089 = tpu.memref_slice %arg7[%dma_start3A_1083, %dma_start3A_1088] : memref<40x128xi32, #tpu.memory_space<vmem>> -> memref<1x128xi32, #tpu.memory_space<vmem>>
    %dma_start3A_1090 = tpu.memref_squeeze %dma_start3A_1089 : memref<1x128xi32, #tpu.memory_space<vmem>> -> memref<128xi32, #tpu.memory_space<vmem>>
    %dma_start3A_1091 = arith.constant 0 : i32
    %dma_start3A_1092 = arith.constant 0 : i32
    %dma_start3A_1093 = tpu.memref_slice %arg10[%dma_start3A_1091, %dma_start3A_1092] : memref<10112x32xbf16, #tpu.memory_space<vmem_shared>> -> memref<10112x32xbf16, #tpu.memory_space<vmem_shared>>
    tpu.enqueue_indirect_dma source(%dma_start3A_1087 : memref<128x32xbf16, #tpu.memory_space<vmem>>) target(%dma_start3A_1093 : memref<10112x32xbf16, #tpu.memory_space<vmem_shared>>) offsets(%dma_start3A_1090 : memref<128xi32, #tpu.memory_space<vmem>>) semaphore(%arg13 : memref<!tpu.dma_semaphore, #tpu.memory_space<semaphore_mem>>) {add = true}
    %dma_wait3A_1094 = arith.constant 1 : i32
    %dma_wait3A_1095 = arith.constant 19 : i32
    %dma_wait3A_1096 = arith.constant 0 : i32
    %dma_wait3A_1097 = arith.constant 0 : i32
    %dma_wait3A_1098 = tpu.memref_slice %arg8[%dma_wait3A_1094, %dma_wait3A_1096, %dma_wait3A_1097] : memref<6x128x32xbf16, #tpu.memory_space<vmem>> -> memref<1x128x32xbf16, #tpu.memory_space<vmem>>
    %dma_wait3A_1099 = tpu.memref_squeeze %dma_wait3A_1098 : memref<1x128x32xbf16, #tpu.memory_space<vmem>> -> memref<128x32xbf16, #tpu.memory_space<vmem>>
    %dma_wait3A_1100 = arith.constant 0 : i32
    %dma_wait3A_1101 = tpu.memref_slice %arg7[%dma_wait3A_1095, %dma_wait3A_1100] : memref<40x128xi32, #tpu.memory_space<vmem>> -> memref<1x128xi32, #tpu.memory_space<vmem>>
    %dma_wait3A_1102 = tpu.memref_squeeze %dma_wait3A_1101 : memref<1x128xi32, #tpu.memory_space<vmem>> -> memref<128xi32, #tpu.memory_space<vmem>>
    %dma_wait3A_1103 = arith.constant 0 : i32
    %dma_wait3A_1104 = arith.constant 0 : i32
    %dma_wait3A_1105 = tpu.memref_slice %arg10[%dma_wait3A_1103, %dma_wait3A_1104] : memref<10112x32xbf16, #tpu.memory_space<vmem_shared>> -> memref<10112x32xbf16, #tpu.memory_space<vmem_shared>>
    tpu.wait_indirect_dma semaphore(%arg13 : memref<!tpu.dma_semaphore, #tpu.memory_space<semaphore_mem>>) src(%dma_wait3A_1099 : memref<128x32xbf16, #tpu.memory_space<vmem>>) dst(%dma_wait3A_1105 : memref<10112x32xbf16, #tpu.memory_space<vmem_shared>>)
    %dma_start3A_1106 = arith.constant 25 : i32
    %dma_start3A_1107 = arith.constant 1 : i32
    %dma_start3A_1108 = arith.constant 0 : i32
    %dma_start3A_1109 = arith.constant 0 : i32
    %dma_start3A_1110 = tpu.memref_slice %arg8[%dma_start3A_1107, %dma_start3A_1108, %dma_start3A_1109] : memref<6x128x32xbf16, #tpu.memory_space<vmem>> -> memref<1x128x32xbf16, #tpu.memory_space<vmem>>
    %dma_start3A_1111 = tpu.memref_squeeze %dma_start3A_1110 : memref<1x128x32xbf16, #tpu.memory_space<vmem>> -> memref<128x32xbf16, #tpu.memory_space<vmem>>
    %dma_start3A_1112 = arith.constant 0 : i32
    %dma_start3A_1113 = tpu.memref_slice %arg6[%dma_start3A_1106, %dma_start3A_1112] : memref<40x128xi32, #tpu.memory_space<vmem>> -> memref<1x128xi32, #tpu.memory_space<vmem>>
    %dma_start3A_1114 = tpu.memref_squeeze %dma_start3A_1113 : memref<1x128xi32, #tpu.memory_space<vmem>> -> memref<128xi32, #tpu.memory_space<vmem>>
    %dma_start3A_1115 = arith.constant 0 : i32
    %dma_start3A_1116 = arith.constant 0 : i32
    %dma_start3A_1117 = tpu.memref_slice %arg2[%dma_start3A_1115, %dma_start3A_1116] : memref<270000x32xbf16, #tpu.memory_space<hbm>> -> memref<270000x32xbf16, #tpu.memory_space<hbm>>
    tpu.enqueue_indirect_dma source(%dma_start3A_1117 : memref<270000x32xbf16, #tpu.memory_space<hbm>>) target(%dma_start3A_1111 : memref<128x32xbf16, #tpu.memory_space<vmem>>) offsets(%dma_start3A_1114 : memref<128xi32, #tpu.memory_space<vmem>>) semaphore(%arg12 : memref<!tpu.dma_semaphore, #tpu.memory_space<semaphore_mem>>)
    %dma_wait3A_1118 = arith.constant 22 : i32
    %dma_wait3A_1119 = arith.constant 4 : i32
    %dma_wait3A_1120 = arith.constant 0 : i32
    %dma_wait3A_1121 = arith.constant 0 : i32
    %dma_wait3A_1122 = tpu.memref_slice %arg8[%dma_wait3A_1119, %dma_wait3A_1120, %dma_wait3A_1121] : memref<6x128x32xbf16, #tpu.memory_space<vmem>> -> memref<1x128x32xbf16, #tpu.memory_space<vmem>>
    %dma_wait3A_1123 = tpu.memref_squeeze %dma_wait3A_1122 : memref<1x128x32xbf16, #tpu.memory_space<vmem>> -> memref<128x32xbf16, #tpu.memory_space<vmem>>
    %dma_wait3A_1124 = arith.constant 0 : i32
    %dma_wait3A_1125 = tpu.memref_slice %arg6[%dma_wait3A_1118, %dma_wait3A_1124] : memref<40x128xi32, #tpu.memory_space<vmem>> -> memref<1x128xi32, #tpu.memory_space<vmem>>
    %dma_wait3A_1126 = tpu.memref_squeeze %dma_wait3A_1125 : memref<1x128xi32, #tpu.memory_space<vmem>> -> memref<128xi32, #tpu.memory_space<vmem>>
    %dma_wait3A_1127 = arith.constant 0 : i32
    %dma_wait3A_1128 = arith.constant 0 : i32
    %dma_wait3A_1129 = tpu.memref_slice %arg2[%dma_wait3A_1127, %dma_wait3A_1128] : memref<270000x32xbf16, #tpu.memory_space<hbm>> -> memref<270000x32xbf16, #tpu.memory_space<hbm>>
    tpu.wait_indirect_dma semaphore(%arg12 : memref<!tpu.dma_semaphore, #tpu.memory_space<semaphore_mem>>) src(%dma_wait3A_1129 : memref<270000x32xbf16, #tpu.memory_space<hbm>>) dst(%dma_wait3A_1123 : memref<128x32xbf16, #tpu.memory_space<vmem>>)
    %dma_start3A_1130 = arith.constant 4 : i32
    %dma_start3A_1131 = arith.constant 22 : i32
    %dma_start3A_1132 = arith.constant 0 : i32
    %dma_start3A_1133 = arith.constant 0 : i32
    %dma_start3A_1134 = tpu.memref_slice %arg8[%dma_start3A_1130, %dma_start3A_1132, %dma_start3A_1133] : memref<6x128x32xbf16, #tpu.memory_space<vmem>> -> memref<1x128x32xbf16, #tpu.memory_space<vmem>>
    %dma_start3A_1135 = tpu.memref_squeeze %dma_start3A_1134 : memref<1x128x32xbf16, #tpu.memory_space<vmem>> -> memref<128x32xbf16, #tpu.memory_space<vmem>>
    %dma_start3A_1136 = arith.constant 0 : i32
    %dma_start3A_1137 = tpu.memref_slice %arg7[%dma_start3A_1131, %dma_start3A_1136] : memref<40x128xi32, #tpu.memory_space<vmem>> -> memref<1x128xi32, #tpu.memory_space<vmem>>
    %dma_start3A_1138 = tpu.memref_squeeze %dma_start3A_1137 : memref<1x128xi32, #tpu.memory_space<vmem>> -> memref<128xi32, #tpu.memory_space<vmem>>
    %dma_start3A_1139 = arith.constant 0 : i32
    %dma_start3A_1140 = arith.constant 0 : i32
    %dma_start3A_1141 = tpu.memref_slice %arg10[%dma_start3A_1139, %dma_start3A_1140] : memref<10112x32xbf16, #tpu.memory_space<vmem_shared>> -> memref<10112x32xbf16, #tpu.memory_space<vmem_shared>>
    tpu.enqueue_indirect_dma source(%dma_start3A_1135 : memref<128x32xbf16, #tpu.memory_space<vmem>>) target(%dma_start3A_1141 : memref<10112x32xbf16, #tpu.memory_space<vmem_shared>>) offsets(%dma_start3A_1138 : memref<128xi32, #tpu.memory_space<vmem>>) semaphore(%arg13 : memref<!tpu.dma_semaphore, #tpu.memory_space<semaphore_mem>>) {add = true}
    %dma_wait3A_1142 = arith.constant 2 : i32
    %dma_wait3A_1143 = arith.constant 20 : i32
    %dma_wait3A_1144 = arith.constant 0 : i32
    %dma_wait3A_1145 = arith.constant 0 : i32
    %dma_wait3A_1146 = tpu.memref_slice %arg8[%dma_wait3A_1142, %dma_wait3A_1144, %dma_wait3A_1145] : memref<6x128x32xbf16, #tpu.memory_space<vmem>> -> memref<1x128x32xbf16, #tpu.memory_space<vmem>>
    %dma_wait3A_1147 = tpu.memref_squeeze %dma_wait3A_1146 : memref<1x128x32xbf16, #tpu.memory_space<vmem>> -> memref<128x32xbf16, #tpu.memory_space<vmem>>
    %dma_wait3A_1148 = arith.constant 0 : i32
    %dma_wait3A_1149 = tpu.memref_slice %arg7[%dma_wait3A_1143, %dma_wait3A_1148] : memref<40x128xi32, #tpu.memory_space<vmem>> -> memref<1x128xi32, #tpu.memory_space<vmem>>
    %dma_wait3A_1150 = tpu.memref_squeeze %dma_wait3A_1149 : memref<1x128xi32, #tpu.memory_space<vmem>> -> memref<128xi32, #tpu.memory_space<vmem>>
    %dma_wait3A_1151 = arith.constant 0 : i32
    %dma_wait3A_1152 = arith.constant 0 : i32
    %dma_wait3A_1153 = tpu.memref_slice %arg10[%dma_wait3A_1151, %dma_wait3A_1152] : memref<10112x32xbf16, #tpu.memory_space<vmem_shared>> -> memref<10112x32xbf16, #tpu.memory_space<vmem_shared>>
    tpu.wait_indirect_dma semaphore(%arg13 : memref<!tpu.dma_semaphore, #tpu.memory_space<semaphore_mem>>) src(%dma_wait3A_1147 : memref<128x32xbf16, #tpu.memory_space<vmem>>) dst(%dma_wait3A_1153 : memref<10112x32xbf16, #tpu.memory_space<vmem_shared>>)
    %dma_start3A_1154 = arith.constant 26 : i32
    %dma_start3A_1155 = arith.constant 2 : i32
    %dma_start3A_1156 = arith.constant 0 : i32
    %dma_start3A_1157 = arith.constant 0 : i32
    %dma_start3A_1158 = tpu.memref_slice %arg8[%dma_start3A_1155, %dma_start3A_1156, %dma_start3A_1157] : memref<6x128x32xbf16, #tpu.memory_space<vmem>> -> memref<1x128x32xbf16, #tpu.memory_space<vmem>>
    %dma_start3A_1159 = tpu.memref_squeeze %dma_start3A_1158 : memref<1x128x32xbf16, #tpu.memory_space<vmem>> -> memref<128x32xbf16, #tpu.memory_space<vmem>>
    %dma_start3A_1160 = arith.constant 0 : i32
    %dma_start3A_1161 = tpu.memref_slice %arg6[%dma_start3A_1154, %dma_start3A_1160] : memref<40x128xi32, #tpu.memory_space<vmem>> -> memref<1x128xi32, #tpu.memory_space<vmem>>
    %dma_start3A_1162 = tpu.memref_squeeze %dma_start3A_1161 : memref<1x128xi32, #tpu.memory_space<vmem>> -> memref<128xi32, #tpu.memory_space<vmem>>
    %dma_start3A_1163 = arith.constant 0 : i32
    %dma_start3A_1164 = arith.constant 0 : i32
    %dma_start3A_1165 = tpu.memref_slice %arg2[%dma_start3A_1163, %dma_start3A_1164] : memref<270000x32xbf16, #tpu.memory_space<hbm>> -> memref<270000x32xbf16, #tpu.memory_space<hbm>>
    tpu.enqueue_indirect_dma source(%dma_start3A_1165 : memref<270000x32xbf16, #tpu.memory_space<hbm>>) target(%dma_start3A_1159 : memref<128x32xbf16, #tpu.memory_space<vmem>>) offsets(%dma_start3A_1162 : memref<128xi32, #tpu.memory_space<vmem>>) semaphore(%arg12 : memref<!tpu.dma_semaphore, #tpu.memory_space<semaphore_mem>>)
    %dma_wait3A_1166 = arith.constant 23 : i32
    %dma_wait3A_1167 = arith.constant 5 : i32
    %dma_wait3A_1168 = arith.constant 0 : i32
    %dma_wait3A_1169 = arith.constant 0 : i32
    %dma_wait3A_1170 = tpu.memref_slice %arg8[%dma_wait3A_1167, %dma_wait3A_1168, %dma_wait3A_1169] : memref<6x128x32xbf16, #tpu.memory_space<vmem>> -> memref<1x128x32xbf16, #tpu.memory_space<vmem>>
    %dma_wait3A_1171 = tpu.memref_squeeze %dma_wait3A_1170 : memref<1x128x32xbf16, #tpu.memory_space<vmem>> -> memref<128x32xbf16, #tpu.memory_space<vmem>>
    %dma_wait3A_1172 = arith.constant 0 : i32
    %dma_wait3A_1173 = tpu.memref_slice %arg6[%dma_wait3A_1166, %dma_wait3A_1172] : memref<40x128xi32, #tpu.memory_space<vmem>> -> memref<1x128xi32, #tpu.memory_space<vmem>>
    %dma_wait3A_1174 = tpu.memref_squeeze %dma_wait3A_1173 : memref<1x128xi32, #tpu.memory_space<vmem>> -> memref<128xi32, #tpu.memory_space<vmem>>
    %dma_wait3A_1175 = arith.constant 0 : i32
    %dma_wait3A_1176 = arith.constant 0 : i32
    %dma_wait3A_1177 = tpu.memref_slice %arg2[%dma_wait3A_1175, %dma_wait3A_1176] : memref<270000x32xbf16, #tpu.memory_space<hbm>> -> memref<270000x32xbf16, #tpu.memory_space<hbm>>
    tpu.wait_indirect_dma semaphore(%arg12 : memref<!tpu.dma_semaphore, #tpu.memory_space<semaphore_mem>>) src(%dma_wait3A_1177 : memref<270000x32xbf16, #tpu.memory_space<hbm>>) dst(%dma_wait3A_1171 : memref<128x32xbf16, #tpu.memory_space<vmem>>)
    %dma_start3A_1178 = arith.constant 5 : i32
    %dma_start3A_1179 = arith.constant 23 : i32
    %dma_start3A_1180 = arith.constant 0 : i32
    %dma_start3A_1181 = arith.constant 0 : i32
    %dma_start3A_1182 = tpu.memref_slice %arg8[%dma_start3A_1178, %dma_start3A_1180, %dma_start3A_1181] : memref<6x128x32xbf16, #tpu.memory_space<vmem>> -> memref<1x128x32xbf16, #tpu.memory_space<vmem>>
    %dma_start3A_1183 = tpu.memref_squeeze %dma_start3A_1182 : memref<1x128x32xbf16, #tpu.memory_space<vmem>> -> memref<128x32xbf16, #tpu.memory_space<vmem>>
    %dma_start3A_1184 = arith.constant 0 : i32
    %dma_start3A_1185 = tpu.memref_slice %arg7[%dma_start3A_1179, %dma_start3A_1184] : memref<40x128xi32, #tpu.memory_space<vmem>> -> memref<1x128xi32, #tpu.memory_space<vmem>>
    %dma_start3A_1186 = tpu.memref_squeeze %dma_start3A_1185 : memref<1x128xi32, #tpu.memory_space<vmem>> -> memref<128xi32, #tpu.memory_space<vmem>>
    %dma_start3A_1187 = arith.constant 0 : i32
    %dma_start3A_1188 = arith.constant 0 : i32
    %dma_start3A_1189 = tpu.memref_slice %arg10[%dma_start3A_1187, %dma_start3A_1188] : memref<10112x32xbf16, #tpu.memory_space<vmem_shared>> -> memref<10112x32xbf16, #tpu.memory_space<vmem_shared>>
    tpu.enqueue_indirect_dma source(%dma_start3A_1183 : memref<128x32xbf16, #tpu.memory_space<vmem>>) target(%dma_start3A_1189 : memref<10112x32xbf16, #tpu.memory_space<vmem_shared>>) offsets(%dma_start3A_1186 : memref<128xi32, #tpu.memory_space<vmem>>) semaphore(%arg13 : memref<!tpu.dma_semaphore, #tpu.memory_space<semaphore_mem>>) {add = true}
    %dma_wait3A_1190 = arith.constant 3 : i32
    %dma_wait3A_1191 = arith.constant 21 : i32
    %dma_wait3A_1192 = arith.constant 0 : i32
    %dma_wait3A_1193 = arith.constant 0 : i32
    %dma_wait3A_1194 = tpu.memref_slice %arg8[%dma_wait3A_1190, %dma_wait3A_1192, %dma_wait3A_1193] : memref<6x128x32xbf16, #tpu.memory_space<vmem>> -> memref<1x128x32xbf16, #tpu.memory_space<vmem>>
    %dma_wait3A_1195 = tpu.memref_squeeze %dma_wait3A_1194 : memref<1x128x32xbf16, #tpu.memory_space<vmem>> -> memref<128x32xbf16, #tpu.memory_space<vmem>>
    %dma_wait3A_1196 = arith.constant 0 : i32
    %dma_wait3A_1197 = tpu.memref_slice %arg7[%dma_wait3A_1191, %dma_wait3A_1196] : memref<40x128xi32, #tpu.memory_space<vmem>> -> memref<1x128xi32, #tpu.memory_space<vmem>>
    %dma_wait3A_1198 = tpu.memref_squeeze %dma_wait3A_1197 : memref<1x128xi32, #tpu.memory_space<vmem>> -> memref<128xi32, #tpu.memory_space<vmem>>
    %dma_wait3A_1199 = arith.constant 0 : i32
    %dma_wait3A_1200 = arith.constant 0 : i32
    %dma_wait3A_1201 = tpu.memref_slice %arg10[%dma_wait3A_1199, %dma_wait3A_1200] : memref<10112x32xbf16, #tpu.memory_space<vmem_shared>> -> memref<10112x32xbf16, #tpu.memory_space<vmem_shared>>
    tpu.wait_indirect_dma semaphore(%arg13 : memref<!tpu.dma_semaphore, #tpu.memory_space<semaphore_mem>>) src(%dma_wait3A_1195 : memref<128x32xbf16, #tpu.memory_space<vmem>>) dst(%dma_wait3A_1201 : memref<10112x32xbf16, #tpu.memory_space<vmem_shared>>)
    %dma_start3A_1202 = arith.constant 27 : i32
    %dma_start3A_1203 = arith.constant 3 : i32
    %dma_start3A_1204 = arith.constant 0 : i32
    %dma_start3A_1205 = arith.constant 0 : i32
    %dma_start3A_1206 = tpu.memref_slice %arg8[%dma_start3A_1203, %dma_start3A_1204, %dma_start3A_1205] : memref<6x128x32xbf16, #tpu.memory_space<vmem>> -> memref<1x128x32xbf16, #tpu.memory_space<vmem>>
    %dma_start3A_1207 = tpu.memref_squeeze %dma_start3A_1206 : memref<1x128x32xbf16, #tpu.memory_space<vmem>> -> memref<128x32xbf16, #tpu.memory_space<vmem>>
    %dma_start3A_1208 = arith.constant 0 : i32
    %dma_start3A_1209 = tpu.memref_slice %arg6[%dma_start3A_1202, %dma_start3A_1208] : memref<40x128xi32, #tpu.memory_space<vmem>> -> memref<1x128xi32, #tpu.memory_space<vmem>>
    %dma_start3A_1210 = tpu.memref_squeeze %dma_start3A_1209 : memref<1x128xi32, #tpu.memory_space<vmem>> -> memref<128xi32, #tpu.memory_space<vmem>>
    %dma_start3A_1211 = arith.constant 0 : i32
    %dma_start3A_1212 = arith.constant 0 : i32
    %dma_start3A_1213 = tpu.memref_slice %arg2[%dma_start3A_1211, %dma_start3A_1212] : memref<270000x32xbf16, #tpu.memory_space<hbm>> -> memref<270000x32xbf16, #tpu.memory_space<hbm>>
    tpu.enqueue_indirect_dma source(%dma_start3A_1213 : memref<270000x32xbf16, #tpu.memory_space<hbm>>) target(%dma_start3A_1207 : memref<128x32xbf16, #tpu.memory_space<vmem>>) offsets(%dma_start3A_1210 : memref<128xi32, #tpu.memory_space<vmem>>) semaphore(%arg12 : memref<!tpu.dma_semaphore, #tpu.memory_space<semaphore_mem>>)
    %dma_wait3A_1214 = arith.constant 24 : i32
    %dma_wait3A_1215 = arith.constant 0 : i32
    %dma_wait3A_1216 = arith.constant 0 : i32
    %dma_wait3A_1217 = arith.constant 0 : i32
    %dma_wait3A_1218 = tpu.memref_slice %arg8[%dma_wait3A_1215, %dma_wait3A_1216, %dma_wait3A_1217] : memref<6x128x32xbf16, #tpu.memory_space<vmem>> -> memref<1x128x32xbf16, #tpu.memory_space<vmem>>
    %dma_wait3A_1219 = tpu.memref_squeeze %dma_wait3A_1218 : memref<1x128x32xbf16, #tpu.memory_space<vmem>> -> memref<128x32xbf16, #tpu.memory_space<vmem>>
    %dma_wait3A_1220 = arith.constant 0 : i32
    %dma_wait3A_1221 = tpu.memref_slice %arg6[%dma_wait3A_1214, %dma_wait3A_1220] : memref<40x128xi32, #tpu.memory_space<vmem>> -> memref<1x128xi32, #tpu.memory_space<vmem>>
    %dma_wait3A_1222 = tpu.memref_squeeze %dma_wait3A_1221 : memref<1x128xi32, #tpu.memory_space<vmem>> -> memref<128xi32, #tpu.memory_space<vmem>>
    %dma_wait3A_1223 = arith.constant 0 : i32
    %dma_wait3A_1224 = arith.constant 0 : i32
    %dma_wait3A_1225 = tpu.memref_slice %arg2[%dma_wait3A_1223, %dma_wait3A_1224] : memref<270000x32xbf16, #tpu.memory_space<hbm>> -> memref<270000x32xbf16, #tpu.memory_space<hbm>>
    tpu.wait_indirect_dma semaphore(%arg12 : memref<!tpu.dma_semaphore, #tpu.memory_space<semaphore_mem>>) src(%dma_wait3A_1225 : memref<270000x32xbf16, #tpu.memory_space<hbm>>) dst(%dma_wait3A_1219 : memref<128x32xbf16, #tpu.memory_space<vmem>>)
    %dma_start3A_1226 = arith.constant 0 : i32
    %dma_start3A_1227 = arith.constant 24 : i32
    %dma_start3A_1228 = arith.constant 0 : i32
    %dma_start3A_1229 = arith.constant 0 : i32
    %dma_start3A_1230 = tpu.memref_slice %arg8[%dma_start3A_1226, %dma_start3A_1228, %dma_start3A_1229] : memref<6x128x32xbf16, #tpu.memory_space<vmem>> -> memref<1x128x32xbf16, #tpu.memory_space<vmem>>
    %dma_start3A_1231 = tpu.memref_squeeze %dma_start3A_1230 : memref<1x128x32xbf16, #tpu.memory_space<vmem>> -> memref<128x32xbf16, #tpu.memory_space<vmem>>
    %dma_start3A_1232 = arith.constant 0 : i32
    %dma_start3A_1233 = tpu.memref_slice %arg7[%dma_start3A_1227, %dma_start3A_1232] : memref<40x128xi32, #tpu.memory_space<vmem>> -> memref<1x128xi32, #tpu.memory_space<vmem>>
    %dma_start3A_1234 = tpu.memref_squeeze %dma_start3A_1233 : memref<1x128xi32, #tpu.memory_space<vmem>> -> memref<128xi32, #tpu.memory_space<vmem>>
    %dma_start3A_1235 = arith.constant 0 : i32
    %dma_start3A_1236 = arith.constant 0 : i32
    %dma_start3A_1237 = tpu.memref_slice %arg10[%dma_start3A_1235, %dma_start3A_1236] : memref<10112x32xbf16, #tpu.memory_space<vmem_shared>> -> memref<10112x32xbf16, #tpu.memory_space<vmem_shared>>
    tpu.enqueue_indirect_dma source(%dma_start3A_1231 : memref<128x32xbf16, #tpu.memory_space<vmem>>) target(%dma_start3A_1237 : memref<10112x32xbf16, #tpu.memory_space<vmem_shared>>) offsets(%dma_start3A_1234 : memref<128xi32, #tpu.memory_space<vmem>>) semaphore(%arg13 : memref<!tpu.dma_semaphore, #tpu.memory_space<semaphore_mem>>) {add = true}
    %dma_wait3A_1238 = arith.constant 4 : i32
    %dma_wait3A_1239 = arith.constant 22 : i32
    %dma_wait3A_1240 = arith.constant 0 : i32
    %dma_wait3A_1241 = arith.constant 0 : i32
    %dma_wait3A_1242 = tpu.memref_slice %arg8[%dma_wait3A_1238, %dma_wait3A_1240, %dma_wait3A_1241] : memref<6x128x32xbf16, #tpu.memory_space<vmem>> -> memref<1x128x32xbf16, #tpu.memory_space<vmem>>
    %dma_wait3A_1243 = tpu.memref_squeeze %dma_wait3A_1242 : memref<1x128x32xbf16, #tpu.memory_space<vmem>> -> memref<128x32xbf16, #tpu.memory_space<vmem>>
    %dma_wait3A_1244 = arith.constant 0 : i32
    %dma_wait3A_1245 = tpu.memref_slice %arg7[%dma_wait3A_1239, %dma_wait3A_1244] : memref<40x128xi32, #tpu.memory_space<vmem>> -> memref<1x128xi32, #tpu.memory_space<vmem>>
    %dma_wait3A_1246 = tpu.memref_squeeze %dma_wait3A_1245 : memref<1x128xi32, #tpu.memory_space<vmem>> -> memref<128xi32, #tpu.memory_space<vmem>>
    %dma_wait3A_1247 = arith.constant 0 : i32
    %dma_wait3A_1248 = arith.constant 0 : i32
    %dma_wait3A_1249 = tpu.memref_slice %arg10[%dma_wait3A_1247, %dma_wait3A_1248] : memref<10112x32xbf16, #tpu.memory_space<vmem_shared>> -> memref<10112x32xbf16, #tpu.memory_space<vmem_shared>>
    tpu.wait_indirect_dma semaphore(%arg13 : memref<!tpu.dma_semaphore, #tpu.memory_space<semaphore_mem>>) src(%dma_wait3A_1243 : memref<128x32xbf16, #tpu.memory_space<vmem>>) dst(%dma_wait3A_1249 : memref<10112x32xbf16, #tpu.memory_space<vmem_shared>>)
    %dma_start3A_1250 = arith.constant 28 : i32
    %dma_start3A_1251 = arith.constant 4 : i32
    %dma_start3A_1252 = arith.constant 0 : i32
    %dma_start3A_1253 = arith.constant 0 : i32
    %dma_start3A_1254 = tpu.memref_slice %arg8[%dma_start3A_1251, %dma_start3A_1252, %dma_start3A_1253] : memref<6x128x32xbf16, #tpu.memory_space<vmem>> -> memref<1x128x32xbf16, #tpu.memory_space<vmem>>
    %dma_start3A_1255 = tpu.memref_squeeze %dma_start3A_1254 : memref<1x128x32xbf16, #tpu.memory_space<vmem>> -> memref<128x32xbf16, #tpu.memory_space<vmem>>
    %dma_start3A_1256 = arith.constant 0 : i32
    %dma_start3A_1257 = tpu.memref_slice %arg6[%dma_start3A_1250, %dma_start3A_1256] : memref<40x128xi32, #tpu.memory_space<vmem>> -> memref<1x128xi32, #tpu.memory_space<vmem>>
    %dma_start3A_1258 = tpu.memref_squeeze %dma_start3A_1257 : memref<1x128xi32, #tpu.memory_space<vmem>> -> memref<128xi32, #tpu.memory_space<vmem>>
    %dma_start3A_1259 = arith.constant 0 : i32
    %dma_start3A_1260 = arith.constant 0 : i32
    %dma_start3A_1261 = tpu.memref_slice %arg2[%dma_start3A_1259, %dma_start3A_1260] : memref<270000x32xbf16, #tpu.memory_space<hbm>> -> memref<270000x32xbf16, #tpu.memory_space<hbm>>
    tpu.enqueue_indirect_dma source(%dma_start3A_1261 : memref<270000x32xbf16, #tpu.memory_space<hbm>>) target(%dma_start3A_1255 : memref<128x32xbf16, #tpu.memory_space<vmem>>) offsets(%dma_start3A_1258 : memref<128xi32, #tpu.memory_space<vmem>>) semaphore(%arg12 : memref<!tpu.dma_semaphore, #tpu.memory_space<semaphore_mem>>)
    %dma_wait3A_1262 = arith.constant 25 : i32
    %dma_wait3A_1263 = arith.constant 1 : i32
    %dma_wait3A_1264 = arith.constant 0 : i32
    %dma_wait3A_1265 = arith.constant 0 : i32
    %dma_wait3A_1266 = tpu.memref_slice %arg8[%dma_wait3A_1263, %dma_wait3A_1264, %dma_wait3A_1265] : memref<6x128x32xbf16, #tpu.memory_space<vmem>> -> memref<1x128x32xbf16, #tpu.memory_space<vmem>>
    %dma_wait3A_1267 = tpu.memref_squeeze %dma_wait3A_1266 : memref<1x128x32xbf16, #tpu.memory_space<vmem>> -> memref<128x32xbf16, #tpu.memory_space<vmem>>
    %dma_wait3A_1268 = arith.constant 0 : i32
    %dma_wait3A_1269 = tpu.memref_slice %arg6[%dma_wait3A_1262, %dma_wait3A_1268] : memref<40x128xi32, #tpu.memory_space<vmem>> -> memref<1x128xi32, #tpu.memory_space<vmem>>
    %dma_wait3A_1270 = tpu.memref_squeeze %dma_wait3A_1269 : memref<1x128xi32, #tpu.memory_space<vmem>> -> memref<128xi32, #tpu.memory_space<vmem>>
    %dma_wait3A_1271 = arith.constant 0 : i32
    %dma_wait3A_1272 = arith.constant 0 : i32
    %dma_wait3A_1273 = tpu.memref_slice %arg2[%dma_wait3A_1271, %dma_wait3A_1272] : memref<270000x32xbf16, #tpu.memory_space<hbm>> -> memref<270000x32xbf16, #tpu.memory_space<hbm>>
    tpu.wait_indirect_dma semaphore(%arg12 : memref<!tpu.dma_semaphore, #tpu.memory_space<semaphore_mem>>) src(%dma_wait3A_1273 : memref<270000x32xbf16, #tpu.memory_space<hbm>>) dst(%dma_wait3A_1267 : memref<128x32xbf16, #tpu.memory_space<vmem>>)
    %dma_start3A_1274 = arith.constant 1 : i32
    %dma_start3A_1275 = arith.constant 25 : i32
    %dma_start3A_1276 = arith.constant 0 : i32
    %dma_start3A_1277 = arith.constant 0 : i32
    %dma_start3A_1278 = tpu.memref_slice %arg8[%dma_start3A_1274, %dma_start3A_1276, %dma_start3A_1277] : memref<6x128x32xbf16, #tpu.memory_space<vmem>> -> memref<1x128x32xbf16, #tpu.memory_space<vmem>>
    %dma_start3A_1279 = tpu.memref_squeeze %dma_start3A_1278 : memref<1x128x32xbf16, #tpu.memory_space<vmem>> -> memref<128x32xbf16, #tpu.memory_space<vmem>>
    %dma_start3A_1280 = arith.constant 0 : i32
    %dma_start3A_1281 = tpu.memref_slice %arg7[%dma_start3A_1275, %dma_start3A_1280] : memref<40x128xi32, #tpu.memory_space<vmem>> -> memref<1x128xi32, #tpu.memory_space<vmem>>
    %dma_start3A_1282 = tpu.memref_squeeze %dma_start3A_1281 : memref<1x128xi32, #tpu.memory_space<vmem>> -> memref<128xi32, #tpu.memory_space<vmem>>
    %dma_start3A_1283 = arith.constant 0 : i32
    %dma_start3A_1284 = arith.constant 0 : i32
    %dma_start3A_1285 = tpu.memref_slice %arg10[%dma_start3A_1283, %dma_start3A_1284] : memref<10112x32xbf16, #tpu.memory_space<vmem_shared>> -> memref<10112x32xbf16, #tpu.memory_space<vmem_shared>>
    tpu.enqueue_indirect_dma source(%dma_start3A_1279 : memref<128x32xbf16, #tpu.memory_space<vmem>>) target(%dma_start3A_1285 : memref<10112x32xbf16, #tpu.memory_space<vmem_shared>>) offsets(%dma_start3A_1282 : memref<128xi32, #tpu.memory_space<vmem>>) semaphore(%arg13 : memref<!tpu.dma_semaphore, #tpu.memory_space<semaphore_mem>>) {add = true}
    %dma_wait3A_1286 = arith.constant 5 : i32
    %dma_wait3A_1287 = arith.constant 23 : i32
    %dma_wait3A_1288 = arith.constant 0 : i32
    %dma_wait3A_1289 = arith.constant 0 : i32
    %dma_wait3A_1290 = tpu.memref_slice %arg8[%dma_wait3A_1286, %dma_wait3A_1288, %dma_wait3A_1289] : memref<6x128x32xbf16, #tpu.memory_space<vmem>> -> memref<1x128x32xbf16, #tpu.memory_space<vmem>>
    %dma_wait3A_1291 = tpu.memref_squeeze %dma_wait3A_1290 : memref<1x128x32xbf16, #tpu.memory_space<vmem>> -> memref<128x32xbf16, #tpu.memory_space<vmem>>
    %dma_wait3A_1292 = arith.constant 0 : i32
    %dma_wait3A_1293 = tpu.memref_slice %arg7[%dma_wait3A_1287, %dma_wait3A_1292] : memref<40x128xi32, #tpu.memory_space<vmem>> -> memref<1x128xi32, #tpu.memory_space<vmem>>
    %dma_wait3A_1294 = tpu.memref_squeeze %dma_wait3A_1293 : memref<1x128xi32, #tpu.memory_space<vmem>> -> memref<128xi32, #tpu.memory_space<vmem>>
    %dma_wait3A_1295 = arith.constant 0 : i32
    %dma_wait3A_1296 = arith.constant 0 : i32
    %dma_wait3A_1297 = tpu.memref_slice %arg10[%dma_wait3A_1295, %dma_wait3A_1296] : memref<10112x32xbf16, #tpu.memory_space<vmem_shared>> -> memref<10112x32xbf16, #tpu.memory_space<vmem_shared>>
    tpu.wait_indirect_dma semaphore(%arg13 : memref<!tpu.dma_semaphore, #tpu.memory_space<semaphore_mem>>) src(%dma_wait3A_1291 : memref<128x32xbf16, #tpu.memory_space<vmem>>) dst(%dma_wait3A_1297 : memref<10112x32xbf16, #tpu.memory_space<vmem_shared>>)
    %dma_start3A_1298 = arith.constant 29 : i32
    %dma_start3A_1299 = arith.constant 5 : i32
    %dma_start3A_1300 = arith.constant 0 : i32
    %dma_start3A_1301 = arith.constant 0 : i32
    %dma_start3A_1302 = tpu.memref_slice %arg8[%dma_start3A_1299, %dma_start3A_1300, %dma_start3A_1301] : memref<6x128x32xbf16, #tpu.memory_space<vmem>> -> memref<1x128x32xbf16, #tpu.memory_space<vmem>>
    %dma_start3A_1303 = tpu.memref_squeeze %dma_start3A_1302 : memref<1x128x32xbf16, #tpu.memory_space<vmem>> -> memref<128x32xbf16, #tpu.memory_space<vmem>>
    %dma_start3A_1304 = arith.constant 0 : i32
    %dma_start3A_1305 = tpu.memref_slice %arg6[%dma_start3A_1298, %dma_start3A_1304] : memref<40x128xi32, #tpu.memory_space<vmem>> -> memref<1x128xi32, #tpu.memory_space<vmem>>
    %dma_start3A_1306 = tpu.memref_squeeze %dma_start3A_1305 : memref<1x128xi32, #tpu.memory_space<vmem>> -> memref<128xi32, #tpu.memory_space<vmem>>
    %dma_start3A_1307 = arith.constant 0 : i32
    %dma_start3A_1308 = arith.constant 0 : i32
    %dma_start3A_1309 = tpu.memref_slice %arg2[%dma_start3A_1307, %dma_start3A_1308] : memref<270000x32xbf16, #tpu.memory_space<hbm>> -> memref<270000x32xbf16, #tpu.memory_space<hbm>>
    tpu.enqueue_indirect_dma source(%dma_start3A_1309 : memref<270000x32xbf16, #tpu.memory_space<hbm>>) target(%dma_start3A_1303 : memref<128x32xbf16, #tpu.memory_space<vmem>>) offsets(%dma_start3A_1306 : memref<128xi32, #tpu.memory_space<vmem>>) semaphore(%arg12 : memref<!tpu.dma_semaphore, #tpu.memory_space<semaphore_mem>>)
    %dma_wait3A_1310 = arith.constant 26 : i32
    %dma_wait3A_1311 = arith.constant 2 : i32
    %dma_wait3A_1312 = arith.constant 0 : i32
    %dma_wait3A_1313 = arith.constant 0 : i32
    %dma_wait3A_1314 = tpu.memref_slice %arg8[%dma_wait3A_1311, %dma_wait3A_1312, %dma_wait3A_1313] : memref<6x128x32xbf16, #tpu.memory_space<vmem>> -> memref<1x128x32xbf16, #tpu.memory_space<vmem>>
    %dma_wait3A_1315 = tpu.memref_squeeze %dma_wait3A_1314 : memref<1x128x32xbf16, #tpu.memory_space<vmem>> -> memref<128x32xbf16, #tpu.memory_space<vmem>>
    %dma_wait3A_1316 = arith.constant 0 : i32
    %dma_wait3A_1317 = tpu.memref_slice %arg6[%dma_wait3A_1310, %dma_wait3A_1316] : memref<40x128xi32, #tpu.memory_space<vmem>> -> memref<1x128xi32, #tpu.memory_space<vmem>>
    %dma_wait3A_1318 = tpu.memref_squeeze %dma_wait3A_1317 : memref<1x128xi32, #tpu.memory_space<vmem>> -> memref<128xi32, #tpu.memory_space<vmem>>
    %dma_wait3A_1319 = arith.constant 0 : i32
    %dma_wait3A_1320 = arith.constant 0 : i32
    %dma_wait3A_1321 = tpu.memref_slice %arg2[%dma_wait3A_1319, %dma_wait3A_1320] : memref<270000x32xbf16, #tpu.memory_space<hbm>> -> memref<270000x32xbf16, #tpu.memory_space<hbm>>
    tpu.wait_indirect_dma semaphore(%arg12 : memref<!tpu.dma_semaphore, #tpu.memory_space<semaphore_mem>>) src(%dma_wait3A_1321 : memref<270000x32xbf16, #tpu.memory_space<hbm>>) dst(%dma_wait3A_1315 : memref<128x32xbf16, #tpu.memory_space<vmem>>)
    %dma_start3A_1322 = arith.constant 2 : i32
    %dma_start3A_1323 = arith.constant 26 : i32
    %dma_start3A_1324 = arith.constant 0 : i32
    %dma_start3A_1325 = arith.constant 0 : i32
    %dma_start3A_1326 = tpu.memref_slice %arg8[%dma_start3A_1322, %dma_start3A_1324, %dma_start3A_1325] : memref<6x128x32xbf16, #tpu.memory_space<vmem>> -> memref<1x128x32xbf16, #tpu.memory_space<vmem>>
    %dma_start3A_1327 = tpu.memref_squeeze %dma_start3A_1326 : memref<1x128x32xbf16, #tpu.memory_space<vmem>> -> memref<128x32xbf16, #tpu.memory_space<vmem>>
    %dma_start3A_1328 = arith.constant 0 : i32
    %dma_start3A_1329 = tpu.memref_slice %arg7[%dma_start3A_1323, %dma_start3A_1328] : memref<40x128xi32, #tpu.memory_space<vmem>> -> memref<1x128xi32, #tpu.memory_space<vmem>>
    %dma_start3A_1330 = tpu.memref_squeeze %dma_start3A_1329 : memref<1x128xi32, #tpu.memory_space<vmem>> -> memref<128xi32, #tpu.memory_space<vmem>>
    %dma_start3A_1331 = arith.constant 0 : i32
    %dma_start3A_1332 = arith.constant 0 : i32
    %dma_start3A_1333 = tpu.memref_slice %arg10[%dma_start3A_1331, %dma_start3A_1332] : memref<10112x32xbf16, #tpu.memory_space<vmem_shared>> -> memref<10112x32xbf16, #tpu.memory_space<vmem_shared>>
    tpu.enqueue_indirect_dma source(%dma_start3A_1327 : memref<128x32xbf16, #tpu.memory_space<vmem>>) target(%dma_start3A_1333 : memref<10112x32xbf16, #tpu.memory_space<vmem_shared>>) offsets(%dma_start3A_1330 : memref<128xi32, #tpu.memory_space<vmem>>) semaphore(%arg13 : memref<!tpu.dma_semaphore, #tpu.memory_space<semaphore_mem>>) {add = true}
    %dma_wait3A_1334 = arith.constant 0 : i32
    %dma_wait3A_1335 = arith.constant 24 : i32
    %dma_wait3A_1336 = arith.constant 0 : i32
    %dma_wait3A_1337 = arith.constant 0 : i32
    %dma_wait3A_1338 = tpu.memref_slice %arg8[%dma_wait3A_1334, %dma_wait3A_1336, %dma_wait3A_1337] : memref<6x128x32xbf16, #tpu.memory_space<vmem>> -> memref<1x128x32xbf16, #tpu.memory_space<vmem>>
    %dma_wait3A_1339 = tpu.memref_squeeze %dma_wait3A_1338 : memref<1x128x32xbf16, #tpu.memory_space<vmem>> -> memref<128x32xbf16, #tpu.memory_space<vmem>>
    %dma_wait3A_1340 = arith.constant 0 : i32
    %dma_wait3A_1341 = tpu.memref_slice %arg7[%dma_wait3A_1335, %dma_wait3A_1340] : memref<40x128xi32, #tpu.memory_space<vmem>> -> memref<1x128xi32, #tpu.memory_space<vmem>>
    %dma_wait3A_1342 = tpu.memref_squeeze %dma_wait3A_1341 : memref<1x128xi32, #tpu.memory_space<vmem>> -> memref<128xi32, #tpu.memory_space<vmem>>
    %dma_wait3A_1343 = arith.constant 0 : i32
    %dma_wait3A_1344 = arith.constant 0 : i32
    %dma_wait3A_1345 = tpu.memref_slice %arg10[%dma_wait3A_1343, %dma_wait3A_1344] : memref<10112x32xbf16, #tpu.memory_space<vmem_shared>> -> memref<10112x32xbf16, #tpu.memory_space<vmem_shared>>
    tpu.wait_indirect_dma semaphore(%arg13 : memref<!tpu.dma_semaphore, #tpu.memory_space<semaphore_mem>>) src(%dma_wait3A_1339 : memref<128x32xbf16, #tpu.memory_space<vmem>>) dst(%dma_wait3A_1345 : memref<10112x32xbf16, #tpu.memory_space<vmem_shared>>)
    %dma_start3A_1346 = arith.constant 30 : i32
    %dma_start3A_1347 = arith.constant 0 : i32
    %dma_start3A_1348 = arith.constant 0 : i32
    %dma_start3A_1349 = arith.constant 0 : i32
    %dma_start3A_1350 = tpu.memref_slice %arg8[%dma_start3A_1347, %dma_start3A_1348, %dma_start3A_1349] : memref<6x128x32xbf16, #tpu.memory_space<vmem>> -> memref<1x128x32xbf16, #tpu.memory_space<vmem>>
    %dma_start3A_1351 = tpu.memref_squeeze %dma_start3A_1350 : memref<1x128x32xbf16, #tpu.memory_space<vmem>> -> memref<128x32xbf16, #tpu.memory_space<vmem>>
    %dma_start3A_1352 = arith.constant 0 : i32
    %dma_start3A_1353 = tpu.memref_slice %arg6[%dma_start3A_1346, %dma_start3A_1352] : memref<40x128xi32, #tpu.memory_space<vmem>> -> memref<1x128xi32, #tpu.memory_space<vmem>>
    %dma_start3A_1354 = tpu.memref_squeeze %dma_start3A_1353 : memref<1x128xi32, #tpu.memory_space<vmem>> -> memref<128xi32, #tpu.memory_space<vmem>>
    %dma_start3A_1355 = arith.constant 0 : i32
    %dma_start3A_1356 = arith.constant 0 : i32
    %dma_start3A_1357 = tpu.memref_slice %arg2[%dma_start3A_1355, %dma_start3A_1356] : memref<270000x32xbf16, #tpu.memory_space<hbm>> -> memref<270000x32xbf16, #tpu.memory_space<hbm>>
    tpu.enqueue_indirect_dma source(%dma_start3A_1357 : memref<270000x32xbf16, #tpu.memory_space<hbm>>) target(%dma_start3A_1351 : memref<128x32xbf16, #tpu.memory_space<vmem>>) offsets(%dma_start3A_1354 : memref<128xi32, #tpu.memory_space<vmem>>) semaphore(%arg12 : memref<!tpu.dma_semaphore, #tpu.memory_space<semaphore_mem>>)
    %dma_wait3A_1358 = arith.constant 27 : i32
    %dma_wait3A_1359 = arith.constant 3 : i32
    %dma_wait3A_1360 = arith.constant 0 : i32
    %dma_wait3A_1361 = arith.constant 0 : i32
    %dma_wait3A_1362 = tpu.memref_slice %arg8[%dma_wait3A_1359, %dma_wait3A_1360, %dma_wait3A_1361] : memref<6x128x32xbf16, #tpu.memory_space<vmem>> -> memref<1x128x32xbf16, #tpu.memory_space<vmem>>
    %dma_wait3A_1363 = tpu.memref_squeeze %dma_wait3A_1362 : memref<1x128x32xbf16, #tpu.memory_space<vmem>> -> memref<128x32xbf16, #tpu.memory_space<vmem>>
    %dma_wait3A_1364 = arith.constant 0 : i32
    %dma_wait3A_1365 = tpu.memref_slice %arg6[%dma_wait3A_1358, %dma_wait3A_1364] : memref<40x128xi32, #tpu.memory_space<vmem>> -> memref<1x128xi32, #tpu.memory_space<vmem>>
    %dma_wait3A_1366 = tpu.memref_squeeze %dma_wait3A_1365 : memref<1x128xi32, #tpu.memory_space<vmem>> -> memref<128xi32, #tpu.memory_space<vmem>>
    %dma_wait3A_1367 = arith.constant 0 : i32
    %dma_wait3A_1368 = arith.constant 0 : i32
    %dma_wait3A_1369 = tpu.memref_slice %arg2[%dma_wait3A_1367, %dma_wait3A_1368] : memref<270000x32xbf16, #tpu.memory_space<hbm>> -> memref<270000x32xbf16, #tpu.memory_space<hbm>>
    tpu.wait_indirect_dma semaphore(%arg12 : memref<!tpu.dma_semaphore, #tpu.memory_space<semaphore_mem>>) src(%dma_wait3A_1369 : memref<270000x32xbf16, #tpu.memory_space<hbm>>) dst(%dma_wait3A_1363 : memref<128x32xbf16, #tpu.memory_space<vmem>>)
    %dma_start3A_1370 = arith.constant 3 : i32
    %dma_start3A_1371 = arith.constant 27 : i32
    %dma_start3A_1372 = arith.constant 0 : i32
    %dma_start3A_1373 = arith.constant 0 : i32
    %dma_start3A_1374 = tpu.memref_slice %arg8[%dma_start3A_1370, %dma_start3A_1372, %dma_start3A_1373] : memref<6x128x32xbf16, #tpu.memory_space<vmem>> -> memref<1x128x32xbf16, #tpu.memory_space<vmem>>
    %dma_start3A_1375 = tpu.memref_squeeze %dma_start3A_1374 : memref<1x128x32xbf16, #tpu.memory_space<vmem>> -> memref<128x32xbf16, #tpu.memory_space<vmem>>
    %dma_start3A_1376 = arith.constant 0 : i32
    %dma_start3A_1377 = tpu.memref_slice %arg7[%dma_start3A_1371, %dma_start3A_1376] : memref<40x128xi32, #tpu.memory_space<vmem>> -> memref<1x128xi32, #tpu.memory_space<vmem>>
    %dma_start3A_1378 = tpu.memref_squeeze %dma_start3A_1377 : memref<1x128xi32, #tpu.memory_space<vmem>> -> memref<128xi32, #tpu.memory_space<vmem>>
    %dma_start3A_1379 = arith.constant 0 : i32
    %dma_start3A_1380 = arith.constant 0 : i32
    %dma_start3A_1381 = tpu.memref_slice %arg10[%dma_start3A_1379, %dma_start3A_1380] : memref<10112x32xbf16, #tpu.memory_space<vmem_shared>> -> memref<10112x32xbf16, #tpu.memory_space<vmem_shared>>
    tpu.enqueue_indirect_dma source(%dma_start3A_1375 : memref<128x32xbf16, #tpu.memory_space<vmem>>) target(%dma_start3A_1381 : memref<10112x32xbf16, #tpu.memory_space<vmem_shared>>) offsets(%dma_start3A_1378 : memref<128xi32, #tpu.memory_space<vmem>>) semaphore(%arg13 : memref<!tpu.dma_semaphore, #tpu.memory_space<semaphore_mem>>) {add = true}
    %dma_wait3A_1382 = arith.constant 1 : i32
    %dma_wait3A_1383 = arith.constant 25 : i32
    %dma_wait3A_1384 = arith.constant 0 : i32
    %dma_wait3A_1385 = arith.constant 0 : i32
    %dma_wait3A_1386 = tpu.memref_slice %arg8[%dma_wait3A_1382, %dma_wait3A_1384, %dma_wait3A_1385] : memref<6x128x32xbf16, #tpu.memory_space<vmem>> -> memref<1x128x32xbf16, #tpu.memory_space<vmem>>
    %dma_wait3A_1387 = tpu.memref_squeeze %dma_wait3A_1386 : memref<1x128x32xbf16, #tpu.memory_space<vmem>> -> memref<128x32xbf16, #tpu.memory_space<vmem>>
    %dma_wait3A_1388 = arith.constant 0 : i32
    %dma_wait3A_1389 = tpu.memref_slice %arg7[%dma_wait3A_1383, %dma_wait3A_1388] : memref<40x128xi32, #tpu.memory_space<vmem>> -> memref<1x128xi32, #tpu.memory_space<vmem>>
    %dma_wait3A_1390 = tpu.memref_squeeze %dma_wait3A_1389 : memref<1x128xi32, #tpu.memory_space<vmem>> -> memref<128xi32, #tpu.memory_space<vmem>>
    %dma_wait3A_1391 = arith.constant 0 : i32
    %dma_wait3A_1392 = arith.constant 0 : i32
    %dma_wait3A_1393 = tpu.memref_slice %arg10[%dma_wait3A_1391, %dma_wait3A_1392] : memref<10112x32xbf16, #tpu.memory_space<vmem_shared>> -> memref<10112x32xbf16, #tpu.memory_space<vmem_shared>>
    tpu.wait_indirect_dma semaphore(%arg13 : memref<!tpu.dma_semaphore, #tpu.memory_space<semaphore_mem>>) src(%dma_wait3A_1387 : memref<128x32xbf16, #tpu.memory_space<vmem>>) dst(%dma_wait3A_1393 : memref<10112x32xbf16, #tpu.memory_space<vmem_shared>>)
    %dma_start3A_1394 = arith.constant 31 : i32
    %dma_start3A_1395 = arith.constant 1 : i32
    %dma_start3A_1396 = arith.constant 0 : i32
    %dma_start3A_1397 = arith.constant 0 : i32
    %dma_start3A_1398 = tpu.memref_slice %arg8[%dma_start3A_1395, %dma_start3A_1396, %dma_start3A_1397] : memref<6x128x32xbf16, #tpu.memory_space<vmem>> -> memref<1x128x32xbf16, #tpu.memory_space<vmem>>
    %dma_start3A_1399 = tpu.memref_squeeze %dma_start3A_1398 : memref<1x128x32xbf16, #tpu.memory_space<vmem>> -> memref<128x32xbf16, #tpu.memory_space<vmem>>
    %dma_start3A_1400 = arith.constant 0 : i32
    %dma_start3A_1401 = tpu.memref_slice %arg6[%dma_start3A_1394, %dma_start3A_1400] : memref<40x128xi32, #tpu.memory_space<vmem>> -> memref<1x128xi32, #tpu.memory_space<vmem>>
    %dma_start3A_1402 = tpu.memref_squeeze %dma_start3A_1401 : memref<1x128xi32, #tpu.memory_space<vmem>> -> memref<128xi32, #tpu.memory_space<vmem>>
    %dma_start3A_1403 = arith.constant 0 : i32
    %dma_start3A_1404 = arith.constant 0 : i32
    %dma_start3A_1405 = tpu.memref_slice %arg2[%dma_start3A_1403, %dma_start3A_1404] : memref<270000x32xbf16, #tpu.memory_space<hbm>> -> memref<270000x32xbf16, #tpu.memory_space<hbm>>
    tpu.enqueue_indirect_dma source(%dma_start3A_1405 : memref<270000x32xbf16, #tpu.memory_space<hbm>>) target(%dma_start3A_1399 : memref<128x32xbf16, #tpu.memory_space<vmem>>) offsets(%dma_start3A_1402 : memref<128xi32, #tpu.memory_space<vmem>>) semaphore(%arg12 : memref<!tpu.dma_semaphore, #tpu.memory_space<semaphore_mem>>)
    %dma_wait3A_1406 = arith.constant 28 : i32
    %dma_wait3A_1407 = arith.constant 4 : i32
    %dma_wait3A_1408 = arith.constant 0 : i32
    %dma_wait3A_1409 = arith.constant 0 : i32
    %dma_wait3A_1410 = tpu.memref_slice %arg8[%dma_wait3A_1407, %dma_wait3A_1408, %dma_wait3A_1409] : memref<6x128x32xbf16, #tpu.memory_space<vmem>> -> memref<1x128x32xbf16, #tpu.memory_space<vmem>>
    %dma_wait3A_1411 = tpu.memref_squeeze %dma_wait3A_1410 : memref<1x128x32xbf16, #tpu.memory_space<vmem>> -> memref<128x32xbf16, #tpu.memory_space<vmem>>
    %dma_wait3A_1412 = arith.constant 0 : i32
    %dma_wait3A_1413 = tpu.memref_slice %arg6[%dma_wait3A_1406, %dma_wait3A_1412] : memref<40x128xi32, #tpu.memory_space<vmem>> -> memref<1x128xi32, #tpu.memory_space<vmem>>
    %dma_wait3A_1414 = tpu.memref_squeeze %dma_wait3A_1413 : memref<1x128xi32, #tpu.memory_space<vmem>> -> memref<128xi32, #tpu.memory_space<vmem>>
    %dma_wait3A_1415 = arith.constant 0 : i32
    %dma_wait3A_1416 = arith.constant 0 : i32
    %dma_wait3A_1417 = tpu.memref_slice %arg2[%dma_wait3A_1415, %dma_wait3A_1416] : memref<270000x32xbf16, #tpu.memory_space<hbm>> -> memref<270000x32xbf16, #tpu.memory_space<hbm>>
    tpu.wait_indirect_dma semaphore(%arg12 : memref<!tpu.dma_semaphore, #tpu.memory_space<semaphore_mem>>) src(%dma_wait3A_1417 : memref<270000x32xbf16, #tpu.memory_space<hbm>>) dst(%dma_wait3A_1411 : memref<128x32xbf16, #tpu.memory_space<vmem>>)
    %dma_start3A_1418 = arith.constant 4 : i32
    %dma_start3A_1419 = arith.constant 28 : i32
    %dma_start3A_1420 = arith.constant 0 : i32
    %dma_start3A_1421 = arith.constant 0 : i32
    %dma_start3A_1422 = tpu.memref_slice %arg8[%dma_start3A_1418, %dma_start3A_1420, %dma_start3A_1421] : memref<6x128x32xbf16, #tpu.memory_space<vmem>> -> memref<1x128x32xbf16, #tpu.memory_space<vmem>>
    %dma_start3A_1423 = tpu.memref_squeeze %dma_start3A_1422 : memref<1x128x32xbf16, #tpu.memory_space<vmem>> -> memref<128x32xbf16, #tpu.memory_space<vmem>>
    %dma_start3A_1424 = arith.constant 0 : i32
    %dma_start3A_1425 = tpu.memref_slice %arg7[%dma_start3A_1419, %dma_start3A_1424] : memref<40x128xi32, #tpu.memory_space<vmem>> -> memref<1x128xi32, #tpu.memory_space<vmem>>
    %dma_start3A_1426 = tpu.memref_squeeze %dma_start3A_1425 : memref<1x128xi32, #tpu.memory_space<vmem>> -> memref<128xi32, #tpu.memory_space<vmem>>
    %dma_start3A_1427 = arith.constant 0 : i32
    %dma_start3A_1428 = arith.constant 0 : i32
    %dma_start3A_1429 = tpu.memref_slice %arg10[%dma_start3A_1427, %dma_start3A_1428] : memref<10112x32xbf16, #tpu.memory_space<vmem_shared>> -> memref<10112x32xbf16, #tpu.memory_space<vmem_shared>>
    tpu.enqueue_indirect_dma source(%dma_start3A_1423 : memref<128x32xbf16, #tpu.memory_space<vmem>>) target(%dma_start3A_1429 : memref<10112x32xbf16, #tpu.memory_space<vmem_shared>>) offsets(%dma_start3A_1426 : memref<128xi32, #tpu.memory_space<vmem>>) semaphore(%arg13 : memref<!tpu.dma_semaphore, #tpu.memory_space<semaphore_mem>>) {add = true}
    %dma_wait3A_1430 = arith.constant 2 : i32
    %dma_wait3A_1431 = arith.constant 26 : i32
    %dma_wait3A_1432 = arith.constant 0 : i32
    %dma_wait3A_1433 = arith.constant 0 : i32
    %dma_wait3A_1434 = tpu.memref_slice %arg8[%dma_wait3A_1430, %dma_wait3A_1432, %dma_wait3A_1433] : memref<6x128x32xbf16, #tpu.memory_space<vmem>> -> memref<1x128x32xbf16, #tpu.memory_space<vmem>>
    %dma_wait3A_1435 = tpu.memref_squeeze %dma_wait3A_1434 : memref<1x128x32xbf16, #tpu.memory_space<vmem>> -> memref<128x32xbf16, #tpu.memory_space<vmem>>
    %dma_wait3A_1436 = arith.constant 0 : i32
    %dma_wait3A_1437 = tpu.memref_slice %arg7[%dma_wait3A_1431, %dma_wait3A_1436] : memref<40x128xi32, #tpu.memory_space<vmem>> -> memref<1x128xi32, #tpu.memory_space<vmem>>
    %dma_wait3A_1438 = tpu.memref_squeeze %dma_wait3A_1437 : memref<1x128xi32, #tpu.memory_space<vmem>> -> memref<128xi32, #tpu.memory_space<vmem>>
    %dma_wait3A_1439 = arith.constant 0 : i32
    %dma_wait3A_1440 = arith.constant 0 : i32
    %dma_wait3A_1441 = tpu.memref_slice %arg10[%dma_wait3A_1439, %dma_wait3A_1440] : memref<10112x32xbf16, #tpu.memory_space<vmem_shared>> -> memref<10112x32xbf16, #tpu.memory_space<vmem_shared>>
    tpu.wait_indirect_dma semaphore(%arg13 : memref<!tpu.dma_semaphore, #tpu.memory_space<semaphore_mem>>) src(%dma_wait3A_1435 : memref<128x32xbf16, #tpu.memory_space<vmem>>) dst(%dma_wait3A_1441 : memref<10112x32xbf16, #tpu.memory_space<vmem_shared>>)
    %dma_start3A_1442 = arith.constant 32 : i32
    %dma_start3A_1443 = arith.constant 2 : i32
    %dma_start3A_1444 = arith.constant 0 : i32
    %dma_start3A_1445 = arith.constant 0 : i32
    %dma_start3A_1446 = tpu.memref_slice %arg8[%dma_start3A_1443, %dma_start3A_1444, %dma_start3A_1445] : memref<6x128x32xbf16, #tpu.memory_space<vmem>> -> memref<1x128x32xbf16, #tpu.memory_space<vmem>>
    %dma_start3A_1447 = tpu.memref_squeeze %dma_start3A_1446 : memref<1x128x32xbf16, #tpu.memory_space<vmem>> -> memref<128x32xbf16, #tpu.memory_space<vmem>>
    %dma_start3A_1448 = arith.constant 0 : i32
    %dma_start3A_1449 = tpu.memref_slice %arg6[%dma_start3A_1442, %dma_start3A_1448] : memref<40x128xi32, #tpu.memory_space<vmem>> -> memref<1x128xi32, #tpu.memory_space<vmem>>
    %dma_start3A_1450 = tpu.memref_squeeze %dma_start3A_1449 : memref<1x128xi32, #tpu.memory_space<vmem>> -> memref<128xi32, #tpu.memory_space<vmem>>
    %dma_start3A_1451 = arith.constant 0 : i32
    %dma_start3A_1452 = arith.constant 0 : i32
    %dma_start3A_1453 = tpu.memref_slice %arg2[%dma_start3A_1451, %dma_start3A_1452] : memref<270000x32xbf16, #tpu.memory_space<hbm>> -> memref<270000x32xbf16, #tpu.memory_space<hbm>>
    tpu.enqueue_indirect_dma source(%dma_start3A_1453 : memref<270000x32xbf16, #tpu.memory_space<hbm>>) target(%dma_start3A_1447 : memref<128x32xbf16, #tpu.memory_space<vmem>>) offsets(%dma_start3A_1450 : memref<128xi32, #tpu.memory_space<vmem>>) semaphore(%arg12 : memref<!tpu.dma_semaphore, #tpu.memory_space<semaphore_mem>>)
    %dma_wait3A_1454 = arith.constant 29 : i32
    %dma_wait3A_1455 = arith.constant 5 : i32
    %dma_wait3A_1456 = arith.constant 0 : i32
    %dma_wait3A_1457 = arith.constant 0 : i32
    %dma_wait3A_1458 = tpu.memref_slice %arg8[%dma_wait3A_1455, %dma_wait3A_1456, %dma_wait3A_1457] : memref<6x128x32xbf16, #tpu.memory_space<vmem>> -> memref<1x128x32xbf16, #tpu.memory_space<vmem>>
    %dma_wait3A_1459 = tpu.memref_squeeze %dma_wait3A_1458 : memref<1x128x32xbf16, #tpu.memory_space<vmem>> -> memref<128x32xbf16, #tpu.memory_space<vmem>>
    %dma_wait3A_1460 = arith.constant 0 : i32
    %dma_wait3A_1461 = tpu.memref_slice %arg6[%dma_wait3A_1454, %dma_wait3A_1460] : memref<40x128xi32, #tpu.memory_space<vmem>> -> memref<1x128xi32, #tpu.memory_space<vmem>>
    %dma_wait3A_1462 = tpu.memref_squeeze %dma_wait3A_1461 : memref<1x128xi32, #tpu.memory_space<vmem>> -> memref<128xi32, #tpu.memory_space<vmem>>
    %dma_wait3A_1463 = arith.constant 0 : i32
    %dma_wait3A_1464 = arith.constant 0 : i32
    %dma_wait3A_1465 = tpu.memref_slice %arg2[%dma_wait3A_1463, %dma_wait3A_1464] : memref<270000x32xbf16, #tpu.memory_space<hbm>> -> memref<270000x32xbf16, #tpu.memory_space<hbm>>
    tpu.wait_indirect_dma semaphore(%arg12 : memref<!tpu.dma_semaphore, #tpu.memory_space<semaphore_mem>>) src(%dma_wait3A_1465 : memref<270000x32xbf16, #tpu.memory_space<hbm>>) dst(%dma_wait3A_1459 : memref<128x32xbf16, #tpu.memory_space<vmem>>)
    %dma_start3A_1466 = arith.constant 5 : i32
    %dma_start3A_1467 = arith.constant 29 : i32
    %dma_start3A_1468 = arith.constant 0 : i32
    %dma_start3A_1469 = arith.constant 0 : i32
    %dma_start3A_1470 = tpu.memref_slice %arg8[%dma_start3A_1466, %dma_start3A_1468, %dma_start3A_1469] : memref<6x128x32xbf16, #tpu.memory_space<vmem>> -> memref<1x128x32xbf16, #tpu.memory_space<vmem>>
    %dma_start3A_1471 = tpu.memref_squeeze %dma_start3A_1470 : memref<1x128x32xbf16, #tpu.memory_space<vmem>> -> memref<128x32xbf16, #tpu.memory_space<vmem>>
    %dma_start3A_1472 = arith.constant 0 : i32
    %dma_start3A_1473 = tpu.memref_slice %arg7[%dma_start3A_1467, %dma_start3A_1472] : memref<40x128xi32, #tpu.memory_space<vmem>> -> memref<1x128xi32, #tpu.memory_space<vmem>>
    %dma_start3A_1474 = tpu.memref_squeeze %dma_start3A_1473 : memref<1x128xi32, #tpu.memory_space<vmem>> -> memref<128xi32, #tpu.memory_space<vmem>>
    %dma_start3A_1475 = arith.constant 0 : i32
    %dma_start3A_1476 = arith.constant 0 : i32
    %dma_start3A_1477 = tpu.memref_slice %arg10[%dma_start3A_1475, %dma_start3A_1476] : memref<10112x32xbf16, #tpu.memory_space<vmem_shared>> -> memref<10112x32xbf16, #tpu.memory_space<vmem_shared>>
    tpu.enqueue_indirect_dma source(%dma_start3A_1471 : memref<128x32xbf16, #tpu.memory_space<vmem>>) target(%dma_start3A_1477 : memref<10112x32xbf16, #tpu.memory_space<vmem_shared>>) offsets(%dma_start3A_1474 : memref<128xi32, #tpu.memory_space<vmem>>) semaphore(%arg13 : memref<!tpu.dma_semaphore, #tpu.memory_space<semaphore_mem>>) {add = true}
    %dma_wait3A_1478 = arith.constant 3 : i32
    %dma_wait3A_1479 = arith.constant 27 : i32
    %dma_wait3A_1480 = arith.constant 0 : i32
    %dma_wait3A_1481 = arith.constant 0 : i32
    %dma_wait3A_1482 = tpu.memref_slice %arg8[%dma_wait3A_1478, %dma_wait3A_1480, %dma_wait3A_1481] : memref<6x128x32xbf16, #tpu.memory_space<vmem>> -> memref<1x128x32xbf16, #tpu.memory_space<vmem>>
    %dma_wait3A_1483 = tpu.memref_squeeze %dma_wait3A_1482 : memref<1x128x32xbf16, #tpu.memory_space<vmem>> -> memref<128x32xbf16, #tpu.memory_space<vmem>>
    %dma_wait3A_1484 = arith.constant 0 : i32
    %dma_wait3A_1485 = tpu.memref_slice %arg7[%dma_wait3A_1479, %dma_wait3A_1484] : memref<40x128xi32, #tpu.memory_space<vmem>> -> memref<1x128xi32, #tpu.memory_space<vmem>>
    %dma_wait3A_1486 = tpu.memref_squeeze %dma_wait3A_1485 : memref<1x128xi32, #tpu.memory_space<vmem>> -> memref<128xi32, #tpu.memory_space<vmem>>
    %dma_wait3A_1487 = arith.constant 0 : i32
    %dma_wait3A_1488 = arith.constant 0 : i32
    %dma_wait3A_1489 = tpu.memref_slice %arg10[%dma_wait3A_1487, %dma_wait3A_1488] : memref<10112x32xbf16, #tpu.memory_space<vmem_shared>> -> memref<10112x32xbf16, #tpu.memory_space<vmem_shared>>
    tpu.wait_indirect_dma semaphore(%arg13 : memref<!tpu.dma_semaphore, #tpu.memory_space<semaphore_mem>>) src(%dma_wait3A_1483 : memref<128x32xbf16, #tpu.memory_space<vmem>>) dst(%dma_wait3A_1489 : memref<10112x32xbf16, #tpu.memory_space<vmem_shared>>)
    %dma_start3A_1490 = arith.constant 33 : i32
    %dma_start3A_1491 = arith.constant 3 : i32
    %dma_start3A_1492 = arith.constant 0 : i32
    %dma_start3A_1493 = arith.constant 0 : i32
    %dma_start3A_1494 = tpu.memref_slice %arg8[%dma_start3A_1491, %dma_start3A_1492, %dma_start3A_1493] : memref<6x128x32xbf16, #tpu.memory_space<vmem>> -> memref<1x128x32xbf16, #tpu.memory_space<vmem>>
    %dma_start3A_1495 = tpu.memref_squeeze %dma_start3A_1494 : memref<1x128x32xbf16, #tpu.memory_space<vmem>> -> memref<128x32xbf16, #tpu.memory_space<vmem>>
    %dma_start3A_1496 = arith.constant 0 : i32
    %dma_start3A_1497 = tpu.memref_slice %arg6[%dma_start3A_1490, %dma_start3A_1496] : memref<40x128xi32, #tpu.memory_space<vmem>> -> memref<1x128xi32, #tpu.memory_space<vmem>>
    %dma_start3A_1498 = tpu.memref_squeeze %dma_start3A_1497 : memref<1x128xi32, #tpu.memory_space<vmem>> -> memref<128xi32, #tpu.memory_space<vmem>>
    %dma_start3A_1499 = arith.constant 0 : i32
    %dma_start3A_1500 = arith.constant 0 : i32
    %dma_start3A_1501 = tpu.memref_slice %arg2[%dma_start3A_1499, %dma_start3A_1500] : memref<270000x32xbf16, #tpu.memory_space<hbm>> -> memref<270000x32xbf16, #tpu.memory_space<hbm>>
    tpu.enqueue_indirect_dma source(%dma_start3A_1501 : memref<270000x32xbf16, #tpu.memory_space<hbm>>) target(%dma_start3A_1495 : memref<128x32xbf16, #tpu.memory_space<vmem>>) offsets(%dma_start3A_1498 : memref<128xi32, #tpu.memory_space<vmem>>) semaphore(%arg12 : memref<!tpu.dma_semaphore, #tpu.memory_space<semaphore_mem>>)
    %dma_wait3A_1502 = arith.constant 30 : i32
    %dma_wait3A_1503 = arith.constant 0 : i32
    %dma_wait3A_1504 = arith.constant 0 : i32
    %dma_wait3A_1505 = arith.constant 0 : i32
    %dma_wait3A_1506 = tpu.memref_slice %arg8[%dma_wait3A_1503, %dma_wait3A_1504, %dma_wait3A_1505] : memref<6x128x32xbf16, #tpu.memory_space<vmem>> -> memref<1x128x32xbf16, #tpu.memory_space<vmem>>
    %dma_wait3A_1507 = tpu.memref_squeeze %dma_wait3A_1506 : memref<1x128x32xbf16, #tpu.memory_space<vmem>> -> memref<128x32xbf16, #tpu.memory_space<vmem>>
    %dma_wait3A_1508 = arith.constant 0 : i32
    %dma_wait3A_1509 = tpu.memref_slice %arg6[%dma_wait3A_1502, %dma_wait3A_1508] : memref<40x128xi32, #tpu.memory_space<vmem>> -> memref<1x128xi32, #tpu.memory_space<vmem>>
    %dma_wait3A_1510 = tpu.memref_squeeze %dma_wait3A_1509 : memref<1x128xi32, #tpu.memory_space<vmem>> -> memref<128xi32, #tpu.memory_space<vmem>>
    %dma_wait3A_1511 = arith.constant 0 : i32
    %dma_wait3A_1512 = arith.constant 0 : i32
    %dma_wait3A_1513 = tpu.memref_slice %arg2[%dma_wait3A_1511, %dma_wait3A_1512] : memref<270000x32xbf16, #tpu.memory_space<hbm>> -> memref<270000x32xbf16, #tpu.memory_space<hbm>>
    tpu.wait_indirect_dma semaphore(%arg12 : memref<!tpu.dma_semaphore, #tpu.memory_space<semaphore_mem>>) src(%dma_wait3A_1513 : memref<270000x32xbf16, #tpu.memory_space<hbm>>) dst(%dma_wait3A_1507 : memref<128x32xbf16, #tpu.memory_space<vmem>>)
    %dma_start3A_1514 = arith.constant 0 : i32
    %dma_start3A_1515 = arith.constant 30 : i32
    %dma_start3A_1516 = arith.constant 0 : i32
    %dma_start3A_1517 = arith.constant 0 : i32
    %dma_start3A_1518 = tpu.memref_slice %arg8[%dma_start3A_1514, %dma_start3A_1516, %dma_start3A_1517] : memref<6x128x32xbf16, #tpu.memory_space<vmem>> -> memref<1x128x32xbf16, #tpu.memory_space<vmem>>
    %dma_start3A_1519 = tpu.memref_squeeze %dma_start3A_1518 : memref<1x128x32xbf16, #tpu.memory_space<vmem>> -> memref<128x32xbf16, #tpu.memory_space<vmem>>
    %dma_start3A_1520 = arith.constant 0 : i32
    %dma_start3A_1521 = tpu.memref_slice %arg7[%dma_start3A_1515, %dma_start3A_1520] : memref<40x128xi32, #tpu.memory_space<vmem>> -> memref<1x128xi32, #tpu.memory_space<vmem>>
    %dma_start3A_1522 = tpu.memref_squeeze %dma_start3A_1521 : memref<1x128xi32, #tpu.memory_space<vmem>> -> memref<128xi32, #tpu.memory_space<vmem>>
    %dma_start3A_1523 = arith.constant 0 : i32
    %dma_start3A_1524 = arith.constant 0 : i32
    %dma_start3A_1525 = tpu.memref_slice %arg10[%dma_start3A_1523, %dma_start3A_1524] : memref<10112x32xbf16, #tpu.memory_space<vmem_shared>> -> memref<10112x32xbf16, #tpu.memory_space<vmem_shared>>
    tpu.enqueue_indirect_dma source(%dma_start3A_1519 : memref<128x32xbf16, #tpu.memory_space<vmem>>) target(%dma_start3A_1525 : memref<10112x32xbf16, #tpu.memory_space<vmem_shared>>) offsets(%dma_start3A_1522 : memref<128xi32, #tpu.memory_space<vmem>>) semaphore(%arg13 : memref<!tpu.dma_semaphore, #tpu.memory_space<semaphore_mem>>) {add = true}
    %dma_wait3A_1526 = arith.constant 4 : i32
    %dma_wait3A_1527 = arith.constant 28 : i32
    %dma_wait3A_1528 = arith.constant 0 : i32
    %dma_wait3A_1529 = arith.constant 0 : i32
    %dma_wait3A_1530 = tpu.memref_slice %arg8[%dma_wait3A_1526, %dma_wait3A_1528, %dma_wait3A_1529] : memref<6x128x32xbf16, #tpu.memory_space<vmem>> -> memref<1x128x32xbf16, #tpu.memory_space<vmem>>
    %dma_wait3A_1531 = tpu.memref_squeeze %dma_wait3A_1530 : memref<1x128x32xbf16, #tpu.memory_space<vmem>> -> memref<128x32xbf16, #tpu.memory_space<vmem>>
    %dma_wait3A_1532 = arith.constant 0 : i32
    %dma_wait3A_1533 = tpu.memref_slice %arg7[%dma_wait3A_1527, %dma_wait3A_1532] : memref<40x128xi32, #tpu.memory_space<vmem>> -> memref<1x128xi32, #tpu.memory_space<vmem>>
    %dma_wait3A_1534 = tpu.memref_squeeze %dma_wait3A_1533 : memref<1x128xi32, #tpu.memory_space<vmem>> -> memref<128xi32, #tpu.memory_space<vmem>>
    %dma_wait3A_1535 = arith.constant 0 : i32
    %dma_wait3A_1536 = arith.constant 0 : i32
    %dma_wait3A_1537 = tpu.memref_slice %arg10[%dma_wait3A_1535, %dma_wait3A_1536] : memref<10112x32xbf16, #tpu.memory_space<vmem_shared>> -> memref<10112x32xbf16, #tpu.memory_space<vmem_shared>>
    tpu.wait_indirect_dma semaphore(%arg13 : memref<!tpu.dma_semaphore, #tpu.memory_space<semaphore_mem>>) src(%dma_wait3A_1531 : memref<128x32xbf16, #tpu.memory_space<vmem>>) dst(%dma_wait3A_1537 : memref<10112x32xbf16, #tpu.memory_space<vmem_shared>>)
    %dma_start3A_1538 = arith.constant 34 : i32
    %dma_start3A_1539 = arith.constant 4 : i32
    %dma_start3A_1540 = arith.constant 0 : i32
    %dma_start3A_1541 = arith.constant 0 : i32
    %dma_start3A_1542 = tpu.memref_slice %arg8[%dma_start3A_1539, %dma_start3A_1540, %dma_start3A_1541] : memref<6x128x32xbf16, #tpu.memory_space<vmem>> -> memref<1x128x32xbf16, #tpu.memory_space<vmem>>
    %dma_start3A_1543 = tpu.memref_squeeze %dma_start3A_1542 : memref<1x128x32xbf16, #tpu.memory_space<vmem>> -> memref<128x32xbf16, #tpu.memory_space<vmem>>
    %dma_start3A_1544 = arith.constant 0 : i32
    %dma_start3A_1545 = tpu.memref_slice %arg6[%dma_start3A_1538, %dma_start3A_1544] : memref<40x128xi32, #tpu.memory_space<vmem>> -> memref<1x128xi32, #tpu.memory_space<vmem>>
    %dma_start3A_1546 = tpu.memref_squeeze %dma_start3A_1545 : memref<1x128xi32, #tpu.memory_space<vmem>> -> memref<128xi32, #tpu.memory_space<vmem>>
    %dma_start3A_1547 = arith.constant 0 : i32
    %dma_start3A_1548 = arith.constant 0 : i32
    %dma_start3A_1549 = tpu.memref_slice %arg2[%dma_start3A_1547, %dma_start3A_1548] : memref<270000x32xbf16, #tpu.memory_space<hbm>> -> memref<270000x32xbf16, #tpu.memory_space<hbm>>
    tpu.enqueue_indirect_dma source(%dma_start3A_1549 : memref<270000x32xbf16, #tpu.memory_space<hbm>>) target(%dma_start3A_1543 : memref<128x32xbf16, #tpu.memory_space<vmem>>) offsets(%dma_start3A_1546 : memref<128xi32, #tpu.memory_space<vmem>>) semaphore(%arg12 : memref<!tpu.dma_semaphore, #tpu.memory_space<semaphore_mem>>)
    %dma_wait3A_1550 = arith.constant 31 : i32
    %dma_wait3A_1551 = arith.constant 1 : i32
    %dma_wait3A_1552 = arith.constant 0 : i32
    %dma_wait3A_1553 = arith.constant 0 : i32
    %dma_wait3A_1554 = tpu.memref_slice %arg8[%dma_wait3A_1551, %dma_wait3A_1552, %dma_wait3A_1553] : memref<6x128x32xbf16, #tpu.memory_space<vmem>> -> memref<1x128x32xbf16, #tpu.memory_space<vmem>>
    %dma_wait3A_1555 = tpu.memref_squeeze %dma_wait3A_1554 : memref<1x128x32xbf16, #tpu.memory_space<vmem>> -> memref<128x32xbf16, #tpu.memory_space<vmem>>
    %dma_wait3A_1556 = arith.constant 0 : i32
    %dma_wait3A_1557 = tpu.memref_slice %arg6[%dma_wait3A_1550, %dma_wait3A_1556] : memref<40x128xi32, #tpu.memory_space<vmem>> -> memref<1x128xi32, #tpu.memory_space<vmem>>
    %dma_wait3A_1558 = tpu.memref_squeeze %dma_wait3A_1557 : memref<1x128xi32, #tpu.memory_space<vmem>> -> memref<128xi32, #tpu.memory_space<vmem>>
    %dma_wait3A_1559 = arith.constant 0 : i32
    %dma_wait3A_1560 = arith.constant 0 : i32
    %dma_wait3A_1561 = tpu.memref_slice %arg2[%dma_wait3A_1559, %dma_wait3A_1560] : memref<270000x32xbf16, #tpu.memory_space<hbm>> -> memref<270000x32xbf16, #tpu.memory_space<hbm>>
    tpu.wait_indirect_dma semaphore(%arg12 : memref<!tpu.dma_semaphore, #tpu.memory_space<semaphore_mem>>) src(%dma_wait3A_1561 : memref<270000x32xbf16, #tpu.memory_space<hbm>>) dst(%dma_wait3A_1555 : memref<128x32xbf16, #tpu.memory_space<vmem>>)
    %dma_start3A_1562 = arith.constant 1 : i32
    %dma_start3A_1563 = arith.constant 31 : i32
    %dma_start3A_1564 = arith.constant 0 : i32
    %dma_start3A_1565 = arith.constant 0 : i32
    %dma_start3A_1566 = tpu.memref_slice %arg8[%dma_start3A_1562, %dma_start3A_1564, %dma_start3A_1565] : memref<6x128x32xbf16, #tpu.memory_space<vmem>> -> memref<1x128x32xbf16, #tpu.memory_space<vmem>>
    %dma_start3A_1567 = tpu.memref_squeeze %dma_start3A_1566 : memref<1x128x32xbf16, #tpu.memory_space<vmem>> -> memref<128x32xbf16, #tpu.memory_space<vmem>>
    %dma_start3A_1568 = arith.constant 0 : i32
    %dma_start3A_1569 = tpu.memref_slice %arg7[%dma_start3A_1563, %dma_start3A_1568] : memref<40x128xi32, #tpu.memory_space<vmem>> -> memref<1x128xi32, #tpu.memory_space<vmem>>
    %dma_start3A_1570 = tpu.memref_squeeze %dma_start3A_1569 : memref<1x128xi32, #tpu.memory_space<vmem>> -> memref<128xi32, #tpu.memory_space<vmem>>
    %dma_start3A_1571 = arith.constant 0 : i32
    %dma_start3A_1572 = arith.constant 0 : i32
    %dma_start3A_1573 = tpu.memref_slice %arg10[%dma_start3A_1571, %dma_start3A_1572] : memref<10112x32xbf16, #tpu.memory_space<vmem_shared>> -> memref<10112x32xbf16, #tpu.memory_space<vmem_shared>>
    tpu.enqueue_indirect_dma source(%dma_start3A_1567 : memref<128x32xbf16, #tpu.memory_space<vmem>>) target(%dma_start3A_1573 : memref<10112x32xbf16, #tpu.memory_space<vmem_shared>>) offsets(%dma_start3A_1570 : memref<128xi32, #tpu.memory_space<vmem>>) semaphore(%arg13 : memref<!tpu.dma_semaphore, #tpu.memory_space<semaphore_mem>>) {add = true}
    %dma_wait3A_1574 = arith.constant 5 : i32
    %dma_wait3A_1575 = arith.constant 29 : i32
    %dma_wait3A_1576 = arith.constant 0 : i32
    %dma_wait3A_1577 = arith.constant 0 : i32
    %dma_wait3A_1578 = tpu.memref_slice %arg8[%dma_wait3A_1574, %dma_wait3A_1576, %dma_wait3A_1577] : memref<6x128x32xbf16, #tpu.memory_space<vmem>> -> memref<1x128x32xbf16, #tpu.memory_space<vmem>>
    %dma_wait3A_1579 = tpu.memref_squeeze %dma_wait3A_1578 : memref<1x128x32xbf16, #tpu.memory_space<vmem>> -> memref<128x32xbf16, #tpu.memory_space<vmem>>
    %dma_wait3A_1580 = arith.constant 0 : i32
    %dma_wait3A_1581 = tpu.memref_slice %arg7[%dma_wait3A_1575, %dma_wait3A_1580] : memref<40x128xi32, #tpu.memory_space<vmem>> -> memref<1x128xi32, #tpu.memory_space<vmem>>
    %dma_wait3A_1582 = tpu.memref_squeeze %dma_wait3A_1581 : memref<1x128xi32, #tpu.memory_space<vmem>> -> memref<128xi32, #tpu.memory_space<vmem>>
    %dma_wait3A_1583 = arith.constant 0 : i32
    %dma_wait3A_1584 = arith.constant 0 : i32
    %dma_wait3A_1585 = tpu.memref_slice %arg10[%dma_wait3A_1583, %dma_wait3A_1584] : memref<10112x32xbf16, #tpu.memory_space<vmem_shared>> -> memref<10112x32xbf16, #tpu.memory_space<vmem_shared>>
    tpu.wait_indirect_dma semaphore(%arg13 : memref<!tpu.dma_semaphore, #tpu.memory_space<semaphore_mem>>) src(%dma_wait3A_1579 : memref<128x32xbf16, #tpu.memory_space<vmem>>) dst(%dma_wait3A_1585 : memref<10112x32xbf16, #tpu.memory_space<vmem_shared>>)
    %dma_start3A_1586 = arith.constant 35 : i32
    %dma_start3A_1587 = arith.constant 5 : i32
    %dma_start3A_1588 = arith.constant 0 : i32
    %dma_start3A_1589 = arith.constant 0 : i32
    %dma_start3A_1590 = tpu.memref_slice %arg8[%dma_start3A_1587, %dma_start3A_1588, %dma_start3A_1589] : memref<6x128x32xbf16, #tpu.memory_space<vmem>> -> memref<1x128x32xbf16, #tpu.memory_space<vmem>>
    %dma_start3A_1591 = tpu.memref_squeeze %dma_start3A_1590 : memref<1x128x32xbf16, #tpu.memory_space<vmem>> -> memref<128x32xbf16, #tpu.memory_space<vmem>>
    %dma_start3A_1592 = arith.constant 0 : i32
    %dma_start3A_1593 = tpu.memref_slice %arg6[%dma_start3A_1586, %dma_start3A_1592] : memref<40x128xi32, #tpu.memory_space<vmem>> -> memref<1x128xi32, #tpu.memory_space<vmem>>
    %dma_start3A_1594 = tpu.memref_squeeze %dma_start3A_1593 : memref<1x128xi32, #tpu.memory_space<vmem>> -> memref<128xi32, #tpu.memory_space<vmem>>
    %dma_start3A_1595 = arith.constant 0 : i32
    %dma_start3A_1596 = arith.constant 0 : i32
    %dma_start3A_1597 = tpu.memref_slice %arg2[%dma_start3A_1595, %dma_start3A_1596] : memref<270000x32xbf16, #tpu.memory_space<hbm>> -> memref<270000x32xbf16, #tpu.memory_space<hbm>>
    tpu.enqueue_indirect_dma source(%dma_start3A_1597 : memref<270000x32xbf16, #tpu.memory_space<hbm>>) target(%dma_start3A_1591 : memref<128x32xbf16, #tpu.memory_space<vmem>>) offsets(%dma_start3A_1594 : memref<128xi32, #tpu.memory_space<vmem>>) semaphore(%arg12 : memref<!tpu.dma_semaphore, #tpu.memory_space<semaphore_mem>>)
    %dma_wait3A_1598 = arith.constant 32 : i32
    %dma_wait3A_1599 = arith.constant 2 : i32
    %dma_wait3A_1600 = arith.constant 0 : i32
    %dma_wait3A_1601 = arith.constant 0 : i32
    %dma_wait3A_1602 = tpu.memref_slice %arg8[%dma_wait3A_1599, %dma_wait3A_1600, %dma_wait3A_1601] : memref<6x128x32xbf16, #tpu.memory_space<vmem>> -> memref<1x128x32xbf16, #tpu.memory_space<vmem>>
    %dma_wait3A_1603 = tpu.memref_squeeze %dma_wait3A_1602 : memref<1x128x32xbf16, #tpu.memory_space<vmem>> -> memref<128x32xbf16, #tpu.memory_space<vmem>>
    %dma_wait3A_1604 = arith.constant 0 : i32
    %dma_wait3A_1605 = tpu.memref_slice %arg6[%dma_wait3A_1598, %dma_wait3A_1604] : memref<40x128xi32, #tpu.memory_space<vmem>> -> memref<1x128xi32, #tpu.memory_space<vmem>>
    %dma_wait3A_1606 = tpu.memref_squeeze %dma_wait3A_1605 : memref<1x128xi32, #tpu.memory_space<vmem>> -> memref<128xi32, #tpu.memory_space<vmem>>
    %dma_wait3A_1607 = arith.constant 0 : i32
    %dma_wait3A_1608 = arith.constant 0 : i32
    %dma_wait3A_1609 = tpu.memref_slice %arg2[%dma_wait3A_1607, %dma_wait3A_1608] : memref<270000x32xbf16, #tpu.memory_space<hbm>> -> memref<270000x32xbf16, #tpu.memory_space<hbm>>
    tpu.wait_indirect_dma semaphore(%arg12 : memref<!tpu.dma_semaphore, #tpu.memory_space<semaphore_mem>>) src(%dma_wait3A_1609 : memref<270000x32xbf16, #tpu.memory_space<hbm>>) dst(%dma_wait3A_1603 : memref<128x32xbf16, #tpu.memory_space<vmem>>)
    %dma_start3A_1610 = arith.constant 2 : i32
    %dma_start3A_1611 = arith.constant 32 : i32
    %dma_start3A_1612 = arith.constant 0 : i32
    %dma_start3A_1613 = arith.constant 0 : i32
    %dma_start3A_1614 = tpu.memref_slice %arg8[%dma_start3A_1610, %dma_start3A_1612, %dma_start3A_1613] : memref<6x128x32xbf16, #tpu.memory_space<vmem>> -> memref<1x128x32xbf16, #tpu.memory_space<vmem>>
    %dma_start3A_1615 = tpu.memref_squeeze %dma_start3A_1614 : memref<1x128x32xbf16, #tpu.memory_space<vmem>> -> memref<128x32xbf16, #tpu.memory_space<vmem>>
    %dma_start3A_1616 = arith.constant 0 : i32
    %dma_start3A_1617 = tpu.memref_slice %arg7[%dma_start3A_1611, %dma_start3A_1616] : memref<40x128xi32, #tpu.memory_space<vmem>> -> memref<1x128xi32, #tpu.memory_space<vmem>>
    %dma_start3A_1618 = tpu.memref_squeeze %dma_start3A_1617 : memref<1x128xi32, #tpu.memory_space<vmem>> -> memref<128xi32, #tpu.memory_space<vmem>>
    %dma_start3A_1619 = arith.constant 0 : i32
    %dma_start3A_1620 = arith.constant 0 : i32
    %dma_start3A_1621 = tpu.memref_slice %arg10[%dma_start3A_1619, %dma_start3A_1620] : memref<10112x32xbf16, #tpu.memory_space<vmem_shared>> -> memref<10112x32xbf16, #tpu.memory_space<vmem_shared>>
    tpu.enqueue_indirect_dma source(%dma_start3A_1615 : memref<128x32xbf16, #tpu.memory_space<vmem>>) target(%dma_start3A_1621 : memref<10112x32xbf16, #tpu.memory_space<vmem_shared>>) offsets(%dma_start3A_1618 : memref<128xi32, #tpu.memory_space<vmem>>) semaphore(%arg13 : memref<!tpu.dma_semaphore, #tpu.memory_space<semaphore_mem>>) {add = true}
    %dma_wait3A_1622 = arith.constant 0 : i32
    %dma_wait3A_1623 = arith.constant 30 : i32
    %dma_wait3A_1624 = arith.constant 0 : i32
    %dma_wait3A_1625 = arith.constant 0 : i32
    %dma_wait3A_1626 = tpu.memref_slice %arg8[%dma_wait3A_1622, %dma_wait3A_1624, %dma_wait3A_1625] : memref<6x128x32xbf16, #tpu.memory_space<vmem>> -> memref<1x128x32xbf16, #tpu.memory_space<vmem>>
    %dma_wait3A_1627 = tpu.memref_squeeze %dma_wait3A_1626 : memref<1x128x32xbf16, #tpu.memory_space<vmem>> -> memref<128x32xbf16, #tpu.memory_space<vmem>>
    %dma_wait3A_1628 = arith.constant 0 : i32
    %dma_wait3A_1629 = tpu.memref_slice %arg7[%dma_wait3A_1623, %dma_wait3A_1628] : memref<40x128xi32, #tpu.memory_space<vmem>> -> memref<1x128xi32, #tpu.memory_space<vmem>>
    %dma_wait3A_1630 = tpu.memref_squeeze %dma_wait3A_1629 : memref<1x128xi32, #tpu.memory_space<vmem>> -> memref<128xi32, #tpu.memory_space<vmem>>
    %dma_wait3A_1631 = arith.constant 0 : i32
    %dma_wait3A_1632 = arith.constant 0 : i32
    %dma_wait3A_1633 = tpu.memref_slice %arg10[%dma_wait3A_1631, %dma_wait3A_1632] : memref<10112x32xbf16, #tpu.memory_space<vmem_shared>> -> memref<10112x32xbf16, #tpu.memory_space<vmem_shared>>
    tpu.wait_indirect_dma semaphore(%arg13 : memref<!tpu.dma_semaphore, #tpu.memory_space<semaphore_mem>>) src(%dma_wait3A_1627 : memref<128x32xbf16, #tpu.memory_space<vmem>>) dst(%dma_wait3A_1633 : memref<10112x32xbf16, #tpu.memory_space<vmem_shared>>)
    %dma_start3A_1634 = arith.constant 36 : i32
    %dma_start3A_1635 = arith.constant 0 : i32
    %dma_start3A_1636 = arith.constant 0 : i32
    %dma_start3A_1637 = arith.constant 0 : i32
    %dma_start3A_1638 = tpu.memref_slice %arg8[%dma_start3A_1635, %dma_start3A_1636, %dma_start3A_1637] : memref<6x128x32xbf16, #tpu.memory_space<vmem>> -> memref<1x128x32xbf16, #tpu.memory_space<vmem>>
    %dma_start3A_1639 = tpu.memref_squeeze %dma_start3A_1638 : memref<1x128x32xbf16, #tpu.memory_space<vmem>> -> memref<128x32xbf16, #tpu.memory_space<vmem>>
    %dma_start3A_1640 = arith.constant 0 : i32
    %dma_start3A_1641 = tpu.memref_slice %arg6[%dma_start3A_1634, %dma_start3A_1640] : memref<40x128xi32, #tpu.memory_space<vmem>> -> memref<1x128xi32, #tpu.memory_space<vmem>>
    %dma_start3A_1642 = tpu.memref_squeeze %dma_start3A_1641 : memref<1x128xi32, #tpu.memory_space<vmem>> -> memref<128xi32, #tpu.memory_space<vmem>>
    %dma_start3A_1643 = arith.constant 0 : i32
    %dma_start3A_1644 = arith.constant 0 : i32
    %dma_start3A_1645 = tpu.memref_slice %arg2[%dma_start3A_1643, %dma_start3A_1644] : memref<270000x32xbf16, #tpu.memory_space<hbm>> -> memref<270000x32xbf16, #tpu.memory_space<hbm>>
    tpu.enqueue_indirect_dma source(%dma_start3A_1645 : memref<270000x32xbf16, #tpu.memory_space<hbm>>) target(%dma_start3A_1639 : memref<128x32xbf16, #tpu.memory_space<vmem>>) offsets(%dma_start3A_1642 : memref<128xi32, #tpu.memory_space<vmem>>) semaphore(%arg12 : memref<!tpu.dma_semaphore, #tpu.memory_space<semaphore_mem>>)
    %dma_wait3A_1646 = arith.constant 33 : i32
    %dma_wait3A_1647 = arith.constant 3 : i32
    %dma_wait3A_1648 = arith.constant 0 : i32
    %dma_wait3A_1649 = arith.constant 0 : i32
    %dma_wait3A_1650 = tpu.memref_slice %arg8[%dma_wait3A_1647, %dma_wait3A_1648, %dma_wait3A_1649] : memref<6x128x32xbf16, #tpu.memory_space<vmem>> -> memref<1x128x32xbf16, #tpu.memory_space<vmem>>
    %dma_wait3A_1651 = tpu.memref_squeeze %dma_wait3A_1650 : memref<1x128x32xbf16, #tpu.memory_space<vmem>> -> memref<128x32xbf16, #tpu.memory_space<vmem>>
    %dma_wait3A_1652 = arith.constant 0 : i32
    %dma_wait3A_1653 = tpu.memref_slice %arg6[%dma_wait3A_1646, %dma_wait3A_1652] : memref<40x128xi32, #tpu.memory_space<vmem>> -> memref<1x128xi32, #tpu.memory_space<vmem>>
    %dma_wait3A_1654 = tpu.memref_squeeze %dma_wait3A_1653 : memref<1x128xi32, #tpu.memory_space<vmem>> -> memref<128xi32, #tpu.memory_space<vmem>>
    %dma_wait3A_1655 = arith.constant 0 : i32
    %dma_wait3A_1656 = arith.constant 0 : i32
    %dma_wait3A_1657 = tpu.memref_slice %arg2[%dma_wait3A_1655, %dma_wait3A_1656] : memref<270000x32xbf16, #tpu.memory_space<hbm>> -> memref<270000x32xbf16, #tpu.memory_space<hbm>>
    tpu.wait_indirect_dma semaphore(%arg12 : memref<!tpu.dma_semaphore, #tpu.memory_space<semaphore_mem>>) src(%dma_wait3A_1657 : memref<270000x32xbf16, #tpu.memory_space<hbm>>) dst(%dma_wait3A_1651 : memref<128x32xbf16, #tpu.memory_space<vmem>>)
    %dma_start3A_1658 = arith.constant 3 : i32
    %dma_start3A_1659 = arith.constant 33 : i32
    %dma_start3A_1660 = arith.constant 0 : i32
    %dma_start3A_1661 = arith.constant 0 : i32
    %dma_start3A_1662 = tpu.memref_slice %arg8[%dma_start3A_1658, %dma_start3A_1660, %dma_start3A_1661] : memref<6x128x32xbf16, #tpu.memory_space<vmem>> -> memref<1x128x32xbf16, #tpu.memory_space<vmem>>
    %dma_start3A_1663 = tpu.memref_squeeze %dma_start3A_1662 : memref<1x128x32xbf16, #tpu.memory_space<vmem>> -> memref<128x32xbf16, #tpu.memory_space<vmem>>
    %dma_start3A_1664 = arith.constant 0 : i32
    %dma_start3A_1665 = tpu.memref_slice %arg7[%dma_start3A_1659, %dma_start3A_1664] : memref<40x128xi32, #tpu.memory_space<vmem>> -> memref<1x128xi32, #tpu.memory_space<vmem>>
    %dma_start3A_1666 = tpu.memref_squeeze %dma_start3A_1665 : memref<1x128xi32, #tpu.memory_space<vmem>> -> memref<128xi32, #tpu.memory_space<vmem>>
    %dma_start3A_1667 = arith.constant 0 : i32
    %dma_start3A_1668 = arith.constant 0 : i32
    %dma_start3A_1669 = tpu.memref_slice %arg10[%dma_start3A_1667, %dma_start3A_1668] : memref<10112x32xbf16, #tpu.memory_space<vmem_shared>> -> memref<10112x32xbf16, #tpu.memory_space<vmem_shared>>
    tpu.enqueue_indirect_dma source(%dma_start3A_1663 : memref<128x32xbf16, #tpu.memory_space<vmem>>) target(%dma_start3A_1669 : memref<10112x32xbf16, #tpu.memory_space<vmem_shared>>) offsets(%dma_start3A_1666 : memref<128xi32, #tpu.memory_space<vmem>>) semaphore(%arg13 : memref<!tpu.dma_semaphore, #tpu.memory_space<semaphore_mem>>) {add = true}
    %dma_wait3A_1670 = arith.constant 1 : i32
    %dma_wait3A_1671 = arith.constant 31 : i32
    %dma_wait3A_1672 = arith.constant 0 : i32
    %dma_wait3A_1673 = arith.constant 0 : i32
    %dma_wait3A_1674 = tpu.memref_slice %arg8[%dma_wait3A_1670, %dma_wait3A_1672, %dma_wait3A_1673] : memref<6x128x32xbf16, #tpu.memory_space<vmem>> -> memref<1x128x32xbf16, #tpu.memory_space<vmem>>
    %dma_wait3A_1675 = tpu.memref_squeeze %dma_wait3A_1674 : memref<1x128x32xbf16, #tpu.memory_space<vmem>> -> memref<128x32xbf16, #tpu.memory_space<vmem>>
    %dma_wait3A_1676 = arith.constant 0 : i32
    %dma_wait3A_1677 = tpu.memref_slice %arg7[%dma_wait3A_1671, %dma_wait3A_1676] : memref<40x128xi32, #tpu.memory_space<vmem>> -> memref<1x128xi32, #tpu.memory_space<vmem>>
    %dma_wait3A_1678 = tpu.memref_squeeze %dma_wait3A_1677 : memref<1x128xi32, #tpu.memory_space<vmem>> -> memref<128xi32, #tpu.memory_space<vmem>>
    %dma_wait3A_1679 = arith.constant 0 : i32
    %dma_wait3A_1680 = arith.constant 0 : i32
    %dma_wait3A_1681 = tpu.memref_slice %arg10[%dma_wait3A_1679, %dma_wait3A_1680] : memref<10112x32xbf16, #tpu.memory_space<vmem_shared>> -> memref<10112x32xbf16, #tpu.memory_space<vmem_shared>>
    tpu.wait_indirect_dma semaphore(%arg13 : memref<!tpu.dma_semaphore, #tpu.memory_space<semaphore_mem>>) src(%dma_wait3A_1675 : memref<128x32xbf16, #tpu.memory_space<vmem>>) dst(%dma_wait3A_1681 : memref<10112x32xbf16, #tpu.memory_space<vmem_shared>>)
    %dma_start3A_1682 = arith.constant 37 : i32
    %dma_start3A_1683 = arith.constant 1 : i32
    %dma_start3A_1684 = arith.constant 0 : i32
    %dma_start3A_1685 = arith.constant 0 : i32
    %dma_start3A_1686 = tpu.memref_slice %arg8[%dma_start3A_1683, %dma_start3A_1684, %dma_start3A_1685] : memref<6x128x32xbf16, #tpu.memory_space<vmem>> -> memref<1x128x32xbf16, #tpu.memory_space<vmem>>
    %dma_start3A_1687 = tpu.memref_squeeze %dma_start3A_1686 : memref<1x128x32xbf16, #tpu.memory_space<vmem>> -> memref<128x32xbf16, #tpu.memory_space<vmem>>
    %dma_start3A_1688 = arith.constant 0 : i32
    %dma_start3A_1689 = tpu.memref_slice %arg6[%dma_start3A_1682, %dma_start3A_1688] : memref<40x128xi32, #tpu.memory_space<vmem>> -> memref<1x128xi32, #tpu.memory_space<vmem>>
    %dma_start3A_1690 = tpu.memref_squeeze %dma_start3A_1689 : memref<1x128xi32, #tpu.memory_space<vmem>> -> memref<128xi32, #tpu.memory_space<vmem>>
    %dma_start3A_1691 = arith.constant 0 : i32
    %dma_start3A_1692 = arith.constant 0 : i32
    %dma_start3A_1693 = tpu.memref_slice %arg2[%dma_start3A_1691, %dma_start3A_1692] : memref<270000x32xbf16, #tpu.memory_space<hbm>> -> memref<270000x32xbf16, #tpu.memory_space<hbm>>
    tpu.enqueue_indirect_dma source(%dma_start3A_1693 : memref<270000x32xbf16, #tpu.memory_space<hbm>>) target(%dma_start3A_1687 : memref<128x32xbf16, #tpu.memory_space<vmem>>) offsets(%dma_start3A_1690 : memref<128xi32, #tpu.memory_space<vmem>>) semaphore(%arg12 : memref<!tpu.dma_semaphore, #tpu.memory_space<semaphore_mem>>)
    %dma_wait3A_1694 = arith.constant 34 : i32
    %dma_wait3A_1695 = arith.constant 4 : i32
    %dma_wait3A_1696 = arith.constant 0 : i32
    %dma_wait3A_1697 = arith.constant 0 : i32
    %dma_wait3A_1698 = tpu.memref_slice %arg8[%dma_wait3A_1695, %dma_wait3A_1696, %dma_wait3A_1697] : memref<6x128x32xbf16, #tpu.memory_space<vmem>> -> memref<1x128x32xbf16, #tpu.memory_space<vmem>>
    %dma_wait3A_1699 = tpu.memref_squeeze %dma_wait3A_1698 : memref<1x128x32xbf16, #tpu.memory_space<vmem>> -> memref<128x32xbf16, #tpu.memory_space<vmem>>
    %dma_wait3A_1700 = arith.constant 0 : i32
    %dma_wait3A_1701 = tpu.memref_slice %arg6[%dma_wait3A_1694, %dma_wait3A_1700] : memref<40x128xi32, #tpu.memory_space<vmem>> -> memref<1x128xi32, #tpu.memory_space<vmem>>
    %dma_wait3A_1702 = tpu.memref_squeeze %dma_wait3A_1701 : memref<1x128xi32, #tpu.memory_space<vmem>> -> memref<128xi32, #tpu.memory_space<vmem>>
    %dma_wait3A_1703 = arith.constant 0 : i32
    %dma_wait3A_1704 = arith.constant 0 : i32
    %dma_wait3A_1705 = tpu.memref_slice %arg2[%dma_wait3A_1703, %dma_wait3A_1704] : memref<270000x32xbf16, #tpu.memory_space<hbm>> -> memref<270000x32xbf16, #tpu.memory_space<hbm>>
    tpu.wait_indirect_dma semaphore(%arg12 : memref<!tpu.dma_semaphore, #tpu.memory_space<semaphore_mem>>) src(%dma_wait3A_1705 : memref<270000x32xbf16, #tpu.memory_space<hbm>>) dst(%dma_wait3A_1699 : memref<128x32xbf16, #tpu.memory_space<vmem>>)
    %dma_start3A_1706 = arith.constant 4 : i32
    %dma_start3A_1707 = arith.constant 34 : i32
    %dma_start3A_1708 = arith.constant 0 : i32
    %dma_start3A_1709 = arith.constant 0 : i32
    %dma_start3A_1710 = tpu.memref_slice %arg8[%dma_start3A_1706, %dma_start3A_1708, %dma_start3A_1709] : memref<6x128x32xbf16, #tpu.memory_space<vmem>> -> memref<1x128x32xbf16, #tpu.memory_space<vmem>>
    %dma_start3A_1711 = tpu.memref_squeeze %dma_start3A_1710 : memref<1x128x32xbf16, #tpu.memory_space<vmem>> -> memref<128x32xbf16, #tpu.memory_space<vmem>>
    %dma_start3A_1712 = arith.constant 0 : i32
    %dma_start3A_1713 = tpu.memref_slice %arg7[%dma_start3A_1707, %dma_start3A_1712] : memref<40x128xi32, #tpu.memory_space<vmem>> -> memref<1x128xi32, #tpu.memory_space<vmem>>
    %dma_start3A_1714 = tpu.memref_squeeze %dma_start3A_1713 : memref<1x128xi32, #tpu.memory_space<vmem>> -> memref<128xi32, #tpu.memory_space<vmem>>
    %dma_start3A_1715 = arith.constant 0 : i32
    %dma_start3A_1716 = arith.constant 0 : i32
    %dma_start3A_1717 = tpu.memref_slice %arg10[%dma_start3A_1715, %dma_start3A_1716] : memref<10112x32xbf16, #tpu.memory_space<vmem_shared>> -> memref<10112x32xbf16, #tpu.memory_space<vmem_shared>>
    tpu.enqueue_indirect_dma source(%dma_start3A_1711 : memref<128x32xbf16, #tpu.memory_space<vmem>>) target(%dma_start3A_1717 : memref<10112x32xbf16, #tpu.memory_space<vmem_shared>>) offsets(%dma_start3A_1714 : memref<128xi32, #tpu.memory_space<vmem>>) semaphore(%arg13 : memref<!tpu.dma_semaphore, #tpu.memory_space<semaphore_mem>>) {add = true}
    %dma_wait3A_1718 = arith.constant 2 : i32
    %dma_wait3A_1719 = arith.constant 32 : i32
    %dma_wait3A_1720 = arith.constant 0 : i32
    %dma_wait3A_1721 = arith.constant 0 : i32
    %dma_wait3A_1722 = tpu.memref_slice %arg8[%dma_wait3A_1718, %dma_wait3A_1720, %dma_wait3A_1721] : memref<6x128x32xbf16, #tpu.memory_space<vmem>> -> memref<1x128x32xbf16, #tpu.memory_space<vmem>>
    %dma_wait3A_1723 = tpu.memref_squeeze %dma_wait3A_1722 : memref<1x128x32xbf16, #tpu.memory_space<vmem>> -> memref<128x32xbf16, #tpu.memory_space<vmem>>
    %dma_wait3A_1724 = arith.constant 0 : i32
    %dma_wait3A_1725 = tpu.memref_slice %arg7[%dma_wait3A_1719, %dma_wait3A_1724] : memref<40x128xi32, #tpu.memory_space<vmem>> -> memref<1x128xi32, #tpu.memory_space<vmem>>
    %dma_wait3A_1726 = tpu.memref_squeeze %dma_wait3A_1725 : memref<1x128xi32, #tpu.memory_space<vmem>> -> memref<128xi32, #tpu.memory_space<vmem>>
    %dma_wait3A_1727 = arith.constant 0 : i32
    %dma_wait3A_1728 = arith.constant 0 : i32
    %dma_wait3A_1729 = tpu.memref_slice %arg10[%dma_wait3A_1727, %dma_wait3A_1728] : memref<10112x32xbf16, #tpu.memory_space<vmem_shared>> -> memref<10112x32xbf16, #tpu.memory_space<vmem_shared>>
    tpu.wait_indirect_dma semaphore(%arg13 : memref<!tpu.dma_semaphore, #tpu.memory_space<semaphore_mem>>) src(%dma_wait3A_1723 : memref<128x32xbf16, #tpu.memory_space<vmem>>) dst(%dma_wait3A_1729 : memref<10112x32xbf16, #tpu.memory_space<vmem_shared>>)
    %dma_start3A_1730 = arith.constant 38 : i32
    %dma_start3A_1731 = arith.constant 2 : i32
    %dma_start3A_1732 = arith.constant 0 : i32
    %dma_start3A_1733 = arith.constant 0 : i32
    %dma_start3A_1734 = tpu.memref_slice %arg8[%dma_start3A_1731, %dma_start3A_1732, %dma_start3A_1733] : memref<6x128x32xbf16, #tpu.memory_space<vmem>> -> memref<1x128x32xbf16, #tpu.memory_space<vmem>>
    %dma_start3A_1735 = tpu.memref_squeeze %dma_start3A_1734 : memref<1x128x32xbf16, #tpu.memory_space<vmem>> -> memref<128x32xbf16, #tpu.memory_space<vmem>>
    %dma_start3A_1736 = arith.constant 0 : i32
    %dma_start3A_1737 = tpu.memref_slice %arg6[%dma_start3A_1730, %dma_start3A_1736] : memref<40x128xi32, #tpu.memory_space<vmem>> -> memref<1x128xi32, #tpu.memory_space<vmem>>
    %dma_start3A_1738 = tpu.memref_squeeze %dma_start3A_1737 : memref<1x128xi32, #tpu.memory_space<vmem>> -> memref<128xi32, #tpu.memory_space<vmem>>
    %dma_start3A_1739 = arith.constant 0 : i32
    %dma_start3A_1740 = arith.constant 0 : i32
    %dma_start3A_1741 = tpu.memref_slice %arg2[%dma_start3A_1739, %dma_start3A_1740] : memref<270000x32xbf16, #tpu.memory_space<hbm>> -> memref<270000x32xbf16, #tpu.memory_space<hbm>>
    tpu.enqueue_indirect_dma source(%dma_start3A_1741 : memref<270000x32xbf16, #tpu.memory_space<hbm>>) target(%dma_start3A_1735 : memref<128x32xbf16, #tpu.memory_space<vmem>>) offsets(%dma_start3A_1738 : memref<128xi32, #tpu.memory_space<vmem>>) semaphore(%arg12 : memref<!tpu.dma_semaphore, #tpu.memory_space<semaphore_mem>>)
    %dma_wait3A_1742 = arith.constant 35 : i32
    %dma_wait3A_1743 = arith.constant 5 : i32
    %dma_wait3A_1744 = arith.constant 0 : i32
    %dma_wait3A_1745 = arith.constant 0 : i32
    %dma_wait3A_1746 = tpu.memref_slice %arg8[%dma_wait3A_1743, %dma_wait3A_1744, %dma_wait3A_1745] : memref<6x128x32xbf16, #tpu.memory_space<vmem>> -> memref<1x128x32xbf16, #tpu.memory_space<vmem>>
    %dma_wait3A_1747 = tpu.memref_squeeze %dma_wait3A_1746 : memref<1x128x32xbf16, #tpu.memory_space<vmem>> -> memref<128x32xbf16, #tpu.memory_space<vmem>>
    %dma_wait3A_1748 = arith.constant 0 : i32
    %dma_wait3A_1749 = tpu.memref_slice %arg6[%dma_wait3A_1742, %dma_wait3A_1748] : memref<40x128xi32, #tpu.memory_space<vmem>> -> memref<1x128xi32, #tpu.memory_space<vmem>>
    %dma_wait3A_1750 = tpu.memref_squeeze %dma_wait3A_1749 : memref<1x128xi32, #tpu.memory_space<vmem>> -> memref<128xi32, #tpu.memory_space<vmem>>
    %dma_wait3A_1751 = arith.constant 0 : i32
    %dma_wait3A_1752 = arith.constant 0 : i32
    %dma_wait3A_1753 = tpu.memref_slice %arg2[%dma_wait3A_1751, %dma_wait3A_1752] : memref<270000x32xbf16, #tpu.memory_space<hbm>> -> memref<270000x32xbf16, #tpu.memory_space<hbm>>
    tpu.wait_indirect_dma semaphore(%arg12 : memref<!tpu.dma_semaphore, #tpu.memory_space<semaphore_mem>>) src(%dma_wait3A_1753 : memref<270000x32xbf16, #tpu.memory_space<hbm>>) dst(%dma_wait3A_1747 : memref<128x32xbf16, #tpu.memory_space<vmem>>)
    %dma_start3A_1754 = arith.constant 5 : i32
    %dma_start3A_1755 = arith.constant 35 : i32
    %dma_start3A_1756 = arith.constant 0 : i32
    %dma_start3A_1757 = arith.constant 0 : i32
    %dma_start3A_1758 = tpu.memref_slice %arg8[%dma_start3A_1754, %dma_start3A_1756, %dma_start3A_1757] : memref<6x128x32xbf16, #tpu.memory_space<vmem>> -> memref<1x128x32xbf16, #tpu.memory_space<vmem>>
    %dma_start3A_1759 = tpu.memref_squeeze %dma_start3A_1758 : memref<1x128x32xbf16, #tpu.memory_space<vmem>> -> memref<128x32xbf16, #tpu.memory_space<vmem>>
    %dma_start3A_1760 = arith.constant 0 : i32
    %dma_start3A_1761 = tpu.memref_slice %arg7[%dma_start3A_1755, %dma_start3A_1760] : memref<40x128xi32, #tpu.memory_space<vmem>> -> memref<1x128xi32, #tpu.memory_space<vmem>>
    %dma_start3A_1762 = tpu.memref_squeeze %dma_start3A_1761 : memref<1x128xi32, #tpu.memory_space<vmem>> -> memref<128xi32, #tpu.memory_space<vmem>>
    %dma_start3A_1763 = arith.constant 0 : i32
    %dma_start3A_1764 = arith.constant 0 : i32
    %dma_start3A_1765 = tpu.memref_slice %arg10[%dma_start3A_1763, %dma_start3A_1764] : memref<10112x32xbf16, #tpu.memory_space<vmem_shared>> -> memref<10112x32xbf16, #tpu.memory_space<vmem_shared>>
    tpu.enqueue_indirect_dma source(%dma_start3A_1759 : memref<128x32xbf16, #tpu.memory_space<vmem>>) target(%dma_start3A_1765 : memref<10112x32xbf16, #tpu.memory_space<vmem_shared>>) offsets(%dma_start3A_1762 : memref<128xi32, #tpu.memory_space<vmem>>) semaphore(%arg13 : memref<!tpu.dma_semaphore, #tpu.memory_space<semaphore_mem>>) {add = true}
    %dma_wait3A_1766 = arith.constant 3 : i32
    %dma_wait3A_1767 = arith.constant 33 : i32
    %dma_wait3A_1768 = arith.constant 0 : i32
    %dma_wait3A_1769 = arith.constant 0 : i32
    %dma_wait3A_1770 = tpu.memref_slice %arg8[%dma_wait3A_1766, %dma_wait3A_1768, %dma_wait3A_1769] : memref<6x128x32xbf16, #tpu.memory_space<vmem>> -> memref<1x128x32xbf16, #tpu.memory_space<vmem>>
    %dma_wait3A_1771 = tpu.memref_squeeze %dma_wait3A_1770 : memref<1x128x32xbf16, #tpu.memory_space<vmem>> -> memref<128x32xbf16, #tpu.memory_space<vmem>>
    %dma_wait3A_1772 = arith.constant 0 : i32
    %dma_wait3A_1773 = tpu.memref_slice %arg7[%dma_wait3A_1767, %dma_wait3A_1772] : memref<40x128xi32, #tpu.memory_space<vmem>> -> memref<1x128xi32, #tpu.memory_space<vmem>>
    %dma_wait3A_1774 = tpu.memref_squeeze %dma_wait3A_1773 : memref<1x128xi32, #tpu.memory_space<vmem>> -> memref<128xi32, #tpu.memory_space<vmem>>
    %dma_wait3A_1775 = arith.constant 0 : i32
    %dma_wait3A_1776 = arith.constant 0 : i32
    %dma_wait3A_1777 = tpu.memref_slice %arg10[%dma_wait3A_1775, %dma_wait3A_1776] : memref<10112x32xbf16, #tpu.memory_space<vmem_shared>> -> memref<10112x32xbf16, #tpu.memory_space<vmem_shared>>
    tpu.wait_indirect_dma semaphore(%arg13 : memref<!tpu.dma_semaphore, #tpu.memory_space<semaphore_mem>>) src(%dma_wait3A_1771 : memref<128x32xbf16, #tpu.memory_space<vmem>>) dst(%dma_wait3A_1777 : memref<10112x32xbf16, #tpu.memory_space<vmem_shared>>)
    %dma_start3A_1778 = arith.constant 39 : i32
    %dma_start3A_1779 = arith.constant 3 : i32
    %dma_start3A_1780 = arith.constant 0 : i32
    %dma_start3A_1781 = arith.constant 0 : i32
    %dma_start3A_1782 = tpu.memref_slice %arg8[%dma_start3A_1779, %dma_start3A_1780, %dma_start3A_1781] : memref<6x128x32xbf16, #tpu.memory_space<vmem>> -> memref<1x128x32xbf16, #tpu.memory_space<vmem>>
    %dma_start3A_1783 = tpu.memref_squeeze %dma_start3A_1782 : memref<1x128x32xbf16, #tpu.memory_space<vmem>> -> memref<128x32xbf16, #tpu.memory_space<vmem>>
    %dma_start3A_1784 = arith.constant 0 : i32
    %dma_start3A_1785 = tpu.memref_slice %arg6[%dma_start3A_1778, %dma_start3A_1784] : memref<40x128xi32, #tpu.memory_space<vmem>> -> memref<1x128xi32, #tpu.memory_space<vmem>>
    %dma_start3A_1786 = tpu.memref_squeeze %dma_start3A_1785 : memref<1x128xi32, #tpu.memory_space<vmem>> -> memref<128xi32, #tpu.memory_space<vmem>>
    %dma_start3A_1787 = arith.constant 0 : i32
    %dma_start3A_1788 = arith.constant 0 : i32
    %dma_start3A_1789 = tpu.memref_slice %arg2[%dma_start3A_1787, %dma_start3A_1788] : memref<270000x32xbf16, #tpu.memory_space<hbm>> -> memref<270000x32xbf16, #tpu.memory_space<hbm>>
    tpu.enqueue_indirect_dma source(%dma_start3A_1789 : memref<270000x32xbf16, #tpu.memory_space<hbm>>) target(%dma_start3A_1783 : memref<128x32xbf16, #tpu.memory_space<vmem>>) offsets(%dma_start3A_1786 : memref<128xi32, #tpu.memory_space<vmem>>) semaphore(%arg12 : memref<!tpu.dma_semaphore, #tpu.memory_space<semaphore_mem>>)
    %dma_wait3A_1790 = arith.constant 36 : i32
    %dma_wait3A_1791 = arith.constant 0 : i32
    %dma_wait3A_1792 = arith.constant 0 : i32
    %dma_wait3A_1793 = arith.constant 0 : i32
    %dma_wait3A_1794 = tpu.memref_slice %arg8[%dma_wait3A_1791, %dma_wait3A_1792, %dma_wait3A_1793] : memref<6x128x32xbf16, #tpu.memory_space<vmem>> -> memref<1x128x32xbf16, #tpu.memory_space<vmem>>
    %dma_wait3A_1795 = tpu.memref_squeeze %dma_wait3A_1794 : memref<1x128x32xbf16, #tpu.memory_space<vmem>> -> memref<128x32xbf16, #tpu.memory_space<vmem>>
    %dma_wait3A_1796 = arith.constant 0 : i32
    %dma_wait3A_1797 = tpu.memref_slice %arg6[%dma_wait3A_1790, %dma_wait3A_1796] : memref<40x128xi32, #tpu.memory_space<vmem>> -> memref<1x128xi32, #tpu.memory_space<vmem>>
    %dma_wait3A_1798 = tpu.memref_squeeze %dma_wait3A_1797 : memref<1x128xi32, #tpu.memory_space<vmem>> -> memref<128xi32, #tpu.memory_space<vmem>>
    %dma_wait3A_1799 = arith.constant 0 : i32
    %dma_wait3A_1800 = arith.constant 0 : i32
    %dma_wait3A_1801 = tpu.memref_slice %arg2[%dma_wait3A_1799, %dma_wait3A_1800] : memref<270000x32xbf16, #tpu.memory_space<hbm>> -> memref<270000x32xbf16, #tpu.memory_space<hbm>>
    tpu.wait_indirect_dma semaphore(%arg12 : memref<!tpu.dma_semaphore, #tpu.memory_space<semaphore_mem>>) src(%dma_wait3A_1801 : memref<270000x32xbf16, #tpu.memory_space<hbm>>) dst(%dma_wait3A_1795 : memref<128x32xbf16, #tpu.memory_space<vmem>>)
    %dma_start3A_1802 = arith.constant 0 : i32
    %dma_start3A_1803 = arith.constant 36 : i32
    %dma_start3A_1804 = arith.constant 0 : i32
    %dma_start3A_1805 = arith.constant 0 : i32
    %dma_start3A_1806 = tpu.memref_slice %arg8[%dma_start3A_1802, %dma_start3A_1804, %dma_start3A_1805] : memref<6x128x32xbf16, #tpu.memory_space<vmem>> -> memref<1x128x32xbf16, #tpu.memory_space<vmem>>
    %dma_start3A_1807 = tpu.memref_squeeze %dma_start3A_1806 : memref<1x128x32xbf16, #tpu.memory_space<vmem>> -> memref<128x32xbf16, #tpu.memory_space<vmem>>
    %dma_start3A_1808 = arith.constant 0 : i32
    %dma_start3A_1809 = tpu.memref_slice %arg7[%dma_start3A_1803, %dma_start3A_1808] : memref<40x128xi32, #tpu.memory_space<vmem>> -> memref<1x128xi32, #tpu.memory_space<vmem>>
    %dma_start3A_1810 = tpu.memref_squeeze %dma_start3A_1809 : memref<1x128xi32, #tpu.memory_space<vmem>> -> memref<128xi32, #tpu.memory_space<vmem>>
    %dma_start3A_1811 = arith.constant 0 : i32
    %dma_start3A_1812 = arith.constant 0 : i32
    %dma_start3A_1813 = tpu.memref_slice %arg10[%dma_start3A_1811, %dma_start3A_1812] : memref<10112x32xbf16, #tpu.memory_space<vmem_shared>> -> memref<10112x32xbf16, #tpu.memory_space<vmem_shared>>
    tpu.enqueue_indirect_dma source(%dma_start3A_1807 : memref<128x32xbf16, #tpu.memory_space<vmem>>) target(%dma_start3A_1813 : memref<10112x32xbf16, #tpu.memory_space<vmem_shared>>) offsets(%dma_start3A_1810 : memref<128xi32, #tpu.memory_space<vmem>>) semaphore(%arg13 : memref<!tpu.dma_semaphore, #tpu.memory_space<semaphore_mem>>) {add = true}
    %dma_wait3A_1814 = arith.constant 37 : i32
    %dma_wait3A_1815 = arith.constant 1 : i32
    %dma_wait3A_1816 = arith.constant 0 : i32
    %dma_wait3A_1817 = arith.constant 0 : i32
    %dma_wait3A_1818 = tpu.memref_slice %arg8[%dma_wait3A_1815, %dma_wait3A_1816, %dma_wait3A_1817] : memref<6x128x32xbf16, #tpu.memory_space<vmem>> -> memref<1x128x32xbf16, #tpu.memory_space<vmem>>
    %dma_wait3A_1819 = tpu.memref_squeeze %dma_wait3A_1818 : memref<1x128x32xbf16, #tpu.memory_space<vmem>> -> memref<128x32xbf16, #tpu.memory_space<vmem>>
    %dma_wait3A_1820 = arith.constant 0 : i32
    %dma_wait3A_1821 = tpu.memref_slice %arg6[%dma_wait3A_1814, %dma_wait3A_1820] : memref<40x128xi32, #tpu.memory_space<vmem>> -> memref<1x128xi32, #tpu.memory_space<vmem>>
    %dma_wait3A_1822 = tpu.memref_squeeze %dma_wait3A_1821 : memref<1x128xi32, #tpu.memory_space<vmem>> -> memref<128xi32, #tpu.memory_space<vmem>>
    %dma_wait3A_1823 = arith.constant 0 : i32
    %dma_wait3A_1824 = arith.constant 0 : i32
    %dma_wait3A_1825 = tpu.memref_slice %arg2[%dma_wait3A_1823, %dma_wait3A_1824] : memref<270000x32xbf16, #tpu.memory_space<hbm>> -> memref<270000x32xbf16, #tpu.memory_space<hbm>>
    tpu.wait_indirect_dma semaphore(%arg12 : memref<!tpu.dma_semaphore, #tpu.memory_space<semaphore_mem>>) src(%dma_wait3A_1825 : memref<270000x32xbf16, #tpu.memory_space<hbm>>) dst(%dma_wait3A_1819 : memref<128x32xbf16, #tpu.memory_space<vmem>>)
    %dma_start3A_1826 = arith.constant 1 : i32
    %dma_start3A_1827 = arith.constant 37 : i32
    %dma_start3A_1828 = arith.constant 0 : i32
    %dma_start3A_1829 = arith.constant 0 : i32
    %dma_start3A_1830 = tpu.memref_slice %arg8[%dma_start3A_1826, %dma_start3A_1828, %dma_start3A_1829] : memref<6x128x32xbf16, #tpu.memory_space<vmem>> -> memref<1x128x32xbf16, #tpu.memory_space<vmem>>
    %dma_start3A_1831 = tpu.memref_squeeze %dma_start3A_1830 : memref<1x128x32xbf16, #tpu.memory_space<vmem>> -> memref<128x32xbf16, #tpu.memory_space<vmem>>
    %dma_start3A_1832 = arith.constant 0 : i32
    %dma_start3A_1833 = tpu.memref_slice %arg7[%dma_start3A_1827, %dma_start3A_1832] : memref<40x128xi32, #tpu.memory_space<vmem>> -> memref<1x128xi32, #tpu.memory_space<vmem>>
    %dma_start3A_1834 = tpu.memref_squeeze %dma_start3A_1833 : memref<1x128xi32, #tpu.memory_space<vmem>> -> memref<128xi32, #tpu.memory_space<vmem>>
    %dma_start3A_1835 = arith.constant 0 : i32
    %dma_start3A_1836 = arith.constant 0 : i32
    %dma_start3A_1837 = tpu.memref_slice %arg10[%dma_start3A_1835, %dma_start3A_1836] : memref<10112x32xbf16, #tpu.memory_space<vmem_shared>> -> memref<10112x32xbf16, #tpu.memory_space<vmem_shared>>
    tpu.enqueue_indirect_dma source(%dma_start3A_1831 : memref<128x32xbf16, #tpu.memory_space<vmem>>) target(%dma_start3A_1837 : memref<10112x32xbf16, #tpu.memory_space<vmem_shared>>) offsets(%dma_start3A_1834 : memref<128xi32, #tpu.memory_space<vmem>>) semaphore(%arg13 : memref<!tpu.dma_semaphore, #tpu.memory_space<semaphore_mem>>) {add = true}
    %dma_wait3A_1838 = arith.constant 38 : i32
    %dma_wait3A_1839 = arith.constant 2 : i32
    %dma_wait3A_1840 = arith.constant 0 : i32
    %dma_wait3A_1841 = arith.constant 0 : i32
    %dma_wait3A_1842 = tpu.memref_slice %arg8[%dma_wait3A_1839, %dma_wait3A_1840, %dma_wait3A_1841] : memref<6x128x32xbf16, #tpu.memory_space<vmem>> -> memref<1x128x32xbf16, #tpu.memory_space<vmem>>
    %dma_wait3A_1843 = tpu.memref_squeeze %dma_wait3A_1842 : memref<1x128x32xbf16, #tpu.memory_space<vmem>> -> memref<128x32xbf16, #tpu.memory_space<vmem>>
    %dma_wait3A_1844 = arith.constant 0 : i32
    %dma_wait3A_1845 = tpu.memref_slice %arg6[%dma_wait3A_1838, %dma_wait3A_1844] : memref<40x128xi32, #tpu.memory_space<vmem>> -> memref<1x128xi32, #tpu.memory_space<vmem>>
    %dma_wait3A_1846 = tpu.memref_squeeze %dma_wait3A_1845 : memref<1x128xi32, #tpu.memory_space<vmem>> -> memref<128xi32, #tpu.memory_space<vmem>>
    %dma_wait3A_1847 = arith.constant 0 : i32
    %dma_wait3A_1848 = arith.constant 0 : i32
    %dma_wait3A_1849 = tpu.memref_slice %arg2[%dma_wait3A_1847, %dma_wait3A_1848] : memref<270000x32xbf16, #tpu.memory_space<hbm>> -> memref<270000x32xbf16, #tpu.memory_space<hbm>>
    tpu.wait_indirect_dma semaphore(%arg12 : memref<!tpu.dma_semaphore, #tpu.memory_space<semaphore_mem>>) src(%dma_wait3A_1849 : memref<270000x32xbf16, #tpu.memory_space<hbm>>) dst(%dma_wait3A_1843 : memref<128x32xbf16, #tpu.memory_space<vmem>>)
    %dma_start3A_1850 = arith.constant 2 : i32
    %dma_start3A_1851 = arith.constant 38 : i32
    %dma_start3A_1852 = arith.constant 0 : i32
    %dma_start3A_1853 = arith.constant 0 : i32
    %dma_start3A_1854 = tpu.memref_slice %arg8[%dma_start3A_1850, %dma_start3A_1852, %dma_start3A_1853] : memref<6x128x32xbf16, #tpu.memory_space<vmem>> -> memref<1x128x32xbf16, #tpu.memory_space<vmem>>
    %dma_start3A_1855 = tpu.memref_squeeze %dma_start3A_1854 : memref<1x128x32xbf16, #tpu.memory_space<vmem>> -> memref<128x32xbf16, #tpu.memory_space<vmem>>
    %dma_start3A_1856 = arith.constant 0 : i32
    %dma_start3A_1857 = tpu.memref_slice %arg7[%dma_start3A_1851, %dma_start3A_1856] : memref<40x128xi32, #tpu.memory_space<vmem>> -> memref<1x128xi32, #tpu.memory_space<vmem>>
    %dma_start3A_1858 = tpu.memref_squeeze %dma_start3A_1857 : memref<1x128xi32, #tpu.memory_space<vmem>> -> memref<128xi32, #tpu.memory_space<vmem>>
    %dma_start3A_1859 = arith.constant 0 : i32
    %dma_start3A_1860 = arith.constant 0 : i32
    %dma_start3A_1861 = tpu.memref_slice %arg10[%dma_start3A_1859, %dma_start3A_1860] : memref<10112x32xbf16, #tpu.memory_space<vmem_shared>> -> memref<10112x32xbf16, #tpu.memory_space<vmem_shared>>
    tpu.enqueue_indirect_dma source(%dma_start3A_1855 : memref<128x32xbf16, #tpu.memory_space<vmem>>) target(%dma_start3A_1861 : memref<10112x32xbf16, #tpu.memory_space<vmem_shared>>) offsets(%dma_start3A_1858 : memref<128xi32, #tpu.memory_space<vmem>>) semaphore(%arg13 : memref<!tpu.dma_semaphore, #tpu.memory_space<semaphore_mem>>) {add = true}
    %dma_wait3A_1862 = arith.constant 39 : i32
    %dma_wait3A_1863 = arith.constant 3 : i32
    %dma_wait3A_1864 = arith.constant 0 : i32
    %dma_wait3A_1865 = arith.constant 0 : i32
    %dma_wait3A_1866 = tpu.memref_slice %arg8[%dma_wait3A_1863, %dma_wait3A_1864, %dma_wait3A_1865] : memref<6x128x32xbf16, #tpu.memory_space<vmem>> -> memref<1x128x32xbf16, #tpu.memory_space<vmem>>
    %dma_wait3A_1867 = tpu.memref_squeeze %dma_wait3A_1866 : memref<1x128x32xbf16, #tpu.memory_space<vmem>> -> memref<128x32xbf16, #tpu.memory_space<vmem>>
    %dma_wait3A_1868 = arith.constant 0 : i32
    %dma_wait3A_1869 = tpu.memref_slice %arg6[%dma_wait3A_1862, %dma_wait3A_1868] : memref<40x128xi32, #tpu.memory_space<vmem>> -> memref<1x128xi32, #tpu.memory_space<vmem>>
    %dma_wait3A_1870 = tpu.memref_squeeze %dma_wait3A_1869 : memref<1x128xi32, #tpu.memory_space<vmem>> -> memref<128xi32, #tpu.memory_space<vmem>>
    %dma_wait3A_1871 = arith.constant 0 : i32
    %dma_wait3A_1872 = arith.constant 0 : i32
    %dma_wait3A_1873 = tpu.memref_slice %arg2[%dma_wait3A_1871, %dma_wait3A_1872] : memref<270000x32xbf16, #tpu.memory_space<hbm>> -> memref<270000x32xbf16, #tpu.memory_space<hbm>>
    tpu.wait_indirect_dma semaphore(%arg12 : memref<!tpu.dma_semaphore, #tpu.memory_space<semaphore_mem>>) src(%dma_wait3A_1873 : memref<270000x32xbf16, #tpu.memory_space<hbm>>) dst(%dma_wait3A_1867 : memref<128x32xbf16, #tpu.memory_space<vmem>>)
    %dma_start3A_1874 = arith.constant 3 : i32
    %dma_start3A_1875 = arith.constant 39 : i32
    %dma_start3A_1876 = arith.constant 0 : i32
    %dma_start3A_1877 = arith.constant 0 : i32
    %dma_start3A_1878 = tpu.memref_slice %arg8[%dma_start3A_1874, %dma_start3A_1876, %dma_start3A_1877] : memref<6x128x32xbf16, #tpu.memory_space<vmem>> -> memref<1x128x32xbf16, #tpu.memory_space<vmem>>
    %dma_start3A_1879 = tpu.memref_squeeze %dma_start3A_1878 : memref<1x128x32xbf16, #tpu.memory_space<vmem>> -> memref<128x32xbf16, #tpu.memory_space<vmem>>
    %dma_start3A_1880 = arith.constant 0 : i32
    %dma_start3A_1881 = tpu.memref_slice %arg7[%dma_start3A_1875, %dma_start3A_1880] : memref<40x128xi32, #tpu.memory_space<vmem>> -> memref<1x128xi32, #tpu.memory_space<vmem>>
    %dma_start3A_1882 = tpu.memref_squeeze %dma_start3A_1881 : memref<1x128xi32, #tpu.memory_space<vmem>> -> memref<128xi32, #tpu.memory_space<vmem>>
    %dma_start3A_1883 = arith.constant 0 : i32
    %dma_start3A_1884 = arith.constant 0 : i32
    %dma_start3A_1885 = tpu.memref_slice %arg10[%dma_start3A_1883, %dma_start3A_1884] : memref<10112x32xbf16, #tpu.memory_space<vmem_shared>> -> memref<10112x32xbf16, #tpu.memory_space<vmem_shared>>
    tpu.enqueue_indirect_dma source(%dma_start3A_1879 : memref<128x32xbf16, #tpu.memory_space<vmem>>) target(%dma_start3A_1885 : memref<10112x32xbf16, #tpu.memory_space<vmem_shared>>) offsets(%dma_start3A_1882 : memref<128xi32, #tpu.memory_space<vmem>>) semaphore(%arg13 : memref<!tpu.dma_semaphore, #tpu.memory_space<semaphore_mem>>) {add = true}
    %dma_wait3A_1886 = arith.constant 4 : i32
    %dma_wait3A_1887 = arith.constant 34 : i32
    %dma_wait3A_1888 = arith.constant 0 : i32
    %dma_wait3A_1889 = arith.constant 0 : i32
    %dma_wait3A_1890 = tpu.memref_slice %arg8[%dma_wait3A_1886, %dma_wait3A_1888, %dma_wait3A_1889] : memref<6x128x32xbf16, #tpu.memory_space<vmem>> -> memref<1x128x32xbf16, #tpu.memory_space<vmem>>
    %dma_wait3A_1891 = tpu.memref_squeeze %dma_wait3A_1890 : memref<1x128x32xbf16, #tpu.memory_space<vmem>> -> memref<128x32xbf16, #tpu.memory_space<vmem>>
    %dma_wait3A_1892 = arith.constant 0 : i32
    %dma_wait3A_1893 = tpu.memref_slice %arg7[%dma_wait3A_1887, %dma_wait3A_1892] : memref<40x128xi32, #tpu.memory_space<vmem>> -> memref<1x128xi32, #tpu.memory_space<vmem>>
    %dma_wait3A_1894 = tpu.memref_squeeze %dma_wait3A_1893 : memref<1x128xi32, #tpu.memory_space<vmem>> -> memref<128xi32, #tpu.memory_space<vmem>>
    %dma_wait3A_1895 = arith.constant 0 : i32
    %dma_wait3A_1896 = arith.constant 0 : i32
    %dma_wait3A_1897 = tpu.memref_slice %arg10[%dma_wait3A_1895, %dma_wait3A_1896] : memref<10112x32xbf16, #tpu.memory_space<vmem_shared>> -> memref<10112x32xbf16, #tpu.memory_space<vmem_shared>>
    tpu.wait_indirect_dma semaphore(%arg13 : memref<!tpu.dma_semaphore, #tpu.memory_space<semaphore_mem>>) src(%dma_wait3A_1891 : memref<128x32xbf16, #tpu.memory_space<vmem>>) dst(%dma_wait3A_1897 : memref<10112x32xbf16, #tpu.memory_space<vmem_shared>>)
    %dma_wait3A_1898 = arith.constant 5 : i32
    %dma_wait3A_1899 = arith.constant 35 : i32
    %dma_wait3A_1900 = arith.constant 0 : i32
    %dma_wait3A_1901 = arith.constant 0 : i32
    %dma_wait3A_1902 = tpu.memref_slice %arg8[%dma_wait3A_1898, %dma_wait3A_1900, %dma_wait3A_1901] : memref<6x128x32xbf16, #tpu.memory_space<vmem>> -> memref<1x128x32xbf16, #tpu.memory_space<vmem>>
    %dma_wait3A_1903 = tpu.memref_squeeze %dma_wait3A_1902 : memref<1x128x32xbf16, #tpu.memory_space<vmem>> -> memref<128x32xbf16, #tpu.memory_space<vmem>>
    %dma_wait3A_1904 = arith.constant 0 : i32
    %dma_wait3A_1905 = tpu.memref_slice %arg7[%dma_wait3A_1899, %dma_wait3A_1904] : memref<40x128xi32, #tpu.memory_space<vmem>> -> memref<1x128xi32, #tpu.memory_space<vmem>>
    %dma_wait3A_1906 = tpu.memref_squeeze %dma_wait3A_1905 : memref<1x128xi32, #tpu.memory_space<vmem>> -> memref<128xi32, #tpu.memory_space<vmem>>
    %dma_wait3A_1907 = arith.constant 0 : i32
    %dma_wait3A_1908 = arith.constant 0 : i32
    %dma_wait3A_1909 = tpu.memref_slice %arg10[%dma_wait3A_1907, %dma_wait3A_1908] : memref<10112x32xbf16, #tpu.memory_space<vmem_shared>> -> memref<10112x32xbf16, #tpu.memory_space<vmem_shared>>
    tpu.wait_indirect_dma semaphore(%arg13 : memref<!tpu.dma_semaphore, #tpu.memory_space<semaphore_mem>>) src(%dma_wait3A_1903 : memref<128x32xbf16, #tpu.memory_space<vmem>>) dst(%dma_wait3A_1909 : memref<10112x32xbf16, #tpu.memory_space<vmem_shared>>)
    %dma_wait3A_1910 = arith.constant 0 : i32
    %dma_wait3A_1911 = arith.constant 36 : i32
    %dma_wait3A_1912 = arith.constant 0 : i32
    %dma_wait3A_1913 = arith.constant 0 : i32
    %dma_wait3A_1914 = tpu.memref_slice %arg8[%dma_wait3A_1910, %dma_wait3A_1912, %dma_wait3A_1913] : memref<6x128x32xbf16, #tpu.memory_space<vmem>> -> memref<1x128x32xbf16, #tpu.memory_space<vmem>>
    %dma_wait3A_1915 = tpu.memref_squeeze %dma_wait3A_1914 : memref<1x128x32xbf16, #tpu.memory_space<vmem>> -> memref<128x32xbf16, #tpu.memory_space<vmem>>
    %dma_wait3A_1916 = arith.constant 0 : i32
    %dma_wait3A_1917 = tpu.memref_slice %arg7[%dma_wait3A_1911, %dma_wait3A_1916] : memref<40x128xi32, #tpu.memory_space<vmem>> -> memref<1x128xi32, #tpu.memory_space<vmem>>
    %dma_wait3A_1918 = tpu.memref_squeeze %dma_wait3A_1917 : memref<1x128xi32, #tpu.memory_space<vmem>> -> memref<128xi32, #tpu.memory_space<vmem>>
    %dma_wait3A_1919 = arith.constant 0 : i32
    %dma_wait3A_1920 = arith.constant 0 : i32
    %dma_wait3A_1921 = tpu.memref_slice %arg10[%dma_wait3A_1919, %dma_wait3A_1920] : memref<10112x32xbf16, #tpu.memory_space<vmem_shared>> -> memref<10112x32xbf16, #tpu.memory_space<vmem_shared>>
    tpu.wait_indirect_dma semaphore(%arg13 : memref<!tpu.dma_semaphore, #tpu.memory_space<semaphore_mem>>) src(%dma_wait3A_1915 : memref<128x32xbf16, #tpu.memory_space<vmem>>) dst(%dma_wait3A_1921 : memref<10112x32xbf16, #tpu.memory_space<vmem_shared>>)
    %dma_wait3A_1922 = arith.constant 1 : i32
    %dma_wait3A_1923 = arith.constant 37 : i32
    %dma_wait3A_1924 = arith.constant 0 : i32
    %dma_wait3A_1925 = arith.constant 0 : i32
    %dma_wait3A_1926 = tpu.memref_slice %arg8[%dma_wait3A_1922, %dma_wait3A_1924, %dma_wait3A_1925] : memref<6x128x32xbf16, #tpu.memory_space<vmem>> -> memref<1x128x32xbf16, #tpu.memory_space<vmem>>
    %dma_wait3A_1927 = tpu.memref_squeeze %dma_wait3A_1926 : memref<1x128x32xbf16, #tpu.memory_space<vmem>> -> memref<128x32xbf16, #tpu.memory_space<vmem>>
    %dma_wait3A_1928 = arith.constant 0 : i32
    %dma_wait3A_1929 = tpu.memref_slice %arg7[%dma_wait3A_1923, %dma_wait3A_1928] : memref<40x128xi32, #tpu.memory_space<vmem>> -> memref<1x128xi32, #tpu.memory_space<vmem>>
    %dma_wait3A_1930 = tpu.memref_squeeze %dma_wait3A_1929 : memref<1x128xi32, #tpu.memory_space<vmem>> -> memref<128xi32, #tpu.memory_space<vmem>>
    %dma_wait3A_1931 = arith.constant 0 : i32
    %dma_wait3A_1932 = arith.constant 0 : i32
    %dma_wait3A_1933 = tpu.memref_slice %arg10[%dma_wait3A_1931, %dma_wait3A_1932] : memref<10112x32xbf16, #tpu.memory_space<vmem_shared>> -> memref<10112x32xbf16, #tpu.memory_space<vmem_shared>>
    tpu.wait_indirect_dma semaphore(%arg13 : memref<!tpu.dma_semaphore, #tpu.memory_space<semaphore_mem>>) src(%dma_wait3A_1927 : memref<128x32xbf16, #tpu.memory_space<vmem>>) dst(%dma_wait3A_1933 : memref<10112x32xbf16, #tpu.memory_space<vmem_shared>>)
    %dma_wait3A_1934 = arith.constant 2 : i32
    %dma_wait3A_1935 = arith.constant 38 : i32
    %dma_wait3A_1936 = arith.constant 0 : i32
    %dma_wait3A_1937 = arith.constant 0 : i32
    %dma_wait3A_1938 = tpu.memref_slice %arg8[%dma_wait3A_1934, %dma_wait3A_1936, %dma_wait3A_1937] : memref<6x128x32xbf16, #tpu.memory_space<vmem>> -> memref<1x128x32xbf16, #tpu.memory_space<vmem>>
    %dma_wait3A_1939 = tpu.memref_squeeze %dma_wait3A_1938 : memref<1x128x32xbf16, #tpu.memory_space<vmem>> -> memref<128x32xbf16, #tpu.memory_space<vmem>>
    %dma_wait3A_1940 = arith.constant 0 : i32
    %dma_wait3A_1941 = tpu.memref_slice %arg7[%dma_wait3A_1935, %dma_wait3A_1940] : memref<40x128xi32, #tpu.memory_space<vmem>> -> memref<1x128xi32, #tpu.memory_space<vmem>>
    %dma_wait3A_1942 = tpu.memref_squeeze %dma_wait3A_1941 : memref<1x128xi32, #tpu.memory_space<vmem>> -> memref<128xi32, #tpu.memory_space<vmem>>
    %dma_wait3A_1943 = arith.constant 0 : i32
    %dma_wait3A_1944 = arith.constant 0 : i32
    %dma_wait3A_1945 = tpu.memref_slice %arg10[%dma_wait3A_1943, %dma_wait3A_1944] : memref<10112x32xbf16, #tpu.memory_space<vmem_shared>> -> memref<10112x32xbf16, #tpu.memory_space<vmem_shared>>
    tpu.wait_indirect_dma semaphore(%arg13 : memref<!tpu.dma_semaphore, #tpu.memory_space<semaphore_mem>>) src(%dma_wait3A_1939 : memref<128x32xbf16, #tpu.memory_space<vmem>>) dst(%dma_wait3A_1945 : memref<10112x32xbf16, #tpu.memory_space<vmem_shared>>)
    %dma_wait3A_1946 = arith.constant 3 : i32
    %dma_wait3A_1947 = arith.constant 39 : i32
    %dma_wait3A_1948 = arith.constant 0 : i32
    %dma_wait3A_1949 = arith.constant 0 : i32
    %dma_wait3A_1950 = tpu.memref_slice %arg8[%dma_wait3A_1946, %dma_wait3A_1948, %dma_wait3A_1949] : memref<6x128x32xbf16, #tpu.memory_space<vmem>> -> memref<1x128x32xbf16, #tpu.memory_space<vmem>>
    %dma_wait3A_1951 = tpu.memref_squeeze %dma_wait3A_1950 : memref<1x128x32xbf16, #tpu.memory_space<vmem>> -> memref<128x32xbf16, #tpu.memory_space<vmem>>
    %dma_wait3A_1952 = arith.constant 0 : i32
    %dma_wait3A_1953 = tpu.memref_slice %arg7[%dma_wait3A_1947, %dma_wait3A_1952] : memref<40x128xi32, #tpu.memory_space<vmem>> -> memref<1x128xi32, #tpu.memory_space<vmem>>
    %dma_wait3A_1954 = tpu.memref_squeeze %dma_wait3A_1953 : memref<1x128xi32, #tpu.memory_space<vmem>> -> memref<128xi32, #tpu.memory_space<vmem>>
    %dma_wait3A_1955 = arith.constant 0 : i32
    %dma_wait3A_1956 = arith.constant 0 : i32
    %dma_wait3A_1957 = tpu.memref_slice %arg10[%dma_wait3A_1955, %dma_wait3A_1956] : memref<10112x32xbf16, #tpu.memory_space<vmem_shared>> -> memref<10112x32xbf16, #tpu.memory_space<vmem_shared>>
    tpu.wait_indirect_dma semaphore(%arg13 : memref<!tpu.dma_semaphore, #tpu.memory_space<semaphore_mem>>) src(%dma_wait3A_1951 : memref<128x32xbf16, #tpu.memory_space<vmem>>) dst(%dma_wait3A_1957 : memref<10112x32xbf16, #tpu.memory_space<vmem_shared>>)
    %barrier3A_1958 = arith.constant 0 : index
    tpu.barrier barrier_id(%barrier3A_1958)
    %mul3A_1959 = arith.constant 632 : i32
    %mul3A_1960 = arith.muli %arg1, %mul3A_1959 : i32
    "tpu.region"() ({
      %run_scoped3A = tpu.sem_alloc : memref<!tpu.dma_semaphore, #tpu.memory_space<semaphore_mem>>
      %dma_start3A_1963 = arith.constant 0 : i32
      %dma_start3A_1964 = tpu.memref_slice %arg10[%mul3A_1960, %dma_start3A_1963] : memref<10112x32xbf16, #tpu.memory_space<vmem_shared>> -> memref<632x32xbf16, #tpu.memory_space<vmem_shared>>
      %dma_start3A_1965 = arith.constant 0 : i32
      %dma_start3A_1966 = tpu.memref_slice %arg10[%mul3A_1960, %dma_start3A_1965] : memref<10112x32xbf16, #tpu.memory_space<vmem_shared>> -> memref<632x32xbf16, #tpu.memory_space<vmem_shared>>
      tpu.enqueue_dma source(%dma_start3A_1966 : memref<632x32xbf16, #tpu.memory_space<vmem_shared>>) target(%arg9 : memref<632x32xbf16, #tpu.memory_space<vmem>>) target_semaphore(%run_scoped3A : memref<!tpu.dma_semaphore, #tpu.memory_space<semaphore_mem>>)
      %dma_wait3A_1967 = arith.constant 0 : i32
      %dma_wait3A_1968 = tpu.memref_slice %arg10[%mul3A_1960, %dma_wait3A_1967] : memref<10112x32xbf16, #tpu.memory_space<vmem_shared>> -> memref<632x32xbf16, #tpu.memory_space<vmem_shared>>
      %dma_wait3A_1969 = arith.constant 0 : i32
      %dma_wait3A_1970 = tpu.memref_slice %arg10[%mul3A_1960, %dma_wait3A_1969] : memref<10112x32xbf16, #tpu.memory_space<vmem_shared>> -> memref<632x32xbf16, #tpu.memory_space<vmem_shared>>
      tpu.wait_dma2 semaphore(%run_scoped3A : memref<!tpu.dma_semaphore, #tpu.memory_space<semaphore_mem>>) src(%dma_wait3A_1970 : memref<632x32xbf16, #tpu.memory_space<vmem_shared>>) dst(%arg9 : memref<632x32xbf16, #tpu.memory_space<vmem>>)
      tpu.yield
    }) : () -> ()
    %mul3A_1961 = arith.constant 632 : i32
    %mul3A_1962 = arith.muli %arg1, %mul3A_1961 : i32
    "tpu.region"() ({
      %run_scoped3A = tpu.sem_alloc : memref<!tpu.dma_semaphore, #tpu.memory_space<semaphore_mem>>
      %dma_start3A_1963 = arith.constant 0 : i32
      %dma_start3A_1964 = tpu.memref_slice %arg5[%arg0, %mul3A_1962, %dma_start3A_1963] : memref<2x10112x32xbf16, #tpu.memory_space<hbm>> -> memref<1x632x32xbf16, #tpu.memory_space<hbm>>
      %dma_start3A_1965 = tpu.memref_squeeze %dma_start3A_1964 : memref<1x632x32xbf16, #tpu.memory_space<hbm>> -> memref<632x32xbf16, #tpu.memory_space<hbm>>
      %dma_start3A_1966 = arith.constant 0 : i32
      %dma_start3A_1967 = tpu.memref_slice %arg5[%arg0, %mul3A_1962, %dma_start3A_1966] : memref<2x10112x32xbf16, #tpu.memory_space<hbm>> -> memref<1x632x32xbf16, #tpu.memory_space<hbm>>
      %dma_start3A_1968 = tpu.memref_squeeze %dma_start3A_1967 : memref<1x632x32xbf16, #tpu.memory_space<hbm>> -> memref<632x32xbf16, #tpu.memory_space<hbm>>
      tpu.enqueue_dma source(%arg9 : memref<632x32xbf16, #tpu.memory_space<vmem>>) target(%dma_start3A_1968 : memref<632x32xbf16, #tpu.memory_space<hbm>>) target_semaphore(%run_scoped3A : memref<!tpu.dma_semaphore, #tpu.memory_space<semaphore_mem>>)
      %dma_wait3A_1969 = arith.constant 0 : i32
      %dma_wait3A_1970 = tpu.memref_slice %arg5[%arg0, %mul3A_1962, %dma_wait3A_1969] : memref<2x10112x32xbf16, #tpu.memory_space<hbm>> -> memref<1x632x32xbf16, #tpu.memory_space<hbm>>
      %dma_wait3A_1971 = tpu.memref_squeeze %dma_wait3A_1970 : memref<1x632x32xbf16, #tpu.memory_space<hbm>> -> memref<632x32xbf16, #tpu.memory_space<hbm>>
      %dma_wait3A_1972 = arith.constant 0 : i32
      %dma_wait3A_1973 = tpu.memref_slice %arg5[%arg0, %mul3A_1962, %dma_wait3A_1972] : memref<2x10112x32xbf16, #tpu.memory_space<hbm>> -> memref<1x632x32xbf16, #tpu.memory_space<hbm>>
      %dma_wait3A_1974 = tpu.memref_squeeze %dma_wait3A_1973 : memref<1x632x32xbf16, #tpu.memory_space<hbm>> -> memref<632x32xbf16, #tpu.memory_space<hbm>>
      tpu.wait_dma2 semaphore(%run_scoped3A : memref<!tpu.dma_semaphore, #tpu.memory_space<semaphore_mem>>) src(%arg9 : memref<632x32xbf16, #tpu.memory_space<vmem>>) dst(%dma_wait3A_1974 : memref<632x32xbf16, #tpu.memory_space<hbm>>)
      tpu.yield
    }) : () -> ()
    return
  }
}

module attributes {stable_mosaic.version = 14 : i64} {
  func.func @_expand_body(%arg0: i32, %arg1: memref<1000x128xf32, #tpu.memory_space<vmem>>, %arg2: memref<128x32xf32, #tpu.memory_space<vmem>>, %arg3: memref<1x32xf32, #tpu.memory_space<vmem>>, %arg4: memref<32x864xf32, #tpu.memory_space<vmem>>, %arg5: memref<1000x864xbf16, #tpu.memory_space<vmem>>) attributes {dimension_semantics = [#tpu.dimension_semantics<arbitrary>], iteration_bounds = array<i64: 10>, scalar_prefetch = 0 : i64, scratch_operands = 0 : i64, tpu.core_type = #tpu.core_type<tc>, window_params = [{transform_indices = @transform_0, window_bounds = array<i64: 1000, 128>}, {pipeline_mode = #tpu.pipeline_mode<synchronous>, transform_indices = @transform_1, window_bounds = array<i64: 128, 32>}, {pipeline_mode = #tpu.pipeline_mode<synchronous>, transform_indices = @transform_2, window_bounds = array<i64: 1, 32>}, {pipeline_mode = #tpu.pipeline_mode<synchronous>, transform_indices = @transform_3, window_bounds = array<i64: 32, 864>}, {transform_indices = @transform_4, window_bounds = array<i64: 1000, 864>}]} {
    %get3A = arith.constant 0 : index
    %get3A_0 = arith.constant 0 : index
    %get3A_1 = vector.load %arg1[%get3A, %get3A_0] : memref<1000x128xf32, #tpu.memory_space<vmem>>, vector<1000x128xf32>
    %get3A_2 = arith.constant 0 : index
    %get3A_3 = arith.constant 0 : index
    %get3A_4 = vector.load %arg2[%get3A_2, %get3A_3] : memref<128x32xf32, #tpu.memory_space<vmem>>, vector<128x32xf32>
    %dot_general3A = arith.constant dense<0.000000e+00> : vector<1000x32xf32>
    %dot_general3A_5 = tpu.matmul %get3A_1, %get3A_4, %dot_general3A {dimension_numbers = #tpu.dot_dimension_numbers<[1], [0], [0], [1], [0, 0, 1, 1], [], []>, transpose_lhs_hint = false} : vector<1000x128xf32>, vector<128x32xf32>, vector<1000x32xf32> -> vector<1000x32xf32>
    %get3A_6 = arith.constant 0 : index
    %get3A_7 = arith.constant 0 : index
    %get3A_8 = vector.load %arg3[%get3A_6, %get3A_7] : memref<1x32xf32, #tpu.memory_space<vmem>>, vector<1x32xf32>
    %add3A = vector.broadcast %get3A_8 : vector<1x32xf32> to vector<1000x32xf32>
    %add3A_9 = arith.addf %dot_general3A_5, %add3A : vector<1000x32xf32>
    %max3A = arith.constant 0.000000e+00 : f32
    %max3A_10 = vector.broadcast %max3A : f32 to vector<1000x32xf32>
    %max3A_11 = arith.maximumf %add3A_9, %max3A_10 : vector<1000x32xf32>
    %get3A_12 = arith.constant 0 : index
    %get3A_13 = arith.constant 0 : index
    %get3A_14 = vector.load %arg4[%get3A_12, %get3A_13] : memref<32x864xf32, #tpu.memory_space<vmem>>, vector<32x864xf32>
    %dot_general3A_15 = arith.constant dense<0.000000e+00> : vector<1000x864xf32>
    %dot_general3A_16 = tpu.matmul %max3A_11, %get3A_14, %dot_general3A_15 {dimension_numbers = #tpu.dot_dimension_numbers<[1], [0], [0], [1], [0, 0, 1, 1], [], []>, transpose_lhs_hint = false} : vector<1000x32xf32>, vector<32x864xf32>, vector<1000x864xf32> -> vector<1000x864xf32>
    %convert_element_type3A = arith.truncf %dot_general3A_16 : vector<1000x864xf32> to vector<1000x864xbf16>
    %swap3A = arith.constant 0 : index
    %swap3A_17 = arith.constant 0 : index
    %swap3A_18 = vector.load %arg5[%swap3A, %swap3A_17] : memref<1000x864xbf16, #tpu.memory_space<vmem>>, vector<1000x864xbf16>
    tpu.vector_store %arg5[%swap3A, %swap3A_17], %convert_element_type3A {strides = array<i32>} : memref<1000x864xbf16, #tpu.memory_space<vmem>>, vector<1000x864xbf16>,
    return
  }
  func.func @transform_0(%arg0: i32) -> (i32, i32) {
    %c0_i32 = arith.constant 0 : i32
    %c0_i32_0 = arith.constant 0 : i32
    return %arg0, %c0_i32 : i32, i32
  }
  func.func @transform_1(%arg0: i32) -> (i32, i32) {
    %c0_i32 = arith.constant 0 : i32
    %c0_i32_0 = arith.constant 0 : i32
    %c0_i32_1 = arith.constant 0 : i32
    return %c0_i32, %c0_i32_0 : i32, i32
  }
  func.func @transform_2(%arg0: i32) -> (i32, i32) {
    %c0_i32 = arith.constant 0 : i32
    %c0_i32_0 = arith.constant 0 : i32
    %c0_i32_1 = arith.constant 0 : i32
    return %c0_i32, %c0_i32_0 : i32, i32
  }
  func.func @transform_3(%arg0: i32) -> (i32, i32) {
    %c0_i32 = arith.constant 0 : i32
    %c0_i32_0 = arith.constant 0 : i32
    %c0_i32_1 = arith.constant 0 : i32
    return %c0_i32, %c0_i32_0 : i32, i32
  }
  func.func @transform_4(%arg0: i32) -> (i32, i32) {
    %c0_i32 = arith.constant 0 : i32
    %c0_i32_0 = arith.constant 0 : i32
    return %arg0, %c0_i32 : i32, i32
  }
}

module attributes {stable_mosaic.version = 14 : i64} {
  func.func @_combine_body(%arg0: i32, %arg1: memref<2x1000x32xbf16, #tpu.memory_space<vmem>>, %arg2: memref<1x32xf32, #tpu.memory_space<vmem>>, %arg3: memref<1000x128xf32, #tpu.memory_space<vmem>>, %arg4: memref<32x128xf32, #tpu.memory_space<vmem>>, %arg5: memref<1x128xf32, #tpu.memory_space<vmem>>, %arg6: memref<1000x128xf32, #tpu.memory_space<vmem>>) attributes {dimension_semantics = [#tpu.dimension_semantics<arbitrary>], iteration_bounds = array<i64: 10>, scalar_prefetch = 0 : i64, scratch_operands = 0 : i64, tpu.core_type = #tpu.core_type<tc>, window_params = [{transform_indices = @transform_0, window_bounds = array<i64: 2, 1000, 32>}, {pipeline_mode = #tpu.pipeline_mode<synchronous>, transform_indices = @transform_1, window_bounds = array<i64: 1, 32>}, {transform_indices = @transform_2, window_bounds = array<i64: 1000, 128>}, {pipeline_mode = #tpu.pipeline_mode<synchronous>, transform_indices = @transform_3, window_bounds = array<i64: 32, 128>}, {pipeline_mode = #tpu.pipeline_mode<synchronous>, transform_indices = @transform_4, window_bounds = array<i64: 1, 128>}, {transform_indices = @transform_5, window_bounds = array<i64: 1000, 128>}]} {
    %get3A = arith.constant 0 : index
    %get3A_0 = arith.constant 0 : index
    %get3A_1 = arith.constant 0 : index
    %get3A_2 = vector.load %arg1[%get3A, %get3A_0, %get3A_1] : memref<2x1000x32xbf16, #tpu.memory_space<vmem>>, vector<1x1000x32xbf16>
    %get3A_3 = vector.shape_cast %get3A_2 : vector<1x1000x32xbf16> to vector<1000x32xbf16>
    %convert_element_type3A = arith.extf %get3A_3 : vector<1000x32xbf16> to vector<1000x32xf32>
    %get3A_4 = arith.constant 1 : index
    %get3A_5 = arith.constant 0 : index
    %get3A_6 = arith.constant 0 : index
    %get3A_7 = vector.load %arg1[%get3A_4, %get3A_5, %get3A_6] : memref<2x1000x32xbf16, #tpu.memory_space<vmem>>, vector<1x1000x32xbf16>
    %get3A_8 = vector.shape_cast %get3A_7 : vector<1x1000x32xbf16> to vector<1000x32xbf16>
    %convert_element_type3A_9 = arith.extf %get3A_8 : vector<1000x32xbf16> to vector<1000x32xf32>
    %add3A = arith.addf %convert_element_type3A, %convert_element_type3A_9 : vector<1000x32xf32>
    %get3A_10 = arith.constant 0 : index
    %get3A_11 = arith.constant 0 : index
    %get3A_12 = vector.load %arg2[%get3A_10, %get3A_11] : memref<1x32xf32, #tpu.memory_space<vmem>>, vector<1x32xf32>
    %add3A_13 = vector.broadcast %get3A_12 : vector<1x32xf32> to vector<1000x32xf32>
    %add3A_14 = arith.addf %add3A, %add3A_13 : vector<1000x32xf32>
    %max3A = arith.constant 0.000000e+00 : f32
    %max3A_15 = vector.broadcast %max3A : f32 to vector<1000x32xf32>
    %max3A_16 = arith.maximumf %add3A_14, %max3A_15 : vector<1000x32xf32>
    %get3A_17 = arith.constant 0 : index
    %get3A_18 = arith.constant 0 : index
    %get3A_19 = vector.load %arg4[%get3A_17, %get3A_18] : memref<32x128xf32, #tpu.memory_space<vmem>>, vector<32x128xf32>
    %dot_general3A = arith.constant dense<0.000000e+00> : vector<1000x128xf32>
    %dot_general3A_20 = tpu.matmul %max3A_16, %get3A_19, %dot_general3A {dimension_numbers = #tpu.dot_dimension_numbers<[1], [0], [0], [1], [0, 0, 1, 1], [], []>, transpose_lhs_hint = false} : vector<1000x32xf32>, vector<32x128xf32>, vector<1000x128xf32> -> vector<1000x128xf32>
    %get3A_21 = arith.constant 0 : index
    %get3A_22 = arith.constant 0 : index
    %get3A_23 = vector.load %arg5[%get3A_21, %get3A_22] : memref<1x128xf32, #tpu.memory_space<vmem>>, vector<1x128xf32>
    %add3A_24 = vector.broadcast %get3A_23 : vector<1x128xf32> to vector<1000x128xf32>
    %add3A_25 = arith.addf %dot_general3A_20, %add3A_24 : vector<1000x128xf32>
    %get3A_26 = arith.constant 0 : index
    %get3A_27 = arith.constant 0 : index
    %get3A_28 = vector.load %arg3[%get3A_26, %get3A_27] : memref<1000x128xf32, #tpu.memory_space<vmem>>, vector<1000x128xf32>
    %add3A_29 = arith.addf %add3A_25, %get3A_28 : vector<1000x128xf32>
    %mul3A = arith.constant 5.000000e-01 : f32
    %mul3A_30 = vector.broadcast %mul3A : f32 to vector<1000x128xf32>
    %mul3A_31 = arith.mulf %add3A_29, %mul3A_30 : vector<1000x128xf32>
    %max3A_32 = arith.constant 0.000000e+00 : f32
    %max3A_33 = vector.broadcast %max3A_32 : f32 to vector<1000x128xf32>
    %max3A_34 = arith.maximumf %mul3A_31, %max3A_33 : vector<1000x128xf32>
    %swap3A = arith.constant 0 : index
    %swap3A_35 = arith.constant 0 : index
    %swap3A_36 = vector.load %arg6[%swap3A, %swap3A_35] : memref<1000x128xf32, #tpu.memory_space<vmem>>, vector<1000x128xf32>
    tpu.vector_store %arg6[%swap3A, %swap3A_35], %max3A_34 {strides = array<i32>} : memref<1000x128xf32, #tpu.memory_space<vmem>>, vector<1000x128xf32>,
    return
  }
  func.func @transform_0(%arg0: i32) -> (i32, i32, i32) {
    %c0_i32 = arith.constant 0 : i32
    %c0_i32_0 = arith.constant 0 : i32
    %c0_i32_1 = arith.constant 0 : i32
    return %c0_i32, %arg0, %c0_i32_0 : i32, i32, i32
  }
  func.func @transform_1(%arg0: i32) -> (i32, i32) {
    %c0_i32 = arith.constant 0 : i32
    %c0_i32_0 = arith.constant 0 : i32
    %c0_i32_1 = arith.constant 0 : i32
    return %c0_i32, %c0_i32_0 : i32, i32
  }
  func.func @transform_2(%arg0: i32) -> (i32, i32) {
    %c0_i32 = arith.constant 0 : i32
    %c0_i32_0 = arith.constant 0 : i32
    return %arg0, %c0_i32 : i32, i32
  }
  func.func @transform_3(%arg0: i32) -> (i32, i32) {
    %c0_i32 = arith.constant 0 : i32
    %c0_i32_0 = arith.constant 0 : i32
    %c0_i32_1 = arith.constant 0 : i32
    return %c0_i32, %c0_i32_0 : i32, i32
  }
  func.func @transform_4(%arg0: i32) -> (i32, i32) {
    %c0_i32 = arith.constant 0 : i32
    %c0_i32_0 = arith.constant 0 : i32
    %c0_i32_1 = arith.constant 0 : i32
    return %c0_i32, %c0_i32_0 : i32, i32
  }
  func.func @transform_5(%arg0: i32) -> (i32, i32) {
    %c0_i32 = arith.constant 0 : i32
    %c0_i32_0 = arith.constant 0 : i32
    return %arg0, %c0_i32 : i32, i32
  }
}

</mosaic_0001>

<sc_bundles>
// kernel: kernel.5.cloned.1.call-start
scs
__scs_entry_jumppad:
0x0: {  	(pc) =	sbr.rel $0x88, $3  }
0x1: {  	(tag) =	ssettag $0x0;
	lr =	simm.s32 $0x1  }
0x2: {  	[smem:$0x3F97] =	sst lr;
	_ =	strace $0xD0000000  }
0x3: {  	_ = 	snop  }
0x4: {  	_ = 	snop  }
0x5: {  	_ = 	snop  }
0x6: {  	_ = 	snop  }
0x7: {  	_ = 	snop  }
__scs_overlays_trampoline_lowered:
0x8: {  	[smem:$0x3FA6] =	sst s0  }
0x9: {  	[smem:$0x3FA7] =	sst s1  }
0xa: {  	[smem:$0x3FA8] =	sst s2  }
0xb: {  	[smem:$0x3FA9] =	sst s3  }
0xc: {  	[smem:$0x3FAA] =	sst s4  }
0xd: {  	[smem:$0x3FAB] =	sst s5  }
0xe: {  	[smem:$0x3FAC] =	sst s6  }
0xf: {  	[smem:$0x3FAD] =	sst s7  }
0x10: {  	[smem:$0x3FAE] =	sst s8  }
0x11: {  	[smem:$0x3FAF] =	sst s9;
	s0 =	simm.s32 @!p0 $0x0  }
0x12: {  	s1 =	sld [smem:$0x3F95];
	s0 =	simm.s32 @p0 $0x1  }
0x13: {  	[smem:$0x3FB0] =	sst s0;
	s0 =	simm.s32 @!p1 $0x0  }
0x14: {  	s2 =	sld [smem:$0x3F94];
	s0 =	simm.s32 @p1 $0x1  }
0x15: {  	[smem:$0x3FB1] =	sst s0;
	s0 =	simm.s32 @!p2 $0x0  }
0x16: {  	s3 =	sld [smem:$0x3FDB];
	s0 =	simm.s32 @p2 $0x1  }
0x17: {  	s4 =	simm.s32 $0x1BF5;
	[smem:$0x3FB3] =	sst s0  }
0x18: {  	s0 =	sld [smem:$0x3F96];
	_ =	swait.ge [sflag:s4], $0x0  }
0x19: {  	s7 =	sld [smem:$0x3F97]  }
0x1a: {  	s8 =	sadd.s32 $0xFFFFE003, lr  }
0x1b: {  	s9 =	sadd.s32 $0xFFFFFEF7, lr;
	s5 =	simm.s32 $0xFFFFFFFF;
	p2 =	slt.u32 s8, $0xFFFFF086  }
0x1c: {  	p1 =	slt.u32 s9, $0xF7A;
	s5 =	simm.s32 @!p2 $0x0  }
0x1d: {  	s5 =	simm.s32 @p1 $0x1;
	p0 =	seq.s32 s7, s2  }
0x1e: {  	s7 =	smul.u32 @!p0 $0xF7A, s2;
	p2 =	seq.s32 @!p0 s5, $0x0  }
0x1f: {  	s9 =	smul.u32 $0xF7A, s1;
	s8 =	simm.s32 @!p0 $0x1BF5;
	p2 =	por !p2, p0  }
0x20: {  	[sflag:s8] =	ssyncset.s32 @!p0 $0xFFFFF086;
	s6 =	sadd.s32 @!p0 s3, s7;
	s7 =	simm.s32 @!p0 $0x108  }
0x21: {  	s3 =	sadd.s32 s3, s9;
	s6 =	sadd.s32 @!p0 $0x88, s6;
	s7 =	simm.s32 @p2 $0x1082  }
0x22: {  	[simem:s7], [sflag:s8] =	dma.local @!p0 [hbm:s6], $0xF7A  }
0x23: {  	s9 =	sor.u32 $0xD0000000, s2;
	s6 =	simm.s32 $0x108;
	_ =	swait.ge @!p0 [sflag:s8], $0x0  }
0x24: {  	s3 =	sadd.s32 $0x88, s3;
	s6 =	simm.s32 @!p1 $0x1082;
	[sflag:s4] =	ssyncset.s32 $0xFFFFF086  }
0x25: {  	[simem:s6], [sflag:s4] =	dma.local [hbm:s3], $0xF7A  }
0x26: {  	[smem:$0x3F97] =	sst s1;
	(tag) =	ssettag s2;
	_ =	strace s9  }
0x27: {  	s1 =	sld [smem:$0x3FA7]  }
0x28: {  	s2 =	sld [smem:$0x3FA8]  }
0x29: {  	s4 =	sld [smem:$0x3FAA]  }
0x2a: {  	p0 =	seq.s32 s5, $0x0;
	s5 =	sld [smem:$0x3FAB]  }
0x2b: {  	s6 =	sld [smem:$0x3FAC]  }
0x2c: {  	s7 =	sld [smem:$0x3FAD]  }
0x2d: {  	s3 =	simm.s32 $0x108;
	s8 =	sld [smem:$0x3FAE]  }
0x2e: {  	s3 =	simm.s32 @!p0 $0x1082;
	s9 =	sld [smem:$0x3FAF]  }
0x2f: {  	lr =	sadd.s32 s0, s3;
	s0 =	sld [smem:$0x3FA6]  }
0x30: {  	s3 =	sld [smem:$0x3FA9]  }
0x31: {  	[smem:$0x3FB2] =	sst s10  }
0x32: {  	s10 =	sld [smem:$0x3FB0];
	_ =	sdelay $0x3  }
0x33: {  	p0 =	seq.s32 s10, $0x1;
	s10 =	sld [smem:$0x3FB2];
	_ =	sdelay $0x3  }
0x34: {  	[smem:$0x3FB2] =	sst s10  }
0x35: {  	s10 =	sld [smem:$0x3FB1];
	_ =	sdelay $0x3  }
0x36: {  	p1 =	seq.s32 s10, $0x1;
	s10 =	sld [smem:$0x3FB2];
	_ =	sdelay $0x3  }
0x37: {  	[smem:$0x3FB2] =	sst s10  }
0x38: {  	s10 =	sld [smem:$0x3FB3]  }
0x39: {  	_ = 	snop;
	(pc) =	sbr.ind lr, $3  }
0x3a: {  	_ = 	snop  }
0x3b: {  	_ = 	snop  }
0x3c: {  	p2 =	seq.s32 s10, $0x1;
	s10 =	sld [smem:$0x3FB2]  }
0x3d: {  	_ =	shalt  }
0x3e: {  	_ =	shalt  }
0x3f: {  	_ =	shalt  }
0x40: {  	_ =	shalt  }
0x41: {  	_ =	shalt  }
0x42: {  	_ =	shalt  }
0x43: {  	_ =	shalt  }
0x44: {  	_ =	shalt  }
0x45: {  	_ =	shalt  }
0x46: {  	_ =	shalt  }
0x47: {  	_ =	shalt  }
0x48: {  	_ =	shalt  }
0x49: {  	_ =	shalt  }
0x4a: {  	_ =	shalt  }
0x4b: {  	_ =	shalt  }
0x4c: {  	_ =	shalt  }
0x4d: {  	_ =	shalt  }
0x4e: {  	_ =	shalt  }
0x4f: {  	_ =	shalt  }
0x50: {  	_ =	shalt  }
0x51: {  	_ =	shalt  }
0x52: {  	_ =	shalt  }
0x53: {  	_ =	shalt  }
0x54: {  	_ =	shalt  }
0x55: {  	_ =	shalt  }
0x56: {  	_ =	shalt  }
0x57: {  	_ =	shalt  }
0x58: {  	_ =	shalt  }
0x59: {  	_ =	shalt  }
0x5a: {  	_ =	shalt  }
0x5b: {  	_ =	shalt  }
0x5c: {  	_ =	shalt  }
0x5d: {  	_ =	shalt  }
0x5e: {  	_ =	shalt  }
0x5f: {  	_ =	shalt  }
0x60: {  	_ =	shalt  }
0x61: {  	_ =	shalt  }
0x62: {  	_ =	shalt  }
0x63: {  	_ =	shalt  }
0x64: {  	_ =	shalt  }
0x65: {  	_ =	shalt  }
0x66: {  	_ =	shalt  }
0x67: {  	_ =	shalt  }
0x68: {  	_ =	shalt  }
0x69: {  	_ =	shalt  }
0x6a: {  	_ =	shalt  }
0x6b: {  	_ =	shalt  }
0x6c: {  	_ =	shalt  }
0x6d: {  	_ =	shalt  }
0x6e: {  	_ =	shalt  }
0x6f: {  	_ =	shalt  }
0x70: {  	_ =	shalt  }
0x71: {  	_ =	shalt  }
0x72: {  	_ =	shalt  }
0x73: {  	_ =	shalt  }
0x74: {  	_ =	shalt  }
0x75: {  	_ =	shalt  }
0x76: {  	_ =	shalt  }
0x77: {  	_ =	shalt  }
0x78: {  	_ =	shalt  }
0x79: {  	_ =	shalt  }
0x7a: {  	_ =	shalt  }
0x7b: {  	_ =	shalt  }
0x7c: {  	_ =	shalt  }
0x7d: {  	_ =	shalt  }
0x7e: {  	_ =	shalt  }
0x7f: {  	_ =	shalt  }
0x80: {  	_ =	shalt  }
0x81: {  	_ =	shalt  }
0x82: {  	_ =	shalt  }
0x83: {  	_ =	shalt  }
0x84: {  	_ =	shalt  }
0x85: {  	_ =	shalt  }
0x86: {  	_ =	shalt  }
0x87: {  	_ =	shalt  }
.Lfunc_end0:
.L_simem_size_0:
called_computation_lowered:
.L_overlay_start_0:
0x88: {  	s2 =	sld [smem:$0x3FD9]  }
0x89: {  	s3 =	sld [smem:$0x3FFE];
	_ =	sdelay $0x1  }
0x8a: {  	s1 =	srdreg.scid  }
0x8b: {  	s0 =	sand.u32 $0x1, s1  }
0x8c: {  	s17 =	sshll.u32 s0, $0xA;
	s2 =	sadd.s32 s3, s2  }
0x8d: {  	s2 =	sadd.s32 s2, s17  }
0x8e: {  	[smem:$0x3FBE] =	sst s2  }
0x8f: {  	_ = 	snop  }
0x90: {  	s2 =	sld [smem:$0x3FD0];
	(tm) =	ssettm $0x1  }
0x91: {  	s18 =	sld [smem:$0x3FFB];
	_ =	sdelay $0x3  }
0x92: {  	_ =	strace s18  }
0x93: {  	s3 =	sld [smem:$0x3FFC];
	_ =	sdelay $0x3  }
0x94: {  	_ =	strace s3  }
0x95: {  	s3 =	sld [smem:$0x3FFD];
	_ =	sdelay $0x3  }
0x96: {  	_ =	strace s3  }
0x97: {  	_ =	strace $0x8FFFFFFF  }
0x98: {  	s19 =	sld [smem:$0x3FDB];
	_ =	sdelay $0x1  }
0x99: {  	s4 =	simm.s32 $_scs_section_size  }
0x9a: {  	s5 =	simm.s32 $_size__tile_overlayer_lowered;
	s6 =	simm.s32 $_tile_overlayer_lowered  }
0x9b: {  	s22 =	simm.s32 $0x1BFF;
	s21 =	sshll.u32 s6, $0x1;
	s3 =	sadd.s32 s4, s19  }
0x9c: {  	s7 =	simm.s32 $0x0;
	s20 =	sshll.u32 s5, $0x1;
	s5 =	sadd.s32 s21, s3  }
0x9d: {  	[timem:s7], [sflag:s22] =	dma.local [hbm:s5], s20  }
0x9e: {  	_ =	swait.ge [sflag:s22], s20  }
0x9f: {  	s4 =	ssub.s32 $0x0, s20;
	[sflag:s22] =	ssyncset.done $0x0  }
0xa0: {  	[sflag:s22] =	ssyncadd.s32 s4;
	_ =	sdelay $0x1  }
0xa1: {  	s23 =	simm.s32 $0x1B8B  }
0xa2: {  	_ =	swait.ge [sflag:s23], $0x1  }
0xa3: {  	[sflag:s23] =	ssyncset.done $0x0  }
0xa4: {  	s25 =	simm.s32 $0x1B8E;
	s24 =	sld [smem:$0x3FFE];
	[sflag:s23] =	ssyncadd.s32 $0xFFFFFFFF  }
0xa5: {  	s26 =	simm.s32 $execute0_lowered;
	[smem:$0x3FD2] =	sst s25  }
0xa6: {  	s5 =	sshll.u32 s26, $0x1;
	_ =	strace $0x80000046;
	[dreg:$0x1] =	wrdreg $0xFFFFFFFF  }
0xa7: {  	s28 =	simm.s32 $_size_execute0_lowered;
	s3 =	sadd.s32 s3, s5;
	[dreg:$0x0] =	wrdreg $0x0  }
0xa8: {  	s5 =	sshll.u32 s28, $0x1;
	[dreg:$0x2] =	wrdreg s3  }
0xa9: {  	[dreg:$0x3] =	wrdreg s5  }
0xaa: {  	[dreg:$0x4] =	wrdreg $0xC0  }
0xab: {  	_ =	task [dreg:s7], $0x5FFFF  }
0xac: {  	[dreg:$0x1] =	wrdreg $0xFFFFFFFF  }
0xad: {  	[dreg:$0x0] =	wrdreg $0x60  }
0xae: {  	[dreg:$0x2] =	wrdreg s24  }
0xaf: {  	[dreg:$0x3] =	wrdreg s2  }
0xb0: {  	[dreg:$0x4] =	wrdreg $0x7F800  }
0xb1: {  	[dreg:$0x5] =	wrdreg $0x9  }
0xb2: {  	_ =	task.clear_ibuf [dreg:s7], $0x6FFFF;
	_ =	strace $0x90000046  }
0xb3: {  	s29 =	simm.s32 $0x9;
	_ =	strace $0x80000048  }
0xb4: {  	_ =	swait.ge [sflag:s29], $0x1  }
0xb5: {  	[sflag:s29] =	ssyncadd.s32 $0xFFFFFFFF  }
0xb6: {  	_ =	strace $0x90000048  }
0xb7: {  	_ =	sfence  }
0xb8: {  	s30 =	sld [smem:$0x0];
	_ =	sdelay $0x2  }
0xb9: {  	s31 =	sshll.u32 s1, $0xD;
	s1 =	sshrl.u32 s1, $0x2  }
0xba: {  	s3 =	sand.u32 $0x4000, s31;
	s1 =	sadd.s32 s1, s30  }
0xbb: {  	s0 =	sor.u32 s3, s0;
	s1 =	sshll.u32 s1, $0x11  }
0xbc: {  	s0 =	sor.u32 s1, s0  }
0xbd: {  	s0 =	sadd.s32 $0x8F2B, s0  }
0xbe: {  	[sflag:s0] =	ssyncadd.remote.s32 $0x1  }
0xbf: {  	_ =	sfence.sel $0xFFFF  }
0xc0: {  	[dreg:$0x0] =	wrdreg $0xFFFFFFFF;
	(pc) =	sbr.abs _section_cstart, $3  }
0xc1: {  	[dreg:$0x1] =	wrdreg $0xFFFFFFFF  }
0xc2: {  	_ =	task.clear_ibuf [dreg:s7], $0x2FFFF;
	_ =	strace $0x9FFFFFFF  }
0xc3: {  	(tm) =	ssettm $0x7FFFFFFF  }
tec
execute0_lowered:
.L_overlay_start_1:
0x0: {  	(tag) =	ssettag $0x1  }
0x1: {  	s0 =	rddreg [dreg:$0x0]  }
0x2: {  	s1 =	srdreg.scid;
	s8 =	rddreg [dreg:$0x1]  }
0x3: {  	s2 =	rddreg [dreg:$0x2];
	s6 =	stileid.u32;
	s3 =	simm.s32 $0x0  }
0x4: {  	s11 =	simm.s32 $0x4;
	s12 =	simm.s32 $0x1400;
	s13 =	simm.s32 $0x1  }
0x5: {  	s14 =	simm.s32 $0x80;
	s15 =	simm.s32 $0x2800;
	s16 =	simm.s32 $0x3000  }
0x6: {  	s18 =	simm.s32 $0x3800;
	s20 =	simm.s32 $0x4000;
	s21 =	simm.s32 $0x2  }
0x7: {  	s23 =	simm.s32 $0x4800;
	s29 =	simm.s32 $0x3;
	s17 =	simm.s32 $0x1300  }
0x8: {  	s19 =	simm.s32 $0x2580;
	s22 =	simm.s32 $0x1380;
	s24 =	simm.s32 $0x2600  }
0x9: {  	s28 =	simm.s32 $0x2700;
	s30 =	simm.s32 $0x2780;
	s1 =	sand.u32 $0x1, s1  }
0xa: {  	s31 =	simm.s32 $0x0;
	[smem:$0x7FF] =	sst s3;
	s4 =	sshll.u32 s1, $0x4  }
0xb: {  	_ =	strace $0x80000047;
	s7 =	ssub.s32 $0x2, s1;
	s1 =	smul.u32 $0x4F000, s1  }
0xc: {  	s4 =	sor.u32 s6, s4;
	s6 =	smul.u32 $0x4F00, s6;
	s25 =	sshrl.u32 s7, $0x1  }
0xd: {  	s5 =	smul.u32 $0x280, s4;
	s4 =	sadd.s32 $0x85200, s0;
	s10 =	ssub.s32 s7, s25  }
0xe: {  	s25 =	simm.s32 $0x2680;
	s9 =	sshrl.u32 s6, $0x1;
	s1 =	sadd.s32 s6, s1  }
0xf: {  	s0 =	sadd.s32 s5, s0;
	s5 =	sadd.s32 s9, s2;
	s26 =	sshrl.u32 s1, $0x4  }
0x10: {  	s9 =	smax.u32 s10, $0x1;
	s10 =	simm.s32 $0x5800;
	s6 =	sadd.s32 $0x1400, s0  }
0x11: {  	v0 =	vimm.bf16 $0.0e+00;
	s7 =	sadd.s32 $0x6400, s0;
	s8 =	sadd.s32 s8, s26;
	s26 =	simm.s32 $0x5000  }
.LBB2_1:
0x12: {  	s0 =	simm.s32 $0x40;
	s1 =	simm.s32 $0x0  }
.LBB2_2:
0x13: {  	p0 =	sne.s32 s0, $0x9DC0;
	[tilespmem:s1+$0x5800] =	vst v0;
	s1 =	smov.u32 s0;
	s0 =	sadd.s32 $0x40, s0  }
.Ltmp0:
0x14: {  	(pc) =	sbr.rel @p0 .LBB2_2-.Ltmp0, $2  }
0x15: {  	_ =	sdelay $0x2  }
0x16: {  	s1 =	sshra.s32 s1, $0x2  }
0x17: {  	[tilespmem:s1+$0x5800] =	vst v0  }
0x18: {  	[spmem:s5] =	stream.linear.scatter [tilespmem:s10], [sflag:$0x4], $0x2780, $0x38;
	[tilespmem:$0xA700] =	vst v63  }
0x19: {  	_ =	swait.ge [sflag:s11], $0x2780  }
0x1a: {  	[sflag:s11] =	ssyncset.done $0x0  }
0x1b: {  	[sflag:s11] =	ssyncadd.s32 $0xFFFFD880  }
0x1c: {  	[tilespmem:s3], [sflag:$0x1] =	stream.linear.gather [hbm4b:s6+s3], $0x1400, $0x38;
	[tilespmem:$0xA700] =	vst v63  }
0x1d: {  	_ = 	snop  }
0x1e: {  	[tilespmem:s12], [sflag:$0x1] =	stream.linear.gather [hbm4b:s7+s3], $0x1400, $0x38;
	[tilespmem:$0xA700] =	vst v63  }
0x1f: {  	_ =	swait.ge [sflag:s13], $0x1400  }
0x20: {  	[sflag:s13] =	ssyncset.done $0x0  }
0x21: {  	[sflag:s13] =	ssyncadd.s32 $0xFFFFEC00  }
0x22: {  	_ =	swait.ge [sflag:s13], $0x1400  }
0x23: {  	[sflag:s13] =	ssyncset.done $0x0  }
0x24: {  	[sflag:s13] =	ssyncadd.s32 $0xFFFFEC00  }
0x25: {  	[bflag:$0x0] =	sbarrier.arrive $0xFFFF  }
0x26: {  	[tilespmem:s15], [sflag:$0x2] =	stream.indirect.gather [hbm4b:s4+s14], $0x10, s3, s14, $0xb8;
	[tilespmem:$0xA700] =	vst v63  }
0x27: {  	_ = 	snop  }
0x28: {  	[tilespmem:s16], [sflag:$0x2] =	stream.indirect.gather [hbm4b:s4+s14], $0x10, s14, s14, $0xb8;
	[tilespmem:$0xA700] =	vst v63  }
0x29: {  	s0 =	simm.s32 $0x100  }
0x2a: {  	[tilespmem:s18], [sflag:$0x2] =	stream.indirect.gather [hbm4b:s4+s14], $0x10, s0, s14, $0xb8;
	[tilespmem:$0xA700] =	vst v63  }
0x2b: {  	s1 =	simm.s32 $0x180  }
0x2c: {  	[tilespmem:s20], [sflag:$0x2] =	stream.indirect.gather [hbm4b:s4+s14], $0x10, s1, s14, $0xb8;
	[tilespmem:$0xA700] =	vst v63  }
0x2d: {  	_ =	swait.ge [sflag:s21], $0x800  }
0x2e: {  	[sflag:s21] =	ssyncset.done $0x0  }
0x2f: {  	[sflag:s21] =	ssyncadd.s32 $0xFFFFF800  }
0x30: {  	[spmem:s2] =	stream.indirect.scatter.add.bf16 [tilespmem:s15], [sflag:$0x3], $0x10, s12, s14, $0xb8;
	[tilespmem:$0xA700] =	vst v63  }
0x31: {  	s1 =	simm.s32 $0x200  }
0x32: {  	[tilespmem:s23], [sflag:$0x2] =	stream.indirect.gather [hbm4b:s4+s14], $0x10, s1, s14, $0xb8;
	[tilespmem:$0xA700] =	vst v63  }
0x33: {  	_ =	swait.ge [sflag:s21], $0x800  }
0x34: {  	[sflag:s21] =	ssyncset.done $0x0  }
0x35: {  	s1 =	simm.s32 $0x1480;
	[sflag:s21] =	ssyncadd.s32 $0xFFFFF800  }
0x36: {  	[spmem:s2] =	stream.indirect.scatter.add.bf16 [tilespmem:s16], [sflag:$0x3], $0x10, s1, s14, $0xb8;
	[tilespmem:$0xA700] =	vst v63  }
0x37: {  	s1 =	simm.s32 $0x280  }
0x38: {  	[tilespmem:s26], [sflag:$0x2] =	stream.indirect.gather [hbm4b:s4+s14], $0x10, s1, s14, $0xb8;
	[tilespmem:$0xA700] =	vst v63  }
0x39: {  	_ =	swait.ge [sflag:s21], $0x800  }
0x3a: {  	[sflag:s21] =	ssyncset.done $0x0  }
0x3b: {  	s1 =	simm.s32 $0x1500;
	[sflag:s21] =	ssyncadd.s32 $0xFFFFF800  }
0x3c: {  	[spmem:s2] =	stream.indirect.scatter.add.bf16 [tilespmem:s18], [sflag:$0x3], $0x10, s1, s14, $0xb8;
	[tilespmem:$0xA700] =	vst v63  }
0x3d: {  	_ =	swait.ge [sflag:s29], $0x800  }
0x3e: {  	[sflag:s29] =	ssyncset.done $0x0  }
0x3f: {  	s1 =	simm.s32 $0x300;
	[sflag:s29] =	ssyncadd.s32 $0xFFFFF800  }
0x40: {  	[tilespmem:s15], [sflag:$0x2] =	stream.indirect.gather [hbm4b:s4+s14], $0x10, s1, s14, $0xb8;
	[tilespmem:$0xA700] =	vst v63  }
0x41: {  	_ =	swait.ge [sflag:s21], $0x800  }
0x42: {  	[sflag:s21] =	ssyncset.done $0x0  }
0x43: {  	s1 =	simm.s32 $0x1580;
	[sflag:s21] =	ssyncadd.s32 $0xFFFFF800  }
0x44: {  	[spmem:s2] =	stream.indirect.scatter.add.bf16 [tilespmem:s20], [sflag:$0x3], $0x10, s1, s14, $0xb8;
	[tilespmem:$0xA700] =	vst v63  }
0x45: {  	_ =	swait.ge [sflag:s29], $0x800  }
0x46: {  	[sflag:s29] =	ssyncset.done $0x0  }
0x47: {  	s1 =	simm.s32 $0x380;
	[sflag:s29] =	ssyncadd.s32 $0xFFFFF800  }
0x48: {  	[tilespmem:s16], [sflag:$0x2] =	stream.indirect.gather [hbm4b:s4+s14], $0x10, s1, s14, $0xb8;
	[tilespmem:$0xA700] =	vst v63  }
0x49: {  	_ =	swait.ge [sflag:s21], $0x800  }
0x4a: {  	[sflag:s21] =	ssyncset.done $0x0  }
0x4b: {  	s1 =	simm.s32 $0x1600;
	[sflag:s21] =	ssyncadd.s32 $0xFFFFF800  }
0x4c: {  	[spmem:s2] =	stream.indirect.scatter.add.bf16 [tilespmem:s23], [sflag:$0x3], $0x10, s1, s14, $0xb8;
	[tilespmem:$0xA700] =	vst v63  }
0x4d: {  	_ =	swait.ge [sflag:s29], $0x800  }
0x4e: {  	[sflag:s29] =	ssyncset.done $0x0  }
0x4f: {  	s1 =	simm.s32 $0x400;
	[sflag:s29] =	ssyncadd.s32 $0xFFFFF800  }
0x50: {  	[tilespmem:s18], [sflag:$0x2] =	stream.indirect.gather [hbm4b:s4+s14], $0x10, s1, s14, $0xb8;
	[tilespmem:$0xA700] =	vst v63  }
0x51: {  	_ =	swait.ge [sflag:s21], $0x800  }
0x52: {  	[sflag:s21] =	ssyncset.done $0x0  }
0x53: {  	s1 =	simm.s32 $0x1680;
	[sflag:s21] =	ssyncadd.s32 $0xFFFFF800  }
0x54: {  	[spmem:s2] =	stream.indirect.scatter.add.bf16 [tilespmem:s26], [sflag:$0x3], $0x10, s1, s14, $0xb8;
	[tilespmem:$0xA700] =	vst v63  }
0x55: {  	_ =	swait.ge [sflag:s29], $0x800  }
0x56: {  	[sflag:s29] =	ssyncset.done $0x0  }
0x57: {  	s1 =	simm.s32 $0x480;
	[sflag:s29] =	ssyncadd.s32 $0xFFFFF800  }
0x58: {  	[tilespmem:s20], [sflag:$0x2] =	stream.indirect.gather [hbm4b:s4+s14], $0x10, s1, s14, $0xb8;
	[tilespmem:$0xA700] =	vst v63  }
0x59: {  	_ =	swait.ge [sflag:s21], $0x800  }
0x5a: {  	[sflag:s21] =	ssyncset.done $0x0  }
0x5b: {  	s1 =	simm.s32 $0x1700;
	[sflag:s21] =	ssyncadd.s32 $0xFFFFF800  }
0x5c: {  	[spmem:s2] =	stream.indirect.scatter.add.bf16 [tilespmem:s15], [sflag:$0x3], $0x10, s1, s14, $0xb8;
	[tilespmem:$0xA700] =	vst v63  }
0x5d: {  	_ =	swait.ge [sflag:s29], $0x800  }
0x5e: {  	[sflag:s29] =	ssyncset.done $0x0  }
0x5f: {  	s1 =	simm.s32 $0x500;
	[sflag:s29] =	ssyncadd.s32 $0xFFFFF800  }
0x60: {  	[tilespmem:s23], [sflag:$0x2] =	stream.indirect.gather [hbm4b:s4+s14], $0x10, s1, s14, $0xb8;
	[tilespmem:$0xA700] =	vst v63  }
0x61: {  	_ =	swait.ge [sflag:s21], $0x800  }
0x62: {  	[sflag:s21] =	ssyncset.done $0x0  }
0x63: {  	s1 =	simm.s32 $0x1780;
	[sflag:s21] =	ssyncadd.s32 $0xFFFFF800  }
0x64: {  	[spmem:s2] =	stream.indirect.scatter.add.bf16 [tilespmem:s16], [sflag:$0x3], $0x10, s1, s14, $0xb8;
	[tilespmem:$0xA700] =	vst v63  }
0x65: {  	_ =	swait.ge [sflag:s29], $0x800  }
0x66: {  	[sflag:s29] =	ssyncset.done $0x0  }
0x67: {  	s1 =	simm.s32 $0x580;
	[sflag:s29] =	ssyncadd.s32 $0xFFFFF800  }
0x68: {  	[tilespmem:s26], [sflag:$0x2] =	stream.indirect.gather [hbm4b:s4+s14], $0x10, s1, s14, $0xb8;
	[tilespmem:$0xA700] =	vst v63  }
0x69: {  	_ =	swait.ge [sflag:s21], $0x800  }
0x6a: {  	[sflag:s21] =	ssyncset.done $0x0  }
0x6b: {  	s1 =	simm.s32 $0x1800;
	[sflag:s21] =	ssyncadd.s32 $0xFFFFF800  }
0x6c: {  	[spmem:s2] =	stream.indirect.scatter.add.bf16 [tilespmem:s18], [sflag:$0x3], $0x10, s1, s14, $0xb8;
	[tilespmem:$0xA700] =	vst v63  }
0x6d: {  	_ =	swait.ge [sflag:s29], $0x800  }
0x6e: {  	[sflag:s29] =	ssyncset.done $0x0  }
0x6f: {  	s1 =	simm.s32 $0x600;
	[sflag:s29] =	ssyncadd.s32 $0xFFFFF800  }
0x70: {  	[tilespmem:s15], [sflag:$0x2] =	stream.indirect.gather [hbm4b:s4+s14], $0x10, s1, s14, $0xb8;
	[tilespmem:$0xA700] =	vst v63  }
0x71: {  	_ =	swait.ge [sflag:s21], $0x800  }
0x72: {  	[sflag:s21] =	ssyncset.done $0x0  }
0x73: {  	s1 =	simm.s32 $0x1880;
	[sflag:s21] =	ssyncadd.s32 $0xFFFFF800  }
0x74: {  	[spmem:s2] =	stream.indirect.scatter.add.bf16 [tilespmem:s20], [sflag:$0x3], $0x10, s1, s14, $0xb8;
	[tilespmem:$0xA700] =	vst v63  }
0x75: {  	_ =	swait.ge [sflag:s29], $0x800  }
0x76: {  	[sflag:s29] =	ssyncset.done $0x0  }
0x77: {  	s1 =	simm.s32 $0x680;
	[sflag:s29] =	ssyncadd.s32 $0xFFFFF800  }
0x78: {  	[tilespmem:s16], [sflag:$0x2] =	stream.indirect.gather [hbm4b:s4+s14], $0x10, s1, s14, $0xb8;
	[tilespmem:$0xA700] =	vst v63  }
0x79: {  	_ =	swait.ge [sflag:s21], $0x800  }
0x7a: {  	[sflag:s21] =	ssyncset.done $0x0  }
0x7b: {  	s1 =	simm.s32 $0x1900;
	[sflag:s21] =	ssyncadd.s32 $0xFFFFF800  }
0x7c: {  	[spmem:s2] =	stream.indirect.scatter.add.bf16 [tilespmem:s23], [sflag:$0x3], $0x10, s1, s14, $0xb8;
	[tilespmem:$0xA700] =	vst v63  }
0x7d: {  	_ =	swait.ge [sflag:s29], $0x800  }
0x7e: {  	[sflag:s29] =	ssyncset.done $0x0  }
0x7f: {  	s1 =	simm.s32 $0x700;
	[sflag:s29] =	ssyncadd.s32 $0xFFFFF800  }
0x80: {  	[tilespmem:s18], [sflag:$0x2] =	stream.indirect.gather [hbm4b:s4+s14], $0x10, s1, s14, $0xb8;
	[tilespmem:$0xA700] =	vst v63  }
0x81: {  	_ =	swait.ge [sflag:s21], $0x800  }
0x82: {  	[sflag:s21] =	ssyncset.done $0x0  }
0x83: {  	s1 =	simm.s32 $0x1980;
	[sflag:s21] =	ssyncadd.s32 $0xFFFFF800  }
0x84: {  	[spmem:s2] =	stream.indirect.scatter.add.bf16 [tilespmem:s26], [sflag:$0x3], $0x10, s1, s14, $0xb8;
	[tilespmem:$0xA700] =	vst v63  }
0x85: {  	_ =	swait.ge [sflag:s29], $0x800  }
0x86: {  	[sflag:s29] =	ssyncset.done $0x0  }
0x87: {  	s1 =	simm.s32 $0x780;
	[sflag:s29] =	ssyncadd.s32 $0xFFFFF800  }
0x88: {  	[tilespmem:s20], [sflag:$0x2] =	stream.indirect.gather [hbm4b:s4+s14], $0x10, s1, s14, $0xb8;
	[tilespmem:$0xA700] =	vst v63  }
0x89: {  	_ =	swait.ge [sflag:s21], $0x800  }
0x8a: {  	[sflag:s21] =	ssyncset.done $0x0  }
0x8b: {  	s1 =	simm.s32 $0x1A00;
	[sflag:s21] =	ssyncadd.s32 $0xFFFFF800  }
0x8c: {  	[spmem:s2] =	stream.indirect.scatter.add.bf16 [tilespmem:s15], [sflag:$0x3], $0x10, s1, s14, $0xb8;
	[tilespmem:$0xA700] =	vst v63  }
0x8d: {  	_ =	swait.ge [sflag:s29], $0x800  }
0x8e: {  	[sflag:s29] =	ssyncset.done $0x0  }
0x8f: {  	s1 =	simm.s32 $0x800;
	[sflag:s29] =	ssyncadd.s32 $0xFFFFF800  }
0x90: {  	[tilespmem:s23], [sflag:$0x2] =	stream.indirect.gather [hbm4b:s4+s14], $0x10, s1, s14, $0xb8;
	[tilespmem:$0xA700] =	vst v63  }
0x91: {  	_ =	swait.ge [sflag:s21], $0x800  }
0x92: {  	[sflag:s21] =	ssyncset.done $0x0  }
0x93: {  	s1 =	simm.s32 $0x1A80;
	[sflag:s21] =	ssyncadd.s32 $0xFFFFF800  }
0x94: {  	[spmem:s2] =	stream.indirect.scatter.add.bf16 [tilespmem:s16], [sflag:$0x3], $0x10, s1, s14, $0xb8;
	[tilespmem:$0xA700] =	vst v63  }
0x95: {  	_ =	swait.ge [sflag:s29], $0x800  }
0x96: {  	[sflag:s29] =	ssyncset.done $0x0  }
0x97: {  	s1 =	simm.s32 $0x880;
	[sflag:s29] =	ssyncadd.s32 $0xFFFFF800  }
0x98: {  	[tilespmem:s26], [sflag:$0x2] =	stream.indirect.gather [hbm4b:s4+s14], $0x10, s1, s14, $0xb8;
	[tilespmem:$0xA700] =	vst v63  }
0x99: {  	_ =	swait.ge [sflag:s21], $0x800  }
0x9a: {  	[sflag:s21] =	ssyncset.done $0x0  }
0x9b: {  	s1 =	simm.s32 $0x1B00;
	[sflag:s21] =	ssyncadd.s32 $0xFFFFF800  }
0x9c: {  	[spmem:s2] =	stream.indirect.scatter.add.bf16 [tilespmem:s18], [sflag:$0x3], $0x10, s1, s14, $0xb8;
	[tilespmem:$0xA700] =	vst v63  }
0x9d: {  	_ =	swait.ge [sflag:s29], $0x800  }
0x9e: {  	[sflag:s29] =	ssyncset.done $0x0  }
0x9f: {  	s1 =	simm.s32 $0x900;
	[sflag:s29] =	ssyncadd.s32 $0xFFFFF800  }
0xa0: {  	[tilespmem:s15], [sflag:$0x2] =	stream.indirect.gather [hbm4b:s4+s14], $0x10, s1, s14, $0xb8;
	[tilespmem:$0xA700] =	vst v63  }
0xa1: {  	_ =	swait.ge [sflag:s21], $0x800  }
0xa2: {  	[sflag:s21] =	ssyncset.done $0x0  }
0xa3: {  	s1 =	simm.s32 $0x1B80;
	[sflag:s21] =	ssyncadd.s32 $0xFFFFF800  }
0xa4: {  	[spmem:s2] =	stream.indirect.scatter.add.bf16 [tilespmem:s20], [sflag:$0x3], $0x10, s1, s14, $0xb8;
	[tilespmem:$0xA700] =	vst v63  }
0xa5: {  	_ =	swait.ge [sflag:s29], $0x800  }
0xa6: {  	[sflag:s29] =	ssyncset.done $0x0  }
0xa7: {  	s1 =	simm.s32 $0x980;
	[sflag:s29] =	ssyncadd.s32 $0xFFFFF800  }
0xa8: {  	[tilespmem:s16], [sflag:$0x2] =	stream.indirect.gather [hbm4b:s4+s14], $0x10, s1, s14, $0xb8;
	[tilespmem:$0xA700] =	vst v63  }
0xa9: {  	_ =	swait.ge [sflag:s21], $0x800  }
0xaa: {  	[sflag:s21] =	ssyncset.done $0x0  }
0xab: {  	s1 =	simm.s32 $0x1C00;
	[sflag:s21] =	ssyncadd.s32 $0xFFFFF800  }
0xac: {  	[spmem:s2] =	stream.indirect.scatter.add.bf16 [tilespmem:s23], [sflag:$0x3], $0x10, s1, s14, $0xb8;
	[tilespmem:$0xA700] =	vst v63  }
0xad: {  	_ =	swait.ge [sflag:s29], $0x800  }
0xae: {  	[sflag:s29] =	ssyncset.done $0x0  }
0xaf: {  	s1 =	simm.s32 $0xA00;
	[sflag:s29] =	ssyncadd.s32 $0xFFFFF800  }
0xb0: {  	[tilespmem:s18], [sflag:$0x2] =	stream.indirect.gather [hbm4b:s4+s14], $0x10, s1, s14, $0xb8;
	[tilespmem:$0xA700] =	vst v63  }
0xb1: {  	_ =	swait.ge [sflag:s21], $0x800  }
0xb2: {  	[sflag:s21] =	ssyncset.done $0x0  }
0xb3: {  	s1 =	simm.s32 $0x1C80;
	[sflag:s21] =	ssyncadd.s32 $0xFFFFF800  }
0xb4: {  	[spmem:s2] =	stream.indirect.scatter.add.bf16 [tilespmem:s26], [sflag:$0x3], $0x10, s1, s14, $0xb8;
	[tilespmem:$0xA700] =	vst v63  }
0xb5: {  	_ =	swait.ge [sflag:s29], $0x800  }
0xb6: {  	[sflag:s29] =	ssyncset.done $0x0  }
0xb7: {  	s1 =	simm.s32 $0xA80;
	[sflag:s29] =	ssyncadd.s32 $0xFFFFF800  }
0xb8: {  	[tilespmem:s20], [sflag:$0x2] =	stream.indirect.gather [hbm4b:s4+s14], $0x10, s1, s14, $0xb8;
	[tilespmem:$0xA700] =	vst v63  }
0xb9: {  	_ =	swait.ge [sflag:s21], $0x800  }
0xba: {  	[sflag:s21] =	ssyncset.done $0x0  }
0xbb: {  	s1 =	simm.s32 $0x1D00;
	[sflag:s21] =	ssyncadd.s32 $0xFFFFF800  }
0xbc: {  	[spmem:s2] =	stream.indirect.scatter.add.bf16 [tilespmem:s15], [sflag:$0x3], $0x10, s1, s14, $0xb8;
	[tilespmem:$0xA700] =	vst v63  }
0xbd: {  	_ =	swait.ge [sflag:s29], $0x800  }
0xbe: {  	[sflag:s29] =	ssyncset.done $0x0  }
0xbf: {  	s1 =	simm.s32 $0xB00;
	[sflag:s29] =	ssyncadd.s32 $0xFFFFF800  }
0xc0: {  	[tilespmem:s23], [sflag:$0x2] =	stream.indirect.gather [hbm4b:s4+s14], $0x10, s1, s14, $0xb8;
	[tilespmem:$0xA700] =	vst v63  }
0xc1: {  	_ =	swait.ge [sflag:s21], $0x800  }
0xc2: {  	[sflag:s21] =	ssyncset.done $0x0  }
0xc3: {  	s1 =	simm.s32 $0x1D80;
	[sflag:s21] =	ssyncadd.s32 $0xFFFFF800  }
0xc4: {  	[spmem:s2] =	stream.indirect.scatter.add.bf16 [tilespmem:s16], [sflag:$0x3], $0x10, s1, s14, $0xb8;
	[tilespmem:$0xA700] =	vst v63  }
0xc5: {  	_ =	swait.ge [sflag:s29], $0x800  }
0xc6: {  	[sflag:s29] =	ssyncset.done $0x0  }
0xc7: {  	s1 =	simm.s32 $0xB80;
	[sflag:s29] =	ssyncadd.s32 $0xFFFFF800  }
0xc8: {  	[tilespmem:s26], [sflag:$0x2] =	stream.indirect.gather [hbm4b:s4+s14], $0x10, s1, s14, $0xb8;
	[tilespmem:$0xA700] =	vst v63  }
0xc9: {  	_ =	swait.ge [sflag:s21], $0x800  }
0xca: {  	[sflag:s21] =	ssyncset.done $0x0  }
0xcb: {  	s1 =	simm.s32 $0x1E00;
	[sflag:s21] =	ssyncadd.s32 $0xFFFFF800  }
0xcc: {  	[spmem:s2] =	stream.indirect.scatter.add.bf16 [tilespmem:s18], [sflag:$0x3], $0x10, s1, s14, $0xb8;
	[tilespmem:$0xA700] =	vst v63  }
0xcd: {  	_ =	swait.ge [sflag:s29], $0x800  }
0xce: {  	[sflag:s29] =	ssyncset.done $0x0  }
0xcf: {  	s1 =	simm.s32 $0xC00;
	[sflag:s29] =	ssyncadd.s32 $0xFFFFF800  }
0xd0: {  	[tilespmem:s15], [sflag:$0x2] =	stream.indirect.gather [hbm4b:s4+s14], $0x10, s1, s14, $0xb8;
	[tilespmem:$0xA700] =	vst v63  }
0xd1: {  	_ =	swait.ge [sflag:s21], $0x800  }
0xd2: {  	[sflag:s21] =	ssyncset.done $0x0  }
0xd3: {  	s1 =	simm.s32 $0x1E80;
	[sflag:s21] =	ssyncadd.s32 $0xFFFFF800  }
0xd4: {  	[spmem:s2] =	stream.indirect.scatter.add.bf16 [tilespmem:s20], [sflag:$0x3], $0x10, s1, s14, $0xb8;
	[tilespmem:$0xA700] =	vst v63  }
0xd5: {  	_ =	swait.ge [sflag:s29], $0x800  }
0xd6: {  	[sflag:s29] =	ssyncset.done $0x0  }
0xd7: {  	s1 =	simm.s32 $0xC80;
	[sflag:s29] =	ssyncadd.s32 $0xFFFFF800  }
0xd8: {  	[tilespmem:s16], [sflag:$0x2] =	stream.indirect.gather [hbm4b:s4+s14], $0x10, s1, s14, $0xb8;
	[tilespmem:$0xA700] =	vst v63  }
0xd9: {  	_ =	swait.ge [sflag:s21], $0x800  }
0xda: {  	[sflag:s21] =	ssyncset.done $0x0  }
0xdb: {  	s1 =	simm.s32 $0x1F00;
	[sflag:s21] =	ssyncadd.s32 $0xFFFFF800  }
0xdc: {  	[spmem:s2] =	stream.indirect.scatter.add.bf16 [tilespmem:s23], [sflag:$0x3], $0x10, s1, s14, $0xb8;
	[tilespmem:$0xA700] =	vst v63  }
0xdd: {  	_ =	swait.ge [sflag:s29], $0x800  }
0xde: {  	[sflag:s29] =	ssyncset.done $0x0  }
0xdf: {  	s1 =	simm.s32 $0xD00;
	[sflag:s29] =	ssyncadd.s32 $0xFFFFF800  }
0xe0: {  	[tilespmem:s18], [sflag:$0x2] =	stream.indirect.gather [hbm4b:s4+s14], $0x10, s1, s14, $0xb8;
	[tilespmem:$0xA700] =	vst v63  }
0xe1: {  	_ =	swait.ge [sflag:s21], $0x800  }
0xe2: {  	[sflag:s21] =	ssyncset.done $0x0  }
0xe3: {  	s1 =	simm.s32 $0x1F80;
	[sflag:s21] =	ssyncadd.s32 $0xFFFFF800  }
0xe4: {  	[spmem:s2] =	stream.indirect.scatter.add.bf16 [tilespmem:s26], [sflag:$0x3], $0x10, s1, s14, $0xb8;
	[tilespmem:$0xA700] =	vst v63  }
0xe5: {  	_ =	swait.ge [sflag:s29], $0x800  }
0xe6: {  	[sflag:s29] =	ssyncset.done $0x0  }
0xe7: {  	s1 =	simm.s32 $0xD80;
	[sflag:s29] =	ssyncadd.s32 $0xFFFFF800  }
0xe8: {  	[tilespmem:s20], [sflag:$0x2] =	stream.indirect.gather [hbm4b:s4+s14], $0x10, s1, s14, $0xb8;
	[tilespmem:$0xA700] =	vst v63  }
0xe9: {  	_ =	swait.ge [sflag:s21], $0x800  }
0xea: {  	[sflag:s21] =	ssyncset.done $0x0  }
0xeb: {  	s1 =	simm.s32 $0x2000;
	[sflag:s21] =	ssyncadd.s32 $0xFFFFF800  }
0xec: {  	[spmem:s2] =	stream.indirect.scatter.add.bf16 [tilespmem:s15], [sflag:$0x3], $0x10, s1, s14, $0xb8;
	[tilespmem:$0xA700] =	vst v63  }
0xed: {  	_ =	swait.ge [sflag:s29], $0x800  }
0xee: {  	[sflag:s29] =	ssyncset.done $0x0  }
0xef: {  	s1 =	simm.s32 $0xE00;
	[sflag:s29] =	ssyncadd.s32 $0xFFFFF800  }
0xf0: {  	[tilespmem:s23], [sflag:$0x2] =	stream.indirect.gather [hbm4b:s4+s14], $0x10, s1, s14, $0xb8;
	[tilespmem:$0xA700] =	vst v63  }
0xf1: {  	_ =	swait.ge [sflag:s21], $0x800  }
0xf2: {  	[sflag:s21] =	ssyncset.done $0x0  }
0xf3: {  	s1 =	simm.s32 $0x2080;
	[sflag:s21] =	ssyncadd.s32 $0xFFFFF800  }
0xf4: {  	[spmem:s2] =	stream.indirect.scatter.add.bf16 [tilespmem:s16], [sflag:$0x3], $0x10, s1, s14, $0xb8;
	[tilespmem:$0xA700] =	vst v63  }
0xf5: {  	_ =	swait.ge [sflag:s29], $0x800  }
0xf6: {  	[sflag:s29] =	ssyncset.done $0x0  }
0xf7: {  	s1 =	simm.s32 $0xE80;
	[sflag:s29] =	ssyncadd.s32 $0xFFFFF800  }
0xf8: {  	[tilespmem:s26], [sflag:$0x2] =	stream.indirect.gather [hbm4b:s4+s14], $0x10, s1, s14, $0xb8;
	[tilespmem:$0xA700] =	vst v63  }
0xf9: {  	_ =	swait.ge [sflag:s21], $0x800  }
0xfa: {  	[sflag:s21] =	ssyncset.done $0x0  }
0xfb: {  	s1 =	simm.s32 $0x2100;
	[sflag:s21] =	ssyncadd.s32 $0xFFFFF800  }
0xfc: {  	[spmem:s2] =	stream.indirect.scatter.add.bf16 [tilespmem:s18], [sflag:$0x3], $0x10, s1, s14, $0xb8;
	[tilespmem:$0xA700] =	vst v63  }
0xfd: {  	_ =	swait.ge [sflag:s29], $0x800  }
0xfe: {  	[sflag:s29] =	ssyncset.done $0x0  }
0xff: {  	s1 =	simm.s32 $0xF00;
	[sflag:s29] =	ssyncadd.s32 $0xFFFFF800  }
0x100: {  	[tilespmem:s15], [sflag:$0x2] =	stream.indirect.gather [hbm4b:s4+s14], $0x10, s1, s14, $0xb8;
	[tilespmem:$0xA700] =	vst v63  }
0x101: {  	_ =	swait.ge [sflag:s21], $0x800  }
0x102: {  	[sflag:s21] =	ssyncset.done $0x0  }
0x103: {  	s1 =	simm.s32 $0x2180;
	[sflag:s21] =	ssyncadd.s32 $0xFFFFF800  }
0x104: {  	[spmem:s2] =	stream.indirect.scatter.add.bf16 [tilespmem:s20], [sflag:$0x3], $0x10, s1, s14, $0xb8;
	[tilespmem:$0xA700] =	vst v63  }
0x105: {  	_ =	swait.ge [sflag:s29], $0x800  }
0x106: {  	[sflag:s29] =	ssyncset.done $0x0  }
0x107: {  	s1 =	simm.s32 $0xF80;
	[sflag:s29] =	ssyncadd.s32 $0xFFFFF800  }
0x108: {  	[tilespmem:s16], [sflag:$0x2] =	stream.indirect.gather [hbm4b:s4+s14], $0x10, s1, s14, $0xb8;
	[tilespmem:$0xA700] =	vst v63  }
0x109: {  	_ =	swait.ge [sflag:s21], $0x800  }
0x10a: {  	[sflag:s21] =	ssyncset.done $0x0  }
0x10b: {  	s1 =	simm.s32 $0x2200;
	[sflag:s21] =	ssyncadd.s32 $0xFFFFF800  }
0x10c: {  	[spmem:s2] =	stream.indirect.scatter.add.bf16 [tilespmem:s23], [sflag:$0x3], $0x10, s1, s14, $0xb8;
	[tilespmem:$0xA700] =	vst v63  }
0x10d: {  	_ =	swait.ge [sflag:s29], $0x800  }
0x10e: {  	[sflag:s29] =	ssyncset.done $0x0  }
0x10f: {  	s1 =	simm.s32 $0x1000;
	[sflag:s29] =	ssyncadd.s32 $0xFFFFF800  }
0x110: {  	[tilespmem:s18], [sflag:$0x2] =	stream.indirect.gather [hbm4b:s4+s14], $0x10, s1, s14, $0xb8;
	[tilespmem:$0xA700] =	vst v63  }
0x111: {  	_ =	swait.ge [sflag:s21], $0x800  }
0x112: {  	[sflag:s21] =	ssyncset.done $0x0  }
0x113: {  	s1 =	simm.s32 $0x2280;
	[sflag:s21] =	ssyncadd.s32 $0xFFFFF800  }
0x114: {  	[spmem:s2] =	stream.indirect.scatter.add.bf16 [tilespmem:s26], [sflag:$0x3], $0x10, s1, s14, $0xb8;
	[tilespmem:$0xA700] =	vst v63  }
0x115: {  	_ =	swait.ge [sflag:s29], $0x800  }
0x116: {  	[sflag:s29] =	ssyncset.done $0x0  }
0x117: {  	s1 =	simm.s32 $0x1080;
	[sflag:s29] =	ssyncadd.s32 $0xFFFFF800  }
0x118: {  	[tilespmem:s20], [sflag:$0x2] =	stream.indirect.gather [hbm4b:s4+s14], $0x10, s1, s14, $0xb8;
	[tilespmem:$0xA700] =	vst v63  }
0x119: {  	_ =	swait.ge [sflag:s21], $0x800  }
0x11a: {  	[sflag:s21] =	ssyncset.done $0x0  }
0x11b: {  	s1 =	simm.s32 $0x2300;
	[sflag:s21] =	ssyncadd.s32 $0xFFFFF800  }
0x11c: {  	[spmem:s2] =	stream.indirect.scatter.add.bf16 [tilespmem:s15], [sflag:$0x3], $0x10, s1, s14, $0xb8;
	[tilespmem:$0xA700] =	vst v63  }
0x11d: {  	_ =	swait.ge [sflag:s29], $0x800  }
0x11e: {  	[sflag:s29] =	ssyncset.done $0x0  }
0x11f: {  	s1 =	simm.s32 $0x1100;
	[sflag:s29] =	ssyncadd.s32 $0xFFFFF800  }
0x120: {  	[tilespmem:s23], [sflag:$0x2] =	stream.indirect.gather [hbm4b:s4+s14], $0x10, s1, s14, $0xb8;
	[tilespmem:$0xA700] =	vst v63  }
0x121: {  	_ =	swait.ge [sflag:s21], $0x800  }
0x122: {  	[sflag:s21] =	ssyncset.done $0x0  }
0x123: {  	s1 =	simm.s32 $0x2380;
	[sflag:s21] =	ssyncadd.s32 $0xFFFFF800  }
0x124: {  	[spmem:s2] =	stream.indirect.scatter.add.bf16 [tilespmem:s16], [sflag:$0x3], $0x10, s1, s14, $0xb8;
	[tilespmem:$0xA700] =	vst v63  }
0x125: {  	_ =	swait.ge [sflag:s29], $0x800  }
0x126: {  	[sflag:s29] =	ssyncset.done $0x0  }
0x127: {  	s1 =	simm.s32 $0x1180;
	[sflag:s29] =	ssyncadd.s32 $0xFFFFF800  }
0x128: {  	[tilespmem:s26], [sflag:$0x2] =	stream.indirect.gather [hbm4b:s4+s14], $0x10, s1, s14, $0xb8;
	[tilespmem:$0xA700] =	vst v63  }
0x129: {  	_ =	swait.ge [sflag:s21], $0x800  }
0x12a: {  	[sflag:s21] =	ssyncset.done $0x0  }
0x12b: {  	s1 =	simm.s32 $0x2400;
	[sflag:s21] =	ssyncadd.s32 $0xFFFFF800  }
0x12c: {  	[spmem:s2] =	stream.indirect.scatter.add.bf16 [tilespmem:s18], [sflag:$0x3], $0x10, s1, s14, $0xb8;
	[tilespmem:$0xA700] =	vst v63  }
0x12d: {  	_ =	swait.ge [sflag:s29], $0x800  }
0x12e: {  	[sflag:s29] =	ssyncset.done $0x0  }
0x12f: {  	s1 =	simm.s32 $0x1200;
	[sflag:s29] =	ssyncadd.s32 $0xFFFFF800  }
0x130: {  	[tilespmem:s15], [sflag:$0x2] =	stream.indirect.gather [hbm4b:s4+s14], $0x10, s1, s14, $0xb8;
	[tilespmem:$0xA700] =	vst v63  }
0x131: {  	_ =	swait.ge [sflag:s21], $0x800  }
0x132: {  	[sflag:s21] =	ssyncset.done $0x0  }
0x133: {  	s1 =	simm.s32 $0x2480;
	[sflag:s21] =	ssyncadd.s32 $0xFFFFF800  }
0x134: {  	[spmem:s2] =	stream.indirect.scatter.add.bf16 [tilespmem:s20], [sflag:$0x3], $0x10, s1, s14, $0xb8;
	[tilespmem:$0xA700] =	vst v63  }
0x135: {  	_ =	swait.ge [sflag:s29], $0x800  }
0x136: {  	[sflag:s29] =	ssyncset.done $0x0  }
0x137: {  	s1 =	simm.s32 $0x1280;
	[sflag:s29] =	ssyncadd.s32 $0xFFFFF800  }
0x138: {  	[tilespmem:s16], [sflag:$0x2] =	stream.indirect.gather [hbm4b:s4+s14], $0x10, s1, s14, $0xb8;
	[tilespmem:$0xA700] =	vst v63  }
0x139: {  	_ =	swait.ge [sflag:s21], $0x800  }
0x13a: {  	[sflag:s21] =	ssyncset.done $0x0  }
0x13b: {  	s1 =	simm.s32 $0x2500;
	[sflag:s21] =	ssyncadd.s32 $0xFFFFF800  }
0x13c: {  	[spmem:s2] =	stream.indirect.scatter.add.bf16 [tilespmem:s23], [sflag:$0x3], $0x10, s1, s14, $0xb8;
	[tilespmem:$0xA700] =	vst v63  }
0x13d: {  	_ =	swait.ge [sflag:s29], $0x800  }
0x13e: {  	[sflag:s29] =	ssyncset.done $0x0  }
0x13f: {  	[sflag:s29] =	ssyncadd.s32 $0xFFFFF800  }
0x140: {  	[tilespmem:s18], [sflag:$0x2] =	stream.indirect.gather [hbm4b:s4+s14], $0x10, s17, s14, $0xb8;
	[tilespmem:$0xA700] =	vst v63  }
0x141: {  	_ =	swait.ge [sflag:s21], $0x800  }
0x142: {  	[sflag:s21] =	ssyncset.done $0x0  }
0x143: {  	[sflag:s21] =	ssyncadd.s32 $0xFFFFF800  }
0x144: {  	[spmem:s2] =	stream.indirect.scatter.add.bf16 [tilespmem:s26], [sflag:$0x3], $0x10, s19, s14, $0xb8;
	[tilespmem:$0xA700] =	vst v63  }
0x145: {  	_ =	swait.ge [sflag:s29], $0x800  }
0x146: {  	[sflag:s29] =	ssyncset.done $0x0  }
0x147: {  	[sflag:s29] =	ssyncadd.s32 $0xFFFFF800  }
0x148: {  	[tilespmem:s20], [sflag:$0x2] =	stream.indirect.gather [hbm4b:s4+s14], $0x10, s22, s14, $0xb8;
	[tilespmem:$0xA700] =	vst v63  }
0x149: {  	_ =	swait.ge [sflag:s21], $0x800  }
0x14a: {  	[sflag:s21] =	ssyncset.done $0x0  }
0x14b: {  	[sflag:s21] =	ssyncadd.s32 $0xFFFFF800  }
0x14c: {  	[spmem:s2] =	stream.indirect.scatter.add.bf16 [tilespmem:s15], [sflag:$0x3], $0x10, s24, s14, $0xb8;
	[tilespmem:$0xA700] =	vst v63  }
0x14d: {  	_ =	swait.ge [sflag:s21], $0x800  }
0x14e: {  	[sflag:s21] =	ssyncset.done $0x0  }
0x14f: {  	[sflag:s21] =	ssyncadd.s32 $0xFFFFF800  }
0x150: {  	[spmem:s2] =	stream.indirect.scatter.add.bf16 [tilespmem:s16], [sflag:$0x3], $0x10, s25, s14, $0xb8;
	[tilespmem:$0xA700] =	vst v63  }
0x151: {  	_ =	swait.ge [sflag:s21], $0x800  }
0x152: {  	[sflag:s21] =	ssyncset.done $0x0  }
0x153: {  	[sflag:s21] =	ssyncadd.s32 $0xFFFFF800  }
0x154: {  	[spmem:s2] =	stream.indirect.scatter.add.bf16 [tilespmem:s18], [sflag:$0x3], $0x10, s28, s14, $0xb8;
	[tilespmem:$0xA700] =	vst v63  }
0x155: {  	_ =	swait.ge [sflag:s21], $0x800  }
0x156: {  	[sflag:s21] =	ssyncset.done $0x0  }
0x157: {  	[sflag:s21] =	ssyncadd.s32 $0xFFFFF800  }
0x158: {  	[spmem:s2] =	stream.indirect.scatter.add.bf16 [tilespmem:s20], [sflag:$0x3], $0x10, s30, s14, $0xb8;
	[tilespmem:$0xA700] =	vst v63  }
0x159: {  	_ =	swait.ge [sflag:s29], $0x800  }
0x15a: {  	[sflag:s29] =	ssyncset.done $0x0  }
0x15b: {  	[sflag:s29] =	ssyncadd.s32 $0xFFFFF800  }
0x15c: {  	_ =	swait.ge [sflag:s29], $0x800  }
0x15d: {  	[sflag:s29] =	ssyncset.done $0x0  }
0x15e: {  	[sflag:s29] =	ssyncadd.s32 $0xFFFFF800  }
0x15f: {  	_ =	swait.ge [sflag:s29], $0x800  }
0x160: {  	[sflag:s29] =	ssyncset.done $0x0  }
0x161: {  	[sflag:s29] =	ssyncadd.s32 $0xFFFFF800  }
0x162: {  	_ =	swait.ge [sflag:s29], $0x800  }
0x163: {  	[sflag:s29] =	ssyncset.done $0x0  }
0x164: {  	[sflag:s29] =	ssyncadd.s32 $0xFFFFF800  }
0x165: {  	_ =	swait.ge [sflag:s29], $0x800  }
0x166: {  	[sflag:s29] =	ssyncset.done $0x0  }
0x167: {  	[sflag:s29] =	ssyncadd.s32 $0xFFFFF800  }
0x168: {  	_ =	swait.ge [sflag:s29], $0x800  }
0x169: {  	[sflag:s29] =	ssyncset.done $0x0  }
0x16a: {  	[sflag:s29] =	ssyncadd.s32 $0xFFFFF800  }
0x16b: {  	[bflag:$0x0] =	sbarrier.arrive $0xFFFF  }
0x16c: {  	[tilespmem:s10], [sflag:$0x4] =	stream.linear.gather [spmem:s5], $0x2780, $0x38;
	[tilespmem:$0xA700] =	vst v63  }
0x16d: {  	s31 =	sadd.s32 $0x1, s31;
	_ =	swait.ge [sflag:s11], $0x2780  }
0x16e: {  	p0 =	sne.s32 s31, s9;
	[sflag:s11] =	ssyncset.done $0x0  }
.Ltmp1:
0x16f: {  	[sflag:s11] =	ssyncadd.s32 $0xFFFFD880;
	(pc) =	sbr.rel @p0 .LBB2_1-.Ltmp1, $4  }
0x170: {  	[hbm4b:s8+s3] =	stream.linear.scatter [tilespmem:s10], [sflag:$0x4], $0x2780, $0x38;
	[tilespmem:$0xA700] =	vst v63  }
0x171: {  	_ =	swait.ge [sflag:s11], $0x2780  }
0x172: {  	[sflag:s11] =	ssyncset.done $0x0  }
0x173: {  	[sflag:s11] =	ssyncadd.s32 $0xFFFFD880  }
0x174: {  	_ =	sfence.sel $0x180000  }
0x175: {  	[bflag:$0x0] =	sbarrier.arrive $0xFFFF  }
0x176: {  	_ =	strace $0x90000047  }
0x177: {  	s0 =	stileid.u32;
	[bflag:$0x2] =	sbarrier.arrive $0xFFFF  }
0x178: {  	p0 =	sne.s32 s0, $0x0;
	s0 =	rddreg [dreg:$0x3]  }
0x179: {  	s0 =	sadd.s32 @!p0 $0x100000, s0  }
0x17a: {  	[sflag:s0] =	ssyncadd.tile.s32 @!p0 $0x1;
	_ =	shalt  }
.Lfunc_end2:
_tile_overlayer_lowered:
.L_overlay_start_2:
0x17b: {  	(tag) =	ssettag $0x2  }
0x17c: {  	s0 =	rddreg [dreg:$0x0];
	s2 =	stileid.u32  }
0x17d: {  	s1 =	rddreg [dreg:$0x1];
	p0 =	sne.s32 s2, $0x0  }
0x17e: {  	s3 =	rddreg [dreg:$0x2];
	[bflag:$0x3] =	sbarrier.arrive $0xFFFF;
	s2 =	simm.s32 @!p0 $0x1C04  }
0x17f: {  	[timem:s3], [sflag:s2] =	dma.local @!p0 [hbm:s0], s1  }
0x180: {  	s0 =	simm.s32 @!p0 $0x4  }
0x181: {  	_ =	swait.ge @!p0 [sflag:s0], s1  }
0x182: {  	s1 =	ssub.s32 @!p0 $0x0, s1;
	[sflag:s0] =	ssyncset.done @!p0 $0x0  }
0x183: {  	[sflag:s0] =	ssyncadd.s32 @!p0 s1  }
0x184: {  	[bflag:$0x3] =	sbarrier.arrive $0xFFFF  }
0x185: {  	_ =	shalt  }

</sc_bundles>
